<compile_context>
chip_gen: v7x
topology: tpu7x:2x2x1
jax: 0.10.2.dev20260603
libtpu: 0.0.44.dev20260713+nightly
codegen_flags: <defaults>
</compile_context>

<pallas_src>
import jax
import jax.numpy as jnp
from jax import lax
from jax.experimental import pallas as pl
from jax.experimental.pallas import tpu as pltpu
from jax.experimental.pallas import tpu_sc as plsc

NUM_EMB = 1000000
DIM = 32
SEQ = 50
NTOK = 16384
B = NTOK * SEQ
NC, NS = 2, 16
NW = NC * NS
PER_W = B // NW
CW = 128
NCELL = PER_W // CW
TPC = NTOK // CW


def _transpose_cell(rows_q, trans_q, iota_lo, iota_hi):
    def tok(j8, carry):
        for u in range(8):
            j = j8 * 8 + u
            cj = jnp.full((16,), j, dtype=jnp.int32)
            v0 = rows_q[j, pl.ds(0, 16)]
            v1 = rows_q[j, pl.ds(16, 16)]
            plsc.store_scatter(trans_q, [iota_lo, cj], v0)
            plsc.store_scatter(trans_q, [iota_hi, cj], v1)
        return carry

    lax.fori_loop(0, CW // 8, tok, 0)


def _body(idx_hbm, table_hbm, out_hbm, idx_v, rows0, rows1, trans0, trans1,
          gsem, wsem):
    w = lax.axis_index("s") * NC + lax.axis_index("c")
    pltpu.sync_copy(idx_hbm.at[w], idx_v)
    iota_lo = jnp.arange(16, dtype=jnp.int32)
    iota_hi = iota_lo + 16
    rows = (rows0, rows1)
    trans = (trans0, trans1)

    def fire_gather(n, rows_q):
        pltpu.async_copy(table_hbm.at[idx_v.at[n]], rows_q, gsem)

    def drain_gather(rows_q):
        pltpu.make_async_copy(table_hbm.at[pl.ds(0, CW)], rows_q, gsem).wait()

    def fire_writes(n, trans_q):
        c = w * NCELL + n
        s = c // TPC
        tc = lax.rem(c, TPC)
        for tr in range(DIM // 8):
            pltpu.async_copy(trans_q.at[pl.ds(tr * 8, 8)],
                             out_hbm.at[s, tr, tc], wsem)

    def drain_writes(trans_q):
        for tr in range(DIM // 8):
            pltpu.make_async_copy(out_hbm.at[0, 0, 0],
                                  trans_q.at[pl.ds(tr * 8, 8)], wsem).wait()

    def cell(n, q, first, last):
        if not first:
            drain_writes(trans[q])
        drain_gather(rows[q])
        _transpose_cell(rows[q], trans[q], iota_lo, iota_hi)
        fire_writes(n, trans[q])
        if not last:
            fire_gather(n + 2, rows[q])

    fire_gather(0, rows0)
    fire_gather(1, rows1)
    cell(0, 0, first=True, last=False)
    cell(1, 1, first=True, last=False)

    def pair(p, carry):
        cell(2 * p, 0, first=False, last=False)
        cell(2 * p + 1, 1, first=False, last=False)
        return carry

    lax.fori_loop(1, NCELL // 2 - 1, pair, 0)

    cell(NCELL - 2, 0, first=False, last=True)
    cell(NCELL - 1, 1, first=False, last=True)
    drain_writes(trans0)
    drain_writes(trans1)


@jax.jit
def _gather(idx, table):
    mesh = plsc.VectorSubcoreMesh(core_axis_name="c", subcore_axis_name="s")
    return pl.kernel(
        _body,
        out_type=jax.ShapeDtypeStruct((SEQ, DIM // 8, TPC, 8, CW),
                                      jnp.float32),
        mesh=mesh,
        scratch_types=[
            pltpu.VMEM((NCELL, CW), jnp.int32),
            pltpu.VMEM((CW, DIM), jnp.float32),
            pltpu.VMEM((CW, DIM), jnp.float32),
            pltpu.VMEM((DIM, CW), jnp.float32),
            pltpu.VMEM((DIM, CW), jnp.float32),
            pltpu.SemaphoreType.DMA,
            pltpu.SemaphoreType.DMA,
        ],
        compiler_params=pltpu.CompilerParams(use_tc_tiling_on_sc=False,
                                             needs_layout_passes=False),
    )(idx, table)


def kernel(token_ids, embedding):
    idx = token_ids.T.reshape(NW, NCELL, CW).astype(jnp.int32)
    out5 = _gather(idx, embedding)
    return out5.transpose(2, 4, 0, 1, 3).reshape(NTOK, SEQ, DIM)

# --- scband reference (transcript-rebuilt; emitter-appended) ---
"""Pipeline reference for scband-embedding-2929167696374 (READ-ONLY COPY).

The authoritative reference and input builder live on the scoring server;
editing this copy changes nothing except your own understanding.
"""

import jax, jax.numpy as jnp
import numpy as np

NUM_EMBEDDINGS = 1000000
EMBEDDING_DIM = 32

def setup_inputs(seed: int = 0) -> dict:
    key = jax.random.key(seed)
    k_idx, k_emb = jax.random.split(key)
    token_ids = jax.random.randint(k_idx, (16384, 50), 0, NUM_EMBEDDINGS, dtype=jnp.int64 if jax.config.jax_enable_x64 else jnp.int32)
    # trunc_normal_(mean=0, std=0.05, a=-3, b=3): normal scaled by std, clipped to [a, b]
    embedding = jnp.clip(jax.random.normal(k_emb, (NUM_EMBEDDINGS, EMBEDDING_DIM), dtype=jnp.float32) * 0.05, -3.0, 3.0)
    return {"token_ids": token_ids, "embedding": embedding}

def reference(token_ids, embedding):
    # Faithful translation of: return self.embedding[token_ids]
    return jnp.take(embedding, token_ids, axis=0)

if __name__ == "__main__":
    import jax
    _d = setup_inputs()
    print(jax.jit(kernel)(*tuple(_d.values())))

</pallas_src>

<mosaic_0001>
#map = affine_map<(d0, d1) -> (0, 0, 0)>
#map1 = affine_map<(d0, d1) -> (0, 0)>
#map2 = affine_map<(d0, d1) -> (0, 0, 0, 0, 0)>
module attributes {stable_mosaic.version = 14 : i64} {
  func.func @_body(%arg0: i32, %arg1: i32, %arg2: memref<32x200x128xi32, #tpu.memory_space<hbm>>, %arg3: memref<1000000x32xf32, #tpu.memory_space<hbm>>, %arg4: memref<50x4x128x8x128xf32, #tpu.memory_space<hbm>>, %arg5: memref<200x128xi32, #tpu.memory_space<vmem>>, %arg6: memref<128x32xf32, #tpu.memory_space<vmem>>, %arg7: memref<128x32xf32, #tpu.memory_space<vmem>>, %arg8: memref<32x128xf32, #tpu.memory_space<vmem>>, %arg9: memref<32x128xf32, #tpu.memory_space<vmem>>, %arg10: memref<!tpu.dma_semaphore, #tpu.memory_space<semaphore_mem>>, %arg11: memref<!tpu.dma_semaphore, #tpu.memory_space<semaphore_mem>>) attributes {dimension_semantics = [#tpu.dimension_semantics<core_parallel>, #tpu.dimension_semantics<subcore_parallel>], iteration_bounds = array<i64: 2, 16>, scalar_prefetch = 0 : i64, scratch_operands = 7 : i64, tpu.core_type = #tpu.core_type<sc_vector_subcore>, window_params = [{transform_indices = #map}, {transform_indices = #map1}, {transform_indices = #map2}]} {
    %mul3A = arith.constant 2 : i32
    %mul3A_0 = arith.muli %arg1, %mul3A : i32
    %add3A = arith.addi %mul3A_0, %arg0 : i32
    "tpu.region"() ({
      %run_scoped3A = tpu.sem_alloc : memref<!tpu.dma_semaphore, #tpu.memory_space<semaphore_mem>>
      %dma_start3A_707 = arith.constant 0 : i32
      %dma_start3A_708 = arith.constant 0 : i32
      %dma_start3A_709 = tpu.memref_slice %arg2[%add3A, %dma_start3A_707, %dma_start3A_708] : memref<32x200x128xi32, #tpu.memory_space<hbm>> -> memref<1x200x128xi32, #tpu.memory_space<hbm>>
      %dma_start3A_710 = tpu.memref_squeeze %dma_start3A_709 : memref<1x200x128xi32, #tpu.memory_space<hbm>> -> memref<200x128xi32, #tpu.memory_space<hbm>>
      %dma_start3A_711 = arith.constant 0 : i32
      %dma_start3A_712 = arith.constant 0 : i32
      %dma_start3A_713 = tpu.memref_slice %arg2[%add3A, %dma_start3A_711, %dma_start3A_712] : memref<32x200x128xi32, #tpu.memory_space<hbm>> -> memref<1x200x128xi32, #tpu.memory_space<hbm>>
      %dma_start3A_714 = tpu.memref_squeeze %dma_start3A_713 : memref<1x200x128xi32, #tpu.memory_space<hbm>> -> memref<200x128xi32, #tpu.memory_space<hbm>>
      tpu.enqueue_dma source(%dma_start3A_714 : memref<200x128xi32, #tpu.memory_space<hbm>>) target(%arg5 : memref<200x128xi32, #tpu.memory_space<vmem>>) target_semaphore(%run_scoped3A : memref<!tpu.dma_semaphore, #tpu.memory_space<semaphore_mem>>)
      %dma_wait3A_715 = arith.constant 0 : i32
      %dma_wait3A_716 = arith.constant 0 : i32
      %dma_wait3A_717 = tpu.memref_slice %arg2[%add3A, %dma_wait3A_715, %dma_wait3A_716] : memref<32x200x128xi32, #tpu.memory_space<hbm>> -> memref<1x200x128xi32, #tpu.memory_space<hbm>>
      %dma_wait3A_718 = tpu.memref_squeeze %dma_wait3A_717 : memref<1x200x128xi32, #tpu.memory_space<hbm>> -> memref<200x128xi32, #tpu.memory_space<hbm>>
      %dma_wait3A_719 = arith.constant 0 : i32
      %dma_wait3A_720 = arith.constant 0 : i32
      %dma_wait3A_721 = tpu.memref_slice %arg2[%add3A, %dma_wait3A_719, %dma_wait3A_720] : memref<32x200x128xi32, #tpu.memory_space<hbm>> -> memref<1x200x128xi32, #tpu.memory_space<hbm>>
      %dma_wait3A_722 = tpu.memref_squeeze %dma_wait3A_721 : memref<1x200x128xi32, #tpu.memory_space<hbm>> -> memref<200x128xi32, #tpu.memory_space<hbm>>
      tpu.wait_dma2 semaphore(%run_scoped3A : memref<!tpu.dma_semaphore, #tpu.memory_space<semaphore_mem>>) src(%dma_wait3A_722 : memref<200x128xi32, #tpu.memory_space<hbm>>) dst(%arg5 : memref<200x128xi32, #tpu.memory_space<vmem>>)
      tpu.yield
    }) : () -> ()
    %iota3A = tpu.iota {dimensions = array<i32: 0>} : vector<16xi32>
    %add3A_1 = arith.constant 16 : i32
    %add3A_2 = vector.broadcast %add3A_1 : i32 to vector<16xi32>
    %add3A_3 = arith.addi %iota3A, %add3A_2 : vector<16xi32>
    %dma_start3A = arith.constant 0 : i32
    %dma_start3A_4 = arith.constant 0 : i32
    %dma_start3A_5 = tpu.memref_slice %arg5[%dma_start3A, %dma_start3A_4] : memref<200x128xi32, #tpu.memory_space<vmem>> -> memref<1x128xi32, #tpu.memory_space<vmem>>
    %dma_start3A_6 = tpu.memref_squeeze %dma_start3A_5 : memref<1x128xi32, #tpu.memory_space<vmem>> -> memref<128xi32, #tpu.memory_space<vmem>>
    %dma_start3A_7 = arith.constant 0 : i32
    %dma_start3A_8 = arith.constant 0 : i32
    %dma_start3A_9 = tpu.memref_slice %arg3[%dma_start3A_7, %dma_start3A_8] : memref<1000000x32xf32, #tpu.memory_space<hbm>> -> memref<1000000x32xf32, #tpu.memory_space<hbm>>
    tpu.enqueue_indirect_dma source(%dma_start3A_9 : memref<1000000x32xf32, #tpu.memory_space<hbm>>) target(%arg6 : memref<128x32xf32, #tpu.memory_space<vmem>>) offsets(%dma_start3A_6 : memref<128xi32, #tpu.memory_space<vmem>>) semaphore(%arg10 : memref<!tpu.dma_semaphore, #tpu.memory_space<semaphore_mem>>)
    %dma_start3A_10 = arith.constant 1 : i32
    %dma_start3A_11 = arith.constant 0 : i32
    %dma_start3A_12 = tpu.memref_slice %arg5[%dma_start3A_10, %dma_start3A_11] : memref<200x128xi32, #tpu.memory_space<vmem>> -> memref<1x128xi32, #tpu.memory_space<vmem>>
    %dma_start3A_13 = tpu.memref_squeeze %dma_start3A_12 : memref<1x128xi32, #tpu.memory_space<vmem>> -> memref<128xi32, #tpu.memory_space<vmem>>
    %dma_start3A_14 = arith.constant 0 : i32
    %dma_start3A_15 = arith.constant 0 : i32
    %dma_start3A_16 = tpu.memref_slice %arg3[%dma_start3A_14, %dma_start3A_15] : memref<1000000x32xf32, #tpu.memory_space<hbm>> -> memref<1000000x32xf32, #tpu.memory_space<hbm>>
    tpu.enqueue_indirect_dma source(%dma_start3A_16 : memref<1000000x32xf32, #tpu.memory_space<hbm>>) target(%arg7 : memref<128x32xf32, #tpu.memory_space<vmem>>) offsets(%dma_start3A_13 : memref<128xi32, #tpu.memory_space<vmem>>) semaphore(%arg10 : memref<!tpu.dma_semaphore, #tpu.memory_space<semaphore_mem>>)
    %dma_wait3A = arith.constant 0 : i32
    %dma_wait3A_17 = arith.constant 0 : i32
    %dma_wait3A_18 = tpu.memref_slice %arg3[%dma_wait3A, %dma_wait3A_17] : memref<1000000x32xf32, #tpu.memory_space<hbm>> -> memref<128x32xf32, #tpu.memory_space<hbm>>
    %dma_wait3A_19 = arith.constant 0 : i32
    %dma_wait3A_20 = arith.constant 0 : i32
    %dma_wait3A_21 = tpu.memref_slice %arg3[%dma_wait3A_19, %dma_wait3A_20] : memref<1000000x32xf32, #tpu.memory_space<hbm>> -> memref<128x32xf32, #tpu.memory_space<hbm>>
    tpu.wait_dma2 semaphore(%arg10 : memref<!tpu.dma_semaphore, #tpu.memory_space<semaphore_mem>>) src(%dma_wait3A_21 : memref<128x32xf32, #tpu.memory_space<hbm>>) dst(%arg6 : memref<128x32xf32, #tpu.memory_space<vmem>>)
    %scan3A = arith.constant 0 : i32
    %scan3A_22 = arith.constant 0 : i32
    %scan3A_23 = arith.constant 16 : i32
    %scan3A_24 = arith.addi %scan3A_22, %scan3A_23 : i32
    %scan3A_25 = arith.constant 1 : i32
    scf.for %scan3A_707 = %scan3A_22 to %scan3A_24 step %scan3A_25  : i32 {
      %mul3A_708 = arith.constant 8 : i32
      %mul3A_709 = arith.muli %scan3A_707, %mul3A_708 : i32
      %add3A_710 = arith.constant 0 : i32
      %add3A_711 = arith.addi %mul3A_709, %add3A_710 : i32
      %broadcast_in_dim3A = vector.broadcast %add3A_711 : i32 to vector<16xi32>
      %get3A = arith.index_cast %add3A_711 : i32 to index
      %get3A_712 = arith.constant 0 : index
      %get3A_713 = tpu.vector_load %arg6[%get3A, %get3A_712] {strides = array<i32>} : memref<128x32xf32, #tpu.memory_space<vmem>>, vector<16xf32>,
      %get3A_714 = arith.index_cast %add3A_711 : i32 to index
      %get3A_715 = arith.constant 16 : index
      %get3A_716 = tpu.vector_load %arg6[%get3A_714, %get3A_715] {strides = array<i32>} : memref<128x32xf32, #tpu.memory_space<vmem>>, vector<16xf32>,
      tpu.vector_store_idx %arg8[%iota3A, %broadcast_in_dim3A], %get3A_713 : memref<32x128xf32, #tpu.memory_space<vmem>>[vector<16xi32>, vector<16xi32>], vector<16xf32>,
      tpu.vector_store_idx %arg8[%add3A_3, %broadcast_in_dim3A], %get3A_716 : memref<32x128xf32, #tpu.memory_space<vmem>>[vector<16xi32>, vector<16xi32>], vector<16xf32>,
      %mul3A_717 = arith.constant 8 : i32
      %mul3A_718 = arith.muli %scan3A_707, %mul3A_717 : i32
      %add3A_719 = arith.constant 1 : i32
      %add3A_720 = arith.addi %mul3A_718, %add3A_719 : i32
      %broadcast_in_dim3A_721 = vector.broadcast %add3A_720 : i32 to vector<16xi32>
      %get3A_722 = arith.index_cast %add3A_720 : i32 to index
      %get3A_723 = arith.constant 0 : index
      %get3A_724 = tpu.vector_load %arg6[%get3A_722, %get3A_723] {strides = array<i32>} : memref<128x32xf32, #tpu.memory_space<vmem>>, vector<16xf32>,
      %get3A_725 = arith.index_cast %add3A_720 : i32 to index
      %get3A_726 = arith.constant 16 : index
      %get3A_727 = tpu.vector_load %arg6[%get3A_725, %get3A_726] {strides = array<i32>} : memref<128x32xf32, #tpu.memory_space<vmem>>, vector<16xf32>,
      tpu.vector_store_idx %arg8[%iota3A, %broadcast_in_dim3A_721], %get3A_724 : memref<32x128xf32, #tpu.memory_space<vmem>>[vector<16xi32>, vector<16xi32>], vector<16xf32>,
      tpu.vector_store_idx %arg8[%add3A_3, %broadcast_in_dim3A_721], %get3A_727 : memref<32x128xf32, #tpu.memory_space<vmem>>[vector<16xi32>, vector<16xi32>], vector<16xf32>,
      %mul3A_728 = arith.constant 8 : i32
      %mul3A_729 = arith.muli %scan3A_707, %mul3A_728 : i32
      %add3A_730 = arith.constant 2 : i32
      %add3A_731 = arith.addi %mul3A_729, %add3A_730 : i32
      %broadcast_in_dim3A_732 = vector.broadcast %add3A_731 : i32 to vector<16xi32>
      %get3A_733 = arith.index_cast %add3A_731 : i32 to index
      %get3A_734 = arith.constant 0 : index
      %get3A_735 = tpu.vector_load %arg6[%get3A_733, %get3A_734] {strides = array<i32>} : memref<128x32xf32, #tpu.memory_space<vmem>>, vector<16xf32>,
      %get3A_736 = arith.index_cast %add3A_731 : i32 to index
      %get3A_737 = arith.constant 16 : index
      %get3A_738 = tpu.vector_load %arg6[%get3A_736, %get3A_737] {strides = array<i32>} : memref<128x32xf32, #tpu.memory_space<vmem>>, vector<16xf32>,
      tpu.vector_store_idx %arg8[%iota3A, %broadcast_in_dim3A_732], %get3A_735 : memref<32x128xf32, #tpu.memory_space<vmem>>[vector<16xi32>, vector<16xi32>], vector<16xf32>,
      tpu.vector_store_idx %arg8[%add3A_3, %broadcast_in_dim3A_732], %get3A_738 : memref<32x128xf32, #tpu.memory_space<vmem>>[vector<16xi32>, vector<16xi32>], vector<16xf32>,
      %mul3A_739 = arith.constant 8 : i32
      %mul3A_740 = arith.muli %scan3A_707, %mul3A_739 : i32
      %add3A_741 = arith.constant 3 : i32
      %add3A_742 = arith.addi %mul3A_740, %add3A_741 : i32
      %broadcast_in_dim3A_743 = vector.broadcast %add3A_742 : i32 to vector<16xi32>
      %get3A_744 = arith.index_cast %add3A_742 : i32 to index
      %get3A_745 = arith.constant 0 : index
      %get3A_746 = tpu.vector_load %arg6[%get3A_744, %get3A_745] {strides = array<i32>} : memref<128x32xf32, #tpu.memory_space<vmem>>, vector<16xf32>,
      %get3A_747 = arith.index_cast %add3A_742 : i32 to index
      %get3A_748 = arith.constant 16 : index
      %get3A_749 = tpu.vector_load %arg6[%get3A_747, %get3A_748] {strides = array<i32>} : memref<128x32xf32, #tpu.memory_space<vmem>>, vector<16xf32>,
      tpu.vector_store_idx %arg8[%iota3A, %broadcast_in_dim3A_743], %get3A_746 : memref<32x128xf32, #tpu.memory_space<vmem>>[vector<16xi32>, vector<16xi32>], vector<16xf32>,
      tpu.vector_store_idx %arg8[%add3A_3, %broadcast_in_dim3A_743], %get3A_749 : memref<32x128xf32, #tpu.memory_space<vmem>>[vector<16xi32>, vector<16xi32>], vector<16xf32>,
      %mul3A_750 = arith.constant 8 : i32
      %mul3A_751 = arith.muli %scan3A_707, %mul3A_750 : i32
      %add3A_752 = arith.constant 4 : i32
      %add3A_753 = arith.addi %mul3A_751, %add3A_752 : i32
      %broadcast_in_dim3A_754 = vector.broadcast %add3A_753 : i32 to vector<16xi32>
      %get3A_755 = arith.index_cast %add3A_753 : i32 to index
      %get3A_756 = arith.constant 0 : index
      %get3A_757 = tpu.vector_load %arg6[%get3A_755, %get3A_756] {strides = array<i32>} : memref<128x32xf32, #tpu.memory_space<vmem>>, vector<16xf32>,
      %get3A_758 = arith.index_cast %add3A_753 : i32 to index
      %get3A_759 = arith.constant 16 : index
      %get3A_760 = tpu.vector_load %arg6[%get3A_758, %get3A_759] {strides = array<i32>} : memref<128x32xf32, #tpu.memory_space<vmem>>, vector<16xf32>,
      tpu.vector_store_idx %arg8[%iota3A, %broadcast_in_dim3A_754], %get3A_757 : memref<32x128xf32, #tpu.memory_space<vmem>>[vector<16xi32>, vector<16xi32>], vector<16xf32>,
      tpu.vector_store_idx %arg8[%add3A_3, %broadcast_in_dim3A_754], %get3A_760 : memref<32x128xf32, #tpu.memory_space<vmem>>[vector<16xi32>, vector<16xi32>], vector<16xf32>,
      %mul3A_761 = arith.constant 8 : i32
      %mul3A_762 = arith.muli %scan3A_707, %mul3A_761 : i32
      %add3A_763 = arith.constant 5 : i32
      %add3A_764 = arith.addi %mul3A_762, %add3A_763 : i32
      %broadcast_in_dim3A_765 = vector.broadcast %add3A_764 : i32 to vector<16xi32>
      %get3A_766 = arith.index_cast %add3A_764 : i32 to index
      %get3A_767 = arith.constant 0 : index
      %get3A_768 = tpu.vector_load %arg6[%get3A_766, %get3A_767] {strides = array<i32>} : memref<128x32xf32, #tpu.memory_space<vmem>>, vector<16xf32>,
      %get3A_769 = arith.index_cast %add3A_764 : i32 to index
      %get3A_770 = arith.constant 16 : index
      %get3A_771 = tpu.vector_load %arg6[%get3A_769, %get3A_770] {strides = array<i32>} : memref<128x32xf32, #tpu.memory_space<vmem>>, vector<16xf32>,
      tpu.vector_store_idx %arg8[%iota3A, %broadcast_in_dim3A_765], %get3A_768 : memref<32x128xf32, #tpu.memory_space<vmem>>[vector<16xi32>, vector<16xi32>], vector<16xf32>,
      tpu.vector_store_idx %arg8[%add3A_3, %broadcast_in_dim3A_765], %get3A_771 : memref<32x128xf32, #tpu.memory_space<vmem>>[vector<16xi32>, vector<16xi32>], vector<16xf32>,
      %mul3A_772 = arith.constant 8 : i32
      %mul3A_773 = arith.muli %scan3A_707, %mul3A_772 : i32
      %add3A_774 = arith.constant 6 : i32
      %add3A_775 = arith.addi %mul3A_773, %add3A_774 : i32
      %broadcast_in_dim3A_776 = vector.broadcast %add3A_775 : i32 to vector<16xi32>
      %get3A_777 = arith.index_cast %add3A_775 : i32 to index
      %get3A_778 = arith.constant 0 : index
      %get3A_779 = tpu.vector_load %arg6[%get3A_777, %get3A_778] {strides = array<i32>} : memref<128x32xf32, #tpu.memory_space<vmem>>, vector<16xf32>,
      %get3A_780 = arith.index_cast %add3A_775 : i32 to index
      %get3A_781 = arith.constant 16 : index
      %get3A_782 = tpu.vector_load %arg6[%get3A_780, %get3A_781] {strides = array<i32>} : memref<128x32xf32, #tpu.memory_space<vmem>>, vector<16xf32>,
      tpu.vector_store_idx %arg8[%iota3A, %broadcast_in_dim3A_776], %get3A_779 : memref<32x128xf32, #tpu.memory_space<vmem>>[vector<16xi32>, vector<16xi32>], vector<16xf32>,
      tpu.vector_store_idx %arg8[%add3A_3, %broadcast_in_dim3A_776], %get3A_782 : memref<32x128xf32, #tpu.memory_space<vmem>>[vector<16xi32>, vector<16xi32>], vector<16xf32>,
      %mul3A_783 = arith.constant 8 : i32
      %mul3A_784 = arith.muli %scan3A_707, %mul3A_783 : i32
      %add3A_785 = arith.constant 7 : i32
      %add3A_786 = arith.addi %mul3A_784, %add3A_785 : i32
      %broadcast_in_dim3A_787 = vector.broadcast %add3A_786 : i32 to vector<16xi32>
      %get3A_788 = arith.index_cast %add3A_786 : i32 to index
      %get3A_789 = arith.constant 0 : index
      %get3A_790 = tpu.vector_load %arg6[%get3A_788, %get3A_789] {strides = array<i32>} : memref<128x32xf32, #tpu.memory_space<vmem>>, vector<16xf32>,
      %get3A_791 = arith.index_cast %add3A_786 : i32 to index
      %get3A_792 = arith.constant 16 : index
      %get3A_793 = tpu.vector_load %arg6[%get3A_791, %get3A_792] {strides = array<i32>} : memref<128x32xf32, #tpu.memory_space<vmem>>, vector<16xf32>,
      tpu.vector_store_idx %arg8[%iota3A, %broadcast_in_dim3A_787], %get3A_790 : memref<32x128xf32, #tpu.memory_space<vmem>>[vector<16xi32>, vector<16xi32>], vector<16xf32>,
      tpu.vector_store_idx %arg8[%add3A_3, %broadcast_in_dim3A_787], %get3A_793 : memref<32x128xf32, #tpu.memory_space<vmem>>[vector<16xi32>, vector<16xi32>], vector<16xf32>,
    }
    %scan3A_26 = arith.constant 16 : i32
    %mul3A_27 = arith.constant 200 : i32
    %mul3A_28 = arith.muli %add3A, %mul3A_27 : i32
    %add3A_29 = arith.constant 0 : i32
    %add3A_30 = arith.addi %mul3A_28, %add3A_29 : i32
    %jit3A = arith.constant 128 : i32
    %div3A = arith.divsi %add3A_30, %jit3A : i32
    %sign3A = arith.constant 0 : i32
    %sign3A_31 = arith.cmpi sgt, %add3A_30, %sign3A : i32
    %sign3A_32 = arith.extui %sign3A_31 : i1 to i32
    %sign3A_33 = arith.constant 0 : i32
    %sign3A_34 = arith.cmpi slt, %add3A_30, %sign3A_33 : i32
    %sign3A_35 = arith.extui %sign3A_34 : i1 to i32
    %sign3A_36 = arith.subi %sign3A_32, %sign3A_35 : i32
    %sign3A_37 = arith.constant 0 : i32
    %sign3A_38 = arith.cmpi sgt, %jit3A, %sign3A_37 : i32
    %sign3A_39 = arith.extui %sign3A_38 : i1 to i32
    %sign3A_40 = arith.constant 0 : i32
    %sign3A_41 = arith.cmpi slt, %jit3A, %sign3A_40 : i32
    %sign3A_42 = arith.extui %sign3A_41 : i1 to i32
    %sign3A_43 = arith.subi %sign3A_39, %sign3A_42 : i32
    %ne3A = arith.cmpi ne, %sign3A_36, %sign3A_43 : i32
    %rem3A = arith.remsi %add3A_30, %jit3A : i32
    %ne3A_44 = arith.constant 0 : i32
    %ne3A_45 = arith.cmpi ne, %rem3A, %ne3A_44 : i32
    %and3A = arith.andi %ne3A, %ne3A_45 : i1
    %sub3A = arith.constant 1 : i32
    %sub3A_46 = arith.subi %div3A, %sub3A : i32
    %select_n3A = arith.select %and3A, %sub3A_46, %div3A : i32
    %rem3A_47 = arith.constant 128 : i32
    %rem3A_48 = arith.remsi %add3A_30, %rem3A_47 : i32
    %dma_start3A_49 = arith.constant 0 : i32
    %dma_start3A_50 = arith.constant 0 : i32
    %dma_start3A_51 = arith.constant 0 : i32
    %dma_start3A_52 = tpu.memref_slice %arg8[%dma_start3A_50, %dma_start3A_51] : memref<32x128xf32, #tpu.memory_space<vmem>> -> memref<8x128xf32, #tpu.memory_space<vmem>>
    %dma_start3A_53 = arith.constant 0 : i32
    %dma_start3A_54 = arith.constant 0 : i32
    %dma_start3A_55 = tpu.memref_slice %arg4[%select_n3A, %dma_start3A_49, %rem3A_48, %dma_start3A_53, %dma_start3A_54] : memref<50x4x128x8x128xf32, #tpu.memory_space<hbm>> -> memref<1x1x1x8x128xf32, #tpu.memory_space<hbm>>
    %dma_start3A_56 = tpu.memref_squeeze %dma_start3A_55 : memref<1x1x1x8x128xf32, #tpu.memory_space<hbm>> -> memref<8x128xf32, #tpu.memory_space<hbm>>
    %dma_start3A_57 = arith.constant 0 : i32
    %dma_start3A_58 = arith.constant 0 : i32
    %dma_start3A_59 = tpu.memref_slice %arg4[%select_n3A, %dma_start3A_49, %rem3A_48, %dma_start3A_57, %dma_start3A_58] : memref<50x4x128x8x128xf32, #tpu.memory_space<hbm>> -> memref<1x1x1x8x128xf32, #tpu.memory_space<hbm>>
    %dma_start3A_60 = tpu.memref_squeeze %dma_start3A_59 : memref<1x1x1x8x128xf32, #tpu.memory_space<hbm>> -> memref<8x128xf32, #tpu.memory_space<hbm>>
    %dma_start3A_61 = arith.constant 0 : i32
    %dma_start3A_62 = arith.constant 0 : i32
    %dma_start3A_63 = tpu.memref_slice %arg8[%dma_start3A_61, %dma_start3A_62] : memref<32x128xf32, #tpu.memory_space<vmem>> -> memref<8x128xf32, #tpu.memory_space<vmem>>
    tpu.enqueue_dma source(%dma_start3A_63 : memref<8x128xf32, #tpu.memory_space<vmem>>) target(%dma_start3A_60 : memref<8x128xf32, #tpu.memory_space<hbm>>) target_semaphore(%arg11 : memref<!tpu.dma_semaphore, #tpu.memory_space<semaphore_mem>>)
    %dma_start3A_64 = arith.constant 1 : i32
    %dma_start3A_65 = arith.constant 8 : i32
    %dma_start3A_66 = arith.constant 0 : i32
    %dma_start3A_67 = tpu.memref_slice %arg8[%dma_start3A_65, %dma_start3A_66] : memref<32x128xf32, #tpu.memory_space<vmem>> -> memref<8x128xf32, #tpu.memory_space<vmem>>
    %dma_start3A_68 = arith.constant 0 : i32
    %dma_start3A_69 = arith.constant 0 : i32
    %dma_start3A_70 = tpu.memref_slice %arg4[%select_n3A, %dma_start3A_64, %rem3A_48, %dma_start3A_68, %dma_start3A_69] : memref<50x4x128x8x128xf32, #tpu.memory_space<hbm>> -> memref<1x1x1x8x128xf32, #tpu.memory_space<hbm>>
    %dma_start3A_71 = tpu.memref_squeeze %dma_start3A_70 : memref<1x1x1x8x128xf32, #tpu.memory_space<hbm>> -> memref<8x128xf32, #tpu.memory_space<hbm>>
    %dma_start3A_72 = arith.constant 0 : i32
    %dma_start3A_73 = arith.constant 0 : i32
    %dma_start3A_74 = tpu.memref_slice %arg4[%select_n3A, %dma_start3A_64, %rem3A_48, %dma_start3A_72, %dma_start3A_73] : memref<50x4x128x8x128xf32, #tpu.memory_space<hbm>> -> memref<1x1x1x8x128xf32, #tpu.memory_space<hbm>>
    %dma_start3A_75 = tpu.memref_squeeze %dma_start3A_74 : memref<1x1x1x8x128xf32, #tpu.memory_space<hbm>> -> memref<8x128xf32, #tpu.memory_space<hbm>>
    %dma_start3A_76 = arith.constant 8 : i32
    %dma_start3A_77 = arith.constant 0 : i32
    %dma_start3A_78 = tpu.memref_slice %arg8[%dma_start3A_76, %dma_start3A_77] : memref<32x128xf32, #tpu.memory_space<vmem>> -> memref<8x128xf32, #tpu.memory_space<vmem>>
    tpu.enqueue_dma source(%dma_start3A_78 : memref<8x128xf32, #tpu.memory_space<vmem>>) target(%dma_start3A_75 : memref<8x128xf32, #tpu.memory_space<hbm>>) target_semaphore(%arg11 : memref<!tpu.dma_semaphore, #tpu.memory_space<semaphore_mem>>)
    %dma_start3A_79 = arith.constant 2 : i32
    %dma_start3A_80 = arith.constant 16 : i32
    %dma_start3A_81 = arith.constant 0 : i32
    %dma_start3A_82 = tpu.memref_slice %arg8[%dma_start3A_80, %dma_start3A_81] : memref<32x128xf32, #tpu.memory_space<vmem>> -> memref<8x128xf32, #tpu.memory_space<vmem>>
    %dma_start3A_83 = arith.constant 0 : i32
    %dma_start3A_84 = arith.constant 0 : i32
    %dma_start3A_85 = tpu.memref_slice %arg4[%select_n3A, %dma_start3A_79, %rem3A_48, %dma_start3A_83, %dma_start3A_84] : memref<50x4x128x8x128xf32, #tpu.memory_space<hbm>> -> memref<1x1x1x8x128xf32, #tpu.memory_space<hbm>>
    %dma_start3A_86 = tpu.memref_squeeze %dma_start3A_85 : memref<1x1x1x8x128xf32, #tpu.memory_space<hbm>> -> memref<8x128xf32, #tpu.memory_space<hbm>>
    %dma_start3A_87 = arith.constant 0 : i32
    %dma_start3A_88 = arith.constant 0 : i32
    %dma_start3A_89 = tpu.memref_slice %arg4[%select_n3A, %dma_start3A_79, %rem3A_48, %dma_start3A_87, %dma_start3A_88] : memref<50x4x128x8x128xf32, #tpu.memory_space<hbm>> -> memref<1x1x1x8x128xf32, #tpu.memory_space<hbm>>
    %dma_start3A_90 = tpu.memref_squeeze %dma_start3A_89 : memref<1x1x1x8x128xf32, #tpu.memory_space<hbm>> -> memref<8x128xf32, #tpu.memory_space<hbm>>
    %dma_start3A_91 = arith.constant 16 : i32
    %dma_start3A_92 = arith.constant 0 : i32
    %dma_start3A_93 = tpu.memref_slice %arg8[%dma_start3A_91, %dma_start3A_92] : memref<32x128xf32, #tpu.memory_space<vmem>> -> memref<8x128xf32, #tpu.memory_space<vmem>>
    tpu.enqueue_dma source(%dma_start3A_93 : memref<8x128xf32, #tpu.memory_space<vmem>>) target(%dma_start3A_90 : memref<8x128xf32, #tpu.memory_space<hbm>>) target_semaphore(%arg11 : memref<!tpu.dma_semaphore, #tpu.memory_space<semaphore_mem>>)
    %dma_start3A_94 = arith.constant 3 : i32
    %dma_start3A_95 = arith.constant 24 : i32
    %dma_start3A_96 = arith.constant 0 : i32
    %dma_start3A_97 = tpu.memref_slice %arg8[%dma_start3A_95, %dma_start3A_96] : memref<32x128xf32, #tpu.memory_space<vmem>> -> memref<8x128xf32, #tpu.memory_space<vmem>>
    %dma_start3A_98 = arith.constant 0 : i32
    %dma_start3A_99 = arith.constant 0 : i32
    %dma_start3A_100 = tpu.memref_slice %arg4[%select_n3A, %dma_start3A_94, %rem3A_48, %dma_start3A_98, %dma_start3A_99] : memref<50x4x128x8x128xf32, #tpu.memory_space<hbm>> -> memref<1x1x1x8x128xf32, #tpu.memory_space<hbm>>
    %dma_start3A_101 = tpu.memref_squeeze %dma_start3A_100 : memref<1x1x1x8x128xf32, #tpu.memory_space<hbm>> -> memref<8x128xf32, #tpu.memory_space<hbm>>
    %dma_start3A_102 = arith.constant 0 : i32
    %dma_start3A_103 = arith.constant 0 : i32
    %dma_start3A_104 = tpu.memref_slice %arg4[%select_n3A, %dma_start3A_94, %rem3A_48, %dma_start3A_102, %dma_start3A_103] : memref<50x4x128x8x128xf32, #tpu.memory_space<hbm>> -> memref<1x1x1x8x128xf32, #tpu.memory_space<hbm>>
    %dma_start3A_105 = tpu.memref_squeeze %dma_start3A_104 : memref<1x1x1x8x128xf32, #tpu.memory_space<hbm>> -> memref<8x128xf32, #tpu.memory_space<hbm>>
    %dma_start3A_106 = arith.constant 24 : i32
    %dma_start3A_107 = arith.constant 0 : i32
    %dma_start3A_108 = tpu.memref_slice %arg8[%dma_start3A_106, %dma_start3A_107] : memref<32x128xf32, #tpu.memory_space<vmem>> -> memref<8x128xf32, #tpu.memory_space<vmem>>
    tpu.enqueue_dma source(%dma_start3A_108 : memref<8x128xf32, #tpu.memory_space<vmem>>) target(%dma_start3A_105 : memref<8x128xf32, #tpu.memory_space<hbm>>) target_semaphore(%arg11 : memref<!tpu.dma_semaphore, #tpu.memory_space<semaphore_mem>>)
    %dma_start3A_109 = arith.constant 2 : i32
    %dma_start3A_110 = arith.constant 0 : i32
    %dma_start3A_111 = tpu.memref_slice %arg5[%dma_start3A_109, %dma_start3A_110] : memref<200x128xi32, #tpu.memory_space<vmem>> -> memref<1x128xi32, #tpu.memory_space<vmem>>
    %dma_start3A_112 = tpu.memref_squeeze %dma_start3A_111 : memref<1x128xi32, #tpu.memory_space<vmem>> -> memref<128xi32, #tpu.memory_space<vmem>>
    %dma_start3A_113 = arith.constant 0 : i32
    %dma_start3A_114 = arith.constant 0 : i32
    %dma_start3A_115 = tpu.memref_slice %arg3[%dma_start3A_113, %dma_start3A_114] : memref<1000000x32xf32, #tpu.memory_space<hbm>> -> memref<1000000x32xf32, #tpu.memory_space<hbm>>
    tpu.enqueue_indirect_dma source(%dma_start3A_115 : memref<1000000x32xf32, #tpu.memory_space<hbm>>) target(%arg6 : memref<128x32xf32, #tpu.memory_space<vmem>>) offsets(%dma_start3A_112 : memref<128xi32, #tpu.memory_space<vmem>>) semaphore(%arg10 : memref<!tpu.dma_semaphore, #tpu.memory_space<semaphore_mem>>)
    %dma_wait3A_116 = arith.constant 0 : i32
    %dma_wait3A_117 = arith.constant 0 : i32
    %dma_wait3A_118 = tpu.memref_slice %arg3[%dma_wait3A_116, %dma_wait3A_117] : memref<1000000x32xf32, #tpu.memory_space<hbm>> -> memref<128x32xf32, #tpu.memory_space<hbm>>
    %dma_wait3A_119 = arith.constant 0 : i32
    %dma_wait3A_120 = arith.constant 0 : i32
    %dma_wait3A_121 = tpu.memref_slice %arg3[%dma_wait3A_119, %dma_wait3A_120] : memref<1000000x32xf32, #tpu.memory_space<hbm>> -> memref<128x32xf32, #tpu.memory_space<hbm>>
    tpu.wait_dma2 semaphore(%arg10 : memref<!tpu.dma_semaphore, #tpu.memory_space<semaphore_mem>>) src(%dma_wait3A_121 : memref<128x32xf32, #tpu.memory_space<hbm>>) dst(%arg7 : memref<128x32xf32, #tpu.memory_space<vmem>>)
    %scan3A_122 = arith.constant 0 : i32
    %scan3A_123 = arith.constant 0 : i32
    %scan3A_124 = arith.constant 16 : i32
    %scan3A_125 = arith.addi %scan3A_123, %scan3A_124 : i32
    %scan3A_126 = arith.constant 1 : i32
    scf.for %scan3A_707 = %scan3A_123 to %scan3A_125 step %scan3A_126  : i32 {
      %mul3A_708 = arith.constant 8 : i32
      %mul3A_709 = arith.muli %scan3A_707, %mul3A_708 : i32
      %add3A_710 = arith.constant 0 : i32
      %add3A_711 = arith.addi %mul3A_709, %add3A_710 : i32
      %broadcast_in_dim3A = vector.broadcast %add3A_711 : i32 to vector<16xi32>
      %get3A = arith.index_cast %add3A_711 : i32 to index
      %get3A_712 = arith.constant 0 : index
      %get3A_713 = tpu.vector_load %arg7[%get3A, %get3A_712] {strides = array<i32>} : memref<128x32xf32, #tpu.memory_space<vmem>>, vector<16xf32>,
      %get3A_714 = arith.index_cast %add3A_711 : i32 to index
      %get3A_715 = arith.constant 16 : index
      %get3A_716 = tpu.vector_load %arg7[%get3A_714, %get3A_715] {strides = array<i32>} : memref<128x32xf32, #tpu.memory_space<vmem>>, vector<16xf32>,
      tpu.vector_store_idx %arg9[%iota3A, %broadcast_in_dim3A], %get3A_713 : memref<32x128xf32, #tpu.memory_space<vmem>>[vector<16xi32>, vector<16xi32>], vector<16xf32>,
      tpu.vector_store_idx %arg9[%add3A_3, %broadcast_in_dim3A], %get3A_716 : memref<32x128xf32, #tpu.memory_space<vmem>>[vector<16xi32>, vector<16xi32>], vector<16xf32>,
      %mul3A_717 = arith.constant 8 : i32
      %mul3A_718 = arith.muli %scan3A_707, %mul3A_717 : i32
      %add3A_719 = arith.constant 1 : i32
      %add3A_720 = arith.addi %mul3A_718, %add3A_719 : i32
      %broadcast_in_dim3A_721 = vector.broadcast %add3A_720 : i32 to vector<16xi32>
      %get3A_722 = arith.index_cast %add3A_720 : i32 to index
      %get3A_723 = arith.constant 0 : index
      %get3A_724 = tpu.vector_load %arg7[%get3A_722, %get3A_723] {strides = array<i32>} : memref<128x32xf32, #tpu.memory_space<vmem>>, vector<16xf32>,
      %get3A_725 = arith.index_cast %add3A_720 : i32 to index
      %get3A_726 = arith.constant 16 : index
      %get3A_727 = tpu.vector_load %arg7[%get3A_725, %get3A_726] {strides = array<i32>} : memref<128x32xf32, #tpu.memory_space<vmem>>, vector<16xf32>,
      tpu.vector_store_idx %arg9[%iota3A, %broadcast_in_dim3A_721], %get3A_724 : memref<32x128xf32, #tpu.memory_space<vmem>>[vector<16xi32>, vector<16xi32>], vector<16xf32>,
      tpu.vector_store_idx %arg9[%add3A_3, %broadcast_in_dim3A_721], %get3A_727 : memref<32x128xf32, #tpu.memory_space<vmem>>[vector<16xi32>, vector<16xi32>], vector<16xf32>,
      %mul3A_728 = arith.constant 8 : i32
      %mul3A_729 = arith.muli %scan3A_707, %mul3A_728 : i32
      %add3A_730 = arith.constant 2 : i32
      %add3A_731 = arith.addi %mul3A_729, %add3A_730 : i32
      %broadcast_in_dim3A_732 = vector.broadcast %add3A_731 : i32 to vector<16xi32>
      %get3A_733 = arith.index_cast %add3A_731 : i32 to index
      %get3A_734 = arith.constant 0 : index
      %get3A_735 = tpu.vector_load %arg7[%get3A_733, %get3A_734] {strides = array<i32>} : memref<128x32xf32, #tpu.memory_space<vmem>>, vector<16xf32>,
      %get3A_736 = arith.index_cast %add3A_731 : i32 to index
      %get3A_737 = arith.constant 16 : index
      %get3A_738 = tpu.vector_load %arg7[%get3A_736, %get3A_737] {strides = array<i32>} : memref<128x32xf32, #tpu.memory_space<vmem>>, vector<16xf32>,
      tpu.vector_store_idx %arg9[%iota3A, %broadcast_in_dim3A_732], %get3A_735 : memref<32x128xf32, #tpu.memory_space<vmem>>[vector<16xi32>, vector<16xi32>], vector<16xf32>,
      tpu.vector_store_idx %arg9[%add3A_3, %broadcast_in_dim3A_732], %get3A_738 : memref<32x128xf32, #tpu.memory_space<vmem>>[vector<16xi32>, vector<16xi32>], vector<16xf32>,
      %mul3A_739 = arith.constant 8 : i32
      %mul3A_740 = arith.muli %scan3A_707, %mul3A_739 : i32
      %add3A_741 = arith.constant 3 : i32
      %add3A_742 = arith.addi %mul3A_740, %add3A_741 : i32
      %broadcast_in_dim3A_743 = vector.broadcast %add3A_742 : i32 to vector<16xi32>
      %get3A_744 = arith.index_cast %add3A_742 : i32 to index
      %get3A_745 = arith.constant 0 : index
      %get3A_746 = tpu.vector_load %arg7[%get3A_744, %get3A_745] {strides = array<i32>} : memref<128x32xf32, #tpu.memory_space<vmem>>, vector<16xf32>,
      %get3A_747 = arith.index_cast %add3A_742 : i32 to index
      %get3A_748 = arith.constant 16 : index
      %get3A_749 = tpu.vector_load %arg7[%get3A_747, %get3A_748] {strides = array<i32>} : memref<128x32xf32, #tpu.memory_space<vmem>>, vector<16xf32>,
      tpu.vector_store_idx %arg9[%iota3A, %broadcast_in_dim3A_743], %get3A_746 : memref<32x128xf32, #tpu.memory_space<vmem>>[vector<16xi32>, vector<16xi32>], vector<16xf32>,
      tpu.vector_store_idx %arg9[%add3A_3, %broadcast_in_dim3A_743], %get3A_749 : memref<32x128xf32, #tpu.memory_space<vmem>>[vector<16xi32>, vector<16xi32>], vector<16xf32>,
      %mul3A_750 = arith.constant 8 : i32
      %mul3A_751 = arith.muli %scan3A_707, %mul3A_750 : i32
      %add3A_752 = arith.constant 4 : i32
      %add3A_753 = arith.addi %mul3A_751, %add3A_752 : i32
      %broadcast_in_dim3A_754 = vector.broadcast %add3A_753 : i32 to vector<16xi32>
      %get3A_755 = arith.index_cast %add3A_753 : i32 to index
      %get3A_756 = arith.constant 0 : index
      %get3A_757 = tpu.vector_load %arg7[%get3A_755, %get3A_756] {strides = array<i32>} : memref<128x32xf32, #tpu.memory_space<vmem>>, vector<16xf32>,
      %get3A_758 = arith.index_cast %add3A_753 : i32 to index
      %get3A_759 = arith.constant 16 : index
      %get3A_760 = tpu.vector_load %arg7[%get3A_758, %get3A_759] {strides = array<i32>} : memref<128x32xf32, #tpu.memory_space<vmem>>, vector<16xf32>,
      tpu.vector_store_idx %arg9[%iota3A, %broadcast_in_dim3A_754], %get3A_757 : memref<32x128xf32, #tpu.memory_space<vmem>>[vector<16xi32>, vector<16xi32>], vector<16xf32>,
      tpu.vector_store_idx %arg9[%add3A_3, %broadcast_in_dim3A_754], %get3A_760 : memref<32x128xf32, #tpu.memory_space<vmem>>[vector<16xi32>, vector<16xi32>], vector<16xf32>,
      %mul3A_761 = arith.constant 8 : i32
      %mul3A_762 = arith.muli %scan3A_707, %mul3A_761 : i32
      %add3A_763 = arith.constant 5 : i32
      %add3A_764 = arith.addi %mul3A_762, %add3A_763 : i32
      %broadcast_in_dim3A_765 = vector.broadcast %add3A_764 : i32 to vector<16xi32>
      %get3A_766 = arith.index_cast %add3A_764 : i32 to index
      %get3A_767 = arith.constant 0 : index
      %get3A_768 = tpu.vector_load %arg7[%get3A_766, %get3A_767] {strides = array<i32>} : memref<128x32xf32, #tpu.memory_space<vmem>>, vector<16xf32>,
      %get3A_769 = arith.index_cast %add3A_764 : i32 to index
      %get3A_770 = arith.constant 16 : index
      %get3A_771 = tpu.vector_load %arg7[%get3A_769, %get3A_770] {strides = array<i32>} : memref<128x32xf32, #tpu.memory_space<vmem>>, vector<16xf32>,
      tpu.vector_store_idx %arg9[%iota3A, %broadcast_in_dim3A_765], %get3A_768 : memref<32x128xf32, #tpu.memory_space<vmem>>[vector<16xi32>, vector<16xi32>], vector<16xf32>,
      tpu.vector_store_idx %arg9[%add3A_3, %broadcast_in_dim3A_765], %get3A_771 : memref<32x128xf32, #tpu.memory_space<vmem>>[vector<16xi32>, vector<16xi32>], vector<16xf32>,
      %mul3A_772 = arith.constant 8 : i32
      %mul3A_773 = arith.muli %scan3A_707, %mul3A_772 : i32
      %add3A_774 = arith.constant 6 : i32
      %add3A_775 = arith.addi %mul3A_773, %add3A_774 : i32
      %broadcast_in_dim3A_776 = vector.broadcast %add3A_775 : i32 to vector<16xi32>
      %get3A_777 = arith.index_cast %add3A_775 : i32 to index
      %get3A_778 = arith.constant 0 : index
      %get3A_779 = tpu.vector_load %arg7[%get3A_777, %get3A_778] {strides = array<i32>} : memref<128x32xf32, #tpu.memory_space<vmem>>, vector<16xf32>,
      %get3A_780 = arith.index_cast %add3A_775 : i32 to index
      %get3A_781 = arith.constant 16 : index
      %get3A_782 = tpu.vector_load %arg7[%get3A_780, %get3A_781] {strides = array<i32>} : memref<128x32xf32, #tpu.memory_space<vmem>>, vector<16xf32>,
      tpu.vector_store_idx %arg9[%iota3A, %broadcast_in_dim3A_776], %get3A_779 : memref<32x128xf32, #tpu.memory_space<vmem>>[vector<16xi32>, vector<16xi32>], vector<16xf32>,
      tpu.vector_store_idx %arg9[%add3A_3, %broadcast_in_dim3A_776], %get3A_782 : memref<32x128xf32, #tpu.memory_space<vmem>>[vector<16xi32>, vector<16xi32>], vector<16xf32>,
      %mul3A_783 = arith.constant 8 : i32
      %mul3A_784 = arith.muli %scan3A_707, %mul3A_783 : i32
      %add3A_785 = arith.constant 7 : i32
      %add3A_786 = arith.addi %mul3A_784, %add3A_785 : i32
      %broadcast_in_dim3A_787 = vector.broadcast %add3A_786 : i32 to vector<16xi32>
      %get3A_788 = arith.index_cast %add3A_786 : i32 to index
      %get3A_789 = arith.constant 0 : index
      %get3A_790 = tpu.vector_load %arg7[%get3A_788, %get3A_789] {strides = array<i32>} : memref<128x32xf32, #tpu.memory_space<vmem>>, vector<16xf32>,
      %get3A_791 = arith.index_cast %add3A_786 : i32 to index
      %get3A_792 = arith.constant 16 : index
      %get3A_793 = tpu.vector_load %arg7[%get3A_791, %get3A_792] {strides = array<i32>} : memref<128x32xf32, #tpu.memory_space<vmem>>, vector<16xf32>,
      tpu.vector_store_idx %arg9[%iota3A, %broadcast_in_dim3A_787], %get3A_790 : memref<32x128xf32, #tpu.memory_space<vmem>>[vector<16xi32>, vector<16xi32>], vector<16xf32>,
      tpu.vector_store_idx %arg9[%add3A_3, %broadcast_in_dim3A_787], %get3A_793 : memref<32x128xf32, #tpu.memory_space<vmem>>[vector<16xi32>, vector<16xi32>], vector<16xf32>,
    }
    %scan3A_127 = arith.constant 16 : i32
    %mul3A_128 = arith.constant 200 : i32
    %mul3A_129 = arith.muli %add3A, %mul3A_128 : i32
    %add3A_130 = arith.constant 1 : i32
    %add3A_131 = arith.addi %mul3A_129, %add3A_130 : i32
    %jit3A_132 = arith.constant 128 : i32
    %div3A_133 = arith.divsi %add3A_131, %jit3A_132 : i32
    %sign3A_134 = arith.constant 0 : i32
    %sign3A_135 = arith.cmpi sgt, %add3A_131, %sign3A_134 : i32
    %sign3A_136 = arith.extui %sign3A_135 : i1 to i32
    %sign3A_137 = arith.constant 0 : i32
    %sign3A_138 = arith.cmpi slt, %add3A_131, %sign3A_137 : i32
    %sign3A_139 = arith.extui %sign3A_138 : i1 to i32
    %sign3A_140 = arith.subi %sign3A_136, %sign3A_139 : i32
    %sign3A_141 = arith.constant 0 : i32
    %sign3A_142 = arith.cmpi sgt, %jit3A_132, %sign3A_141 : i32
    %sign3A_143 = arith.extui %sign3A_142 : i1 to i32
    %sign3A_144 = arith.constant 0 : i32
    %sign3A_145 = arith.cmpi slt, %jit3A_132, %sign3A_144 : i32
    %sign3A_146 = arith.extui %sign3A_145 : i1 to i32
    %sign3A_147 = arith.subi %sign3A_143, %sign3A_146 : i32
    %ne3A_148 = arith.cmpi ne, %sign3A_140, %sign3A_147 : i32
    %rem3A_149 = arith.remsi %add3A_131, %jit3A_132 : i32
    %ne3A_150 = arith.constant 0 : i32
    %ne3A_151 = arith.cmpi ne, %rem3A_149, %ne3A_150 : i32
    %and3A_152 = arith.andi %ne3A_148, %ne3A_151 : i1
    %sub3A_153 = arith.constant 1 : i32
    %sub3A_154 = arith.subi %div3A_133, %sub3A_153 : i32
    %select_n3A_155 = arith.select %and3A_152, %sub3A_154, %div3A_133 : i32
    %rem3A_156 = arith.constant 128 : i32
    %rem3A_157 = arith.remsi %add3A_131, %rem3A_156 : i32
    %dma_start3A_158 = arith.constant 0 : i32
    %dma_start3A_159 = arith.constant 0 : i32
    %dma_start3A_160 = arith.constant 0 : i32
    %dma_start3A_161 = tpu.memref_slice %arg9[%dma_start3A_159, %dma_start3A_160] : memref<32x128xf32, #tpu.memory_space<vmem>> -> memref<8x128xf32, #tpu.memory_space<vmem>>
    %dma_start3A_162 = arith.constant 0 : i32
    %dma_start3A_163 = arith.constant 0 : i32
    %dma_start3A_164 = tpu.memref_slice %arg4[%select_n3A_155, %dma_start3A_158, %rem3A_157, %dma_start3A_162, %dma_start3A_163] : memref<50x4x128x8x128xf32, #tpu.memory_space<hbm>> -> memref<1x1x1x8x128xf32, #tpu.memory_space<hbm>>
    %dma_start3A_165 = tpu.memref_squeeze %dma_start3A_164 : memref<1x1x1x8x128xf32, #tpu.memory_space<hbm>> -> memref<8x128xf32, #tpu.memory_space<hbm>>
    %dma_start3A_166 = arith.constant 0 : i32
    %dma_start3A_167 = arith.constant 0 : i32
    %dma_start3A_168 = tpu.memref_slice %arg4[%select_n3A_155, %dma_start3A_158, %rem3A_157, %dma_start3A_166, %dma_start3A_167] : memref<50x4x128x8x128xf32, #tpu.memory_space<hbm>> -> memref<1x1x1x8x128xf32, #tpu.memory_space<hbm>>
    %dma_start3A_169 = tpu.memref_squeeze %dma_start3A_168 : memref<1x1x1x8x128xf32, #tpu.memory_space<hbm>> -> memref<8x128xf32, #tpu.memory_space<hbm>>
    %dma_start3A_170 = arith.constant 0 : i32
    %dma_start3A_171 = arith.constant 0 : i32
    %dma_start3A_172 = tpu.memref_slice %arg9[%dma_start3A_170, %dma_start3A_171] : memref<32x128xf32, #tpu.memory_space<vmem>> -> memref<8x128xf32, #tpu.memory_space<vmem>>
    tpu.enqueue_dma source(%dma_start3A_172 : memref<8x128xf32, #tpu.memory_space<vmem>>) target(%dma_start3A_169 : memref<8x128xf32, #tpu.memory_space<hbm>>) target_semaphore(%arg11 : memref<!tpu.dma_semaphore, #tpu.memory_space<semaphore_mem>>)
    %dma_start3A_173 = arith.constant 1 : i32
    %dma_start3A_174 = arith.constant 8 : i32
    %dma_start3A_175 = arith.constant 0 : i32
    %dma_start3A_176 = tpu.memref_slice %arg9[%dma_start3A_174, %dma_start3A_175] : memref<32x128xf32, #tpu.memory_space<vmem>> -> memref<8x128xf32, #tpu.memory_space<vmem>>
    %dma_start3A_177 = arith.constant 0 : i32
    %dma_start3A_178 = arith.constant 0 : i32
    %dma_start3A_179 = tpu.memref_slice %arg4[%select_n3A_155, %dma_start3A_173, %rem3A_157, %dma_start3A_177, %dma_start3A_178] : memref<50x4x128x8x128xf32, #tpu.memory_space<hbm>> -> memref<1x1x1x8x128xf32, #tpu.memory_space<hbm>>
    %dma_start3A_180 = tpu.memref_squeeze %dma_start3A_179 : memref<1x1x1x8x128xf32, #tpu.memory_space<hbm>> -> memref<8x128xf32, #tpu.memory_space<hbm>>
    %dma_start3A_181 = arith.constant 0 : i32
    %dma_start3A_182 = arith.constant 0 : i32
    %dma_start3A_183 = tpu.memref_slice %arg4[%select_n3A_155, %dma_start3A_173, %rem3A_157, %dma_start3A_181, %dma_start3A_182] : memref<50x4x128x8x128xf32, #tpu.memory_space<hbm>> -> memref<1x1x1x8x128xf32, #tpu.memory_space<hbm>>
    %dma_start3A_184 = tpu.memref_squeeze %dma_start3A_183 : memref<1x1x1x8x128xf32, #tpu.memory_space<hbm>> -> memref<8x128xf32, #tpu.memory_space<hbm>>
    %dma_start3A_185 = arith.constant 8 : i32
    %dma_start3A_186 = arith.constant 0 : i32
    %dma_start3A_187 = tpu.memref_slice %arg9[%dma_start3A_185, %dma_start3A_186] : memref<32x128xf32, #tpu.memory_space<vmem>> -> memref<8x128xf32, #tpu.memory_space<vmem>>
    tpu.enqueue_dma source(%dma_start3A_187 : memref<8x128xf32, #tpu.memory_space<vmem>>) target(%dma_start3A_184 : memref<8x128xf32, #tpu.memory_space<hbm>>) target_semaphore(%arg11 : memref<!tpu.dma_semaphore, #tpu.memory_space<semaphore_mem>>)
    %dma_start3A_188 = arith.constant 2 : i32
    %dma_start3A_189 = arith.constant 16 : i32
    %dma_start3A_190 = arith.constant 0 : i32
    %dma_start3A_191 = tpu.memref_slice %arg9[%dma_start3A_189, %dma_start3A_190] : memref<32x128xf32, #tpu.memory_space<vmem>> -> memref<8x128xf32, #tpu.memory_space<vmem>>
    %dma_start3A_192 = arith.constant 0 : i32
    %dma_start3A_193 = arith.constant 0 : i32
    %dma_start3A_194 = tpu.memref_slice %arg4[%select_n3A_155, %dma_start3A_188, %rem3A_157, %dma_start3A_192, %dma_start3A_193] : memref<50x4x128x8x128xf32, #tpu.memory_space<hbm>> -> memref<1x1x1x8x128xf32, #tpu.memory_space<hbm>>
    %dma_start3A_195 = tpu.memref_squeeze %dma_start3A_194 : memref<1x1x1x8x128xf32, #tpu.memory_space<hbm>> -> memref<8x128xf32, #tpu.memory_space<hbm>>
    %dma_start3A_196 = arith.constant 0 : i32
    %dma_start3A_197 = arith.constant 0 : i32
    %dma_start3A_198 = tpu.memref_slice %arg4[%select_n3A_155, %dma_start3A_188, %rem3A_157, %dma_start3A_196, %dma_start3A_197] : memref<50x4x128x8x128xf32, #tpu.memory_space<hbm>> -> memref<1x1x1x8x128xf32, #tpu.memory_space<hbm>>
    %dma_start3A_199 = tpu.memref_squeeze %dma_start3A_198 : memref<1x1x1x8x128xf32, #tpu.memory_space<hbm>> -> memref<8x128xf32, #tpu.memory_space<hbm>>
    %dma_start3A_200 = arith.constant 16 : i32
    %dma_start3A_201 = arith.constant 0 : i32
    %dma_start3A_202 = tpu.memref_slice %arg9[%dma_start3A_200, %dma_start3A_201] : memref<32x128xf32, #tpu.memory_space<vmem>> -> memref<8x128xf32, #tpu.memory_space<vmem>>
    tpu.enqueue_dma source(%dma_start3A_202 : memref<8x128xf32, #tpu.memory_space<vmem>>) target(%dma_start3A_199 : memref<8x128xf32, #tpu.memory_space<hbm>>) target_semaphore(%arg11 : memref<!tpu.dma_semaphore, #tpu.memory_space<semaphore_mem>>)
    %dma_start3A_203 = arith.constant 3 : i32
    %dma_start3A_204 = arith.constant 24 : i32
    %dma_start3A_205 = arith.constant 0 : i32
    %dma_start3A_206 = tpu.memref_slice %arg9[%dma_start3A_204, %dma_start3A_205] : memref<32x128xf32, #tpu.memory_space<vmem>> -> memref<8x128xf32, #tpu.memory_space<vmem>>
    %dma_start3A_207 = arith.constant 0 : i32
    %dma_start3A_208 = arith.constant 0 : i32
    %dma_start3A_209 = tpu.memref_slice %arg4[%select_n3A_155, %dma_start3A_203, %rem3A_157, %dma_start3A_207, %dma_start3A_208] : memref<50x4x128x8x128xf32, #tpu.memory_space<hbm>> -> memref<1x1x1x8x128xf32, #tpu.memory_space<hbm>>
    %dma_start3A_210 = tpu.memref_squeeze %dma_start3A_209 : memref<1x1x1x8x128xf32, #tpu.memory_space<hbm>> -> memref<8x128xf32, #tpu.memory_space<hbm>>
    %dma_start3A_211 = arith.constant 0 : i32
    %dma_start3A_212 = arith.constant 0 : i32
    %dma_start3A_213 = tpu.memref_slice %arg4[%select_n3A_155, %dma_start3A_203, %rem3A_157, %dma_start3A_211, %dma_start3A_212] : memref<50x4x128x8x128xf32, #tpu.memory_space<hbm>> -> memref<1x1x1x8x128xf32, #tpu.memory_space<hbm>>
    %dma_start3A_214 = tpu.memref_squeeze %dma_start3A_213 : memref<1x1x1x8x128xf32, #tpu.memory_space<hbm>> -> memref<8x128xf32, #tpu.memory_space<hbm>>
    %dma_start3A_215 = arith.constant 24 : i32
    %dma_start3A_216 = arith.constant 0 : i32
    %dma_start3A_217 = tpu.memref_slice %arg9[%dma_start3A_215, %dma_start3A_216] : memref<32x128xf32, #tpu.memory_space<vmem>> -> memref<8x128xf32, #tpu.memory_space<vmem>>
    tpu.enqueue_dma source(%dma_start3A_217 : memref<8x128xf32, #tpu.memory_space<vmem>>) target(%dma_start3A_214 : memref<8x128xf32, #tpu.memory_space<hbm>>) target_semaphore(%arg11 : memref<!tpu.dma_semaphore, #tpu.memory_space<semaphore_mem>>)
    %dma_start3A_218 = arith.constant 3 : i32
    %dma_start3A_219 = arith.constant 0 : i32
    %dma_start3A_220 = tpu.memref_slice %arg5[%dma_start3A_218, %dma_start3A_219] : memref<200x128xi32, #tpu.memory_space<vmem>> -> memref<1x128xi32, #tpu.memory_space<vmem>>
    %dma_start3A_221 = tpu.memref_squeeze %dma_start3A_220 : memref<1x128xi32, #tpu.memory_space<vmem>> -> memref<128xi32, #tpu.memory_space<vmem>>
    %dma_start3A_222 = arith.constant 0 : i32
    %dma_start3A_223 = arith.constant 0 : i32
    %dma_start3A_224 = tpu.memref_slice %arg3[%dma_start3A_222, %dma_start3A_223] : memref<1000000x32xf32, #tpu.memory_space<hbm>> -> memref<1000000x32xf32, #tpu.memory_space<hbm>>
    tpu.enqueue_indirect_dma source(%dma_start3A_224 : memref<1000000x32xf32, #tpu.memory_space<hbm>>) target(%arg7 : memref<128x32xf32, #tpu.memory_space<vmem>>) offsets(%dma_start3A_221 : memref<128xi32, #tpu.memory_space<vmem>>) semaphore(%arg10 : memref<!tpu.dma_semaphore, #tpu.memory_space<semaphore_mem>>)
    %scan3A_225 = arith.constant 0 : i32
    %scan3A_226 = arith.constant 1 : i32
    %scan3A_227 = arith.constant 98 : i32
    %scan3A_228 = arith.addi %scan3A_226, %scan3A_227 : i32
    %scan3A_229 = arith.constant 1 : i32
    scf.for %scan3A_707 = %scan3A_226 to %scan3A_228 step %scan3A_229  : i32 {
      %mul3A_708 = arith.constant 2 : i32
      %mul3A_709 = arith.muli %mul3A_708, %scan3A_707 : i32
      %dma_wait3A_710 = arith.constant 0 : i32
      %dma_wait3A_711 = arith.constant 0 : i32
      %dma_wait3A_712 = arith.constant 0 : i32
      %dma_wait3A_713 = arith.constant 0 : i32
      %dma_wait3A_714 = arith.constant 0 : i32
      %dma_wait3A_715 = tpu.memref_slice %arg8[%dma_wait3A_713, %dma_wait3A_714] : memref<32x128xf32, #tpu.memory_space<vmem>> -> memref<8x128xf32, #tpu.memory_space<vmem>>
      %dma_wait3A_716 = arith.constant 0 : i32
      %dma_wait3A_717 = arith.constant 0 : i32
      %dma_wait3A_718 = tpu.memref_slice %arg4[%dma_wait3A_710, %dma_wait3A_711, %dma_wait3A_712, %dma_wait3A_716, %dma_wait3A_717] : memref<50x4x128x8x128xf32, #tpu.memory_space<hbm>> -> memref<1x1x1x8x128xf32, #tpu.memory_space<hbm>>
      %dma_wait3A_719 = tpu.memref_squeeze %dma_wait3A_718 : memref<1x1x1x8x128xf32, #tpu.memory_space<hbm>> -> memref<8x128xf32, #tpu.memory_space<hbm>>
      %dma_wait3A_720 = arith.constant 0 : i32
      %dma_wait3A_721 = arith.constant 0 : i32
      %dma_wait3A_722 = tpu.memref_slice %arg8[%dma_wait3A_720, %dma_wait3A_721] : memref<32x128xf32, #tpu.memory_space<vmem>> -> memref<8x128xf32, #tpu.memory_space<vmem>>
      %dma_wait3A_723 = arith.constant 0 : i32
      %dma_wait3A_724 = arith.constant 0 : i32
      %dma_wait3A_725 = tpu.memref_slice %arg4[%dma_wait3A_710, %dma_wait3A_711, %dma_wait3A_712, %dma_wait3A_723, %dma_wait3A_724] : memref<50x4x128x8x128xf32, #tpu.memory_space<hbm>> -> memref<1x1x1x8x128xf32, #tpu.memory_space<hbm>>
      %dma_wait3A_726 = tpu.memref_squeeze %dma_wait3A_725 : memref<1x1x1x8x128xf32, #tpu.memory_space<hbm>> -> memref<8x128xf32, #tpu.memory_space<hbm>>
      tpu.wait_dma2 semaphore(%arg11 : memref<!tpu.dma_semaphore, #tpu.memory_space<semaphore_mem>>) src(%dma_wait3A_726 : memref<8x128xf32, #tpu.memory_space<hbm>>) dst(%dma_wait3A_722 : memref<8x128xf32, #tpu.memory_space<vmem>>)
      %dma_wait3A_727 = arith.constant 0 : i32
      %dma_wait3A_728 = arith.constant 0 : i32
      %dma_wait3A_729 = arith.constant 0 : i32
      %dma_wait3A_730 = arith.constant 8 : i32
      %dma_wait3A_731 = arith.constant 0 : i32
      %dma_wait3A_732 = tpu.memref_slice %arg8[%dma_wait3A_730, %dma_wait3A_731] : memref<32x128xf32, #tpu.memory_space<vmem>> -> memref<8x128xf32, #tpu.memory_space<vmem>>
      %dma_wait3A_733 = arith.constant 0 : i32
      %dma_wait3A_734 = arith.constant 0 : i32
      %dma_wait3A_735 = tpu.memref_slice %arg4[%dma_wait3A_727, %dma_wait3A_728, %dma_wait3A_729, %dma_wait3A_733, %dma_wait3A_734] : memref<50x4x128x8x128xf32, #tpu.memory_space<hbm>> -> memref<1x1x1x8x128xf32, #tpu.memory_space<hbm>>
      %dma_wait3A_736 = tpu.memref_squeeze %dma_wait3A_735 : memref<1x1x1x8x128xf32, #tpu.memory_space<hbm>> -> memref<8x128xf32, #tpu.memory_space<hbm>>
      %dma_wait3A_737 = arith.constant 8 : i32
      %dma_wait3A_738 = arith.constant 0 : i32
      %dma_wait3A_739 = tpu.memref_slice %arg8[%dma_wait3A_737, %dma_wait3A_738] : memref<32x128xf32, #tpu.memory_space<vmem>> -> memref<8x128xf32, #tpu.memory_space<vmem>>
      %dma_wait3A_740 = arith.constant 0 : i32
      %dma_wait3A_741 = arith.constant 0 : i32
      %dma_wait3A_742 = tpu.memref_slice %arg4[%dma_wait3A_727, %dma_wait3A_728, %dma_wait3A_729, %dma_wait3A_740, %dma_wait3A_741] : memref<50x4x128x8x128xf32, #tpu.memory_space<hbm>> -> memref<1x1x1x8x128xf32, #tpu.memory_space<hbm>>
      %dma_wait3A_743 = tpu.memref_squeeze %dma_wait3A_742 : memref<1x1x1x8x128xf32, #tpu.memory_space<hbm>> -> memref<8x128xf32, #tpu.memory_space<hbm>>
      tpu.wait_dma2 semaphore(%arg11 : memref<!tpu.dma_semaphore, #tpu.memory_space<semaphore_mem>>) src(%dma_wait3A_743 : memref<8x128xf32, #tpu.memory_space<hbm>>) dst(%dma_wait3A_739 : memref<8x128xf32, #tpu.memory_space<vmem>>)
      %dma_wait3A_744 = arith.constant 0 : i32
      %dma_wait3A_745 = arith.constant 0 : i32
      %dma_wait3A_746 = arith.constant 0 : i32
      %dma_wait3A_747 = arith.constant 16 : i32
      %dma_wait3A_748 = arith.constant 0 : i32
      %dma_wait3A_749 = tpu.memref_slice %arg8[%dma_wait3A_747, %dma_wait3A_748] : memref<32x128xf32, #tpu.memory_space<vmem>> -> memref<8x128xf32, #tpu.memory_space<vmem>>
      %dma_wait3A_750 = arith.constant 0 : i32
      %dma_wait3A_751 = arith.constant 0 : i32
      %dma_wait3A_752 = tpu.memref_slice %arg4[%dma_wait3A_744, %dma_wait3A_745, %dma_wait3A_746, %dma_wait3A_750, %dma_wait3A_751] : memref<50x4x128x8x128xf32, #tpu.memory_space<hbm>> -> memref<1x1x1x8x128xf32, #tpu.memory_space<hbm>>
      %dma_wait3A_753 = tpu.memref_squeeze %dma_wait3A_752 : memref<1x1x1x8x128xf32, #tpu.memory_space<hbm>> -> memref<8x128xf32, #tpu.memory_space<hbm>>
      %dma_wait3A_754 = arith.constant 16 : i32
      %dma_wait3A_755 = arith.constant 0 : i32
      %dma_wait3A_756 = tpu.memref_slice %arg8[%dma_wait3A_754, %dma_wait3A_755] : memref<32x128xf32, #tpu.memory_space<vmem>> -> memref<8x128xf32, #tpu.memory_space<vmem>>
      %dma_wait3A_757 = arith.constant 0 : i32
      %dma_wait3A_758 = arith.constant 0 : i32
      %dma_wait3A_759 = tpu.memref_slice %arg4[%dma_wait3A_744, %dma_wait3A_745, %dma_wait3A_746, %dma_wait3A_757, %dma_wait3A_758] : memref<50x4x128x8x128xf32, #tpu.memory_space<hbm>> -> memref<1x1x1x8x128xf32, #tpu.memory_space<hbm>>
      %dma_wait3A_760 = tpu.memref_squeeze %dma_wait3A_759 : memref<1x1x1x8x128xf32, #tpu.memory_space<hbm>> -> memref<8x128xf32, #tpu.memory_space<hbm>>
      tpu.wait_dma2 semaphore(%arg11 : memref<!tpu.dma_semaphore, #tpu.memory_space<semaphore_mem>>) src(%dma_wait3A_760 : memref<8x128xf32, #tpu.memory_space<hbm>>) dst(%dma_wait3A_756 : memref<8x128xf32, #tpu.memory_space<vmem>>)
      %dma_wait3A_761 = arith.constant 0 : i32
      %dma_wait3A_762 = arith.constant 0 : i32
      %dma_wait3A_763 = arith.constant 0 : i32
      %dma_wait3A_764 = arith.constant 24 : i32
      %dma_wait3A_765 = arith.constant 0 : i32
      %dma_wait3A_766 = tpu.memref_slice %arg8[%dma_wait3A_764, %dma_wait3A_765] : memref<32x128xf32, #tpu.memory_space<vmem>> -> memref<8x128xf32, #tpu.memory_space<vmem>>
      %dma_wait3A_767 = arith.constant 0 : i32
      %dma_wait3A_768 = arith.constant 0 : i32
      %dma_wait3A_769 = tpu.memref_slice %arg4[%dma_wait3A_761, %dma_wait3A_762, %dma_wait3A_763, %dma_wait3A_767, %dma_wait3A_768] : memref<50x4x128x8x128xf32, #tpu.memory_space<hbm>> -> memref<1x1x1x8x128xf32, #tpu.memory_space<hbm>>
      %dma_wait3A_770 = tpu.memref_squeeze %dma_wait3A_769 : memref<1x1x1x8x128xf32, #tpu.memory_space<hbm>> -> memref<8x128xf32, #tpu.memory_space<hbm>>
      %dma_wait3A_771 = arith.constant 24 : i32
      %dma_wait3A_772 = arith.constant 0 : i32
      %dma_wait3A_773 = tpu.memref_slice %arg8[%dma_wait3A_771, %dma_wait3A_772] : memref<32x128xf32, #tpu.memory_space<vmem>> -> memref<8x128xf32, #tpu.memory_space<vmem>>
      %dma_wait3A_774 = arith.constant 0 : i32
      %dma_wait3A_775 = arith.constant 0 : i32
      %dma_wait3A_776 = tpu.memref_slice %arg4[%dma_wait3A_761, %dma_wait3A_762, %dma_wait3A_763, %dma_wait3A_774, %dma_wait3A_775] : memref<50x4x128x8x128xf32, #tpu.memory_space<hbm>> -> memref<1x1x1x8x128xf32, #tpu.memory_space<hbm>>
      %dma_wait3A_777 = tpu.memref_squeeze %dma_wait3A_776 : memref<1x1x1x8x128xf32, #tpu.memory_space<hbm>> -> memref<8x128xf32, #tpu.memory_space<hbm>>
      tpu.wait_dma2 semaphore(%arg11 : memref<!tpu.dma_semaphore, #tpu.memory_space<semaphore_mem>>) src(%dma_wait3A_777 : memref<8x128xf32, #tpu.memory_space<hbm>>) dst(%dma_wait3A_773 : memref<8x128xf32, #tpu.memory_space<vmem>>)
      %dma_wait3A_778 = arith.constant 0 : i32
      %dma_wait3A_779 = arith.constant 0 : i32
      %dma_wait3A_780 = tpu.memref_slice %arg3[%dma_wait3A_778, %dma_wait3A_779] : memref<1000000x32xf32, #tpu.memory_space<hbm>> -> memref<128x32xf32, #tpu.memory_space<hbm>>
      %dma_wait3A_781 = arith.constant 0 : i32
      %dma_wait3A_782 = arith.constant 0 : i32
      %dma_wait3A_783 = tpu.memref_slice %arg3[%dma_wait3A_781, %dma_wait3A_782] : memref<1000000x32xf32, #tpu.memory_space<hbm>> -> memref<128x32xf32, #tpu.memory_space<hbm>>
      tpu.wait_dma2 semaphore(%arg10 : memref<!tpu.dma_semaphore, #tpu.memory_space<semaphore_mem>>) src(%dma_wait3A_783 : memref<128x32xf32, #tpu.memory_space<hbm>>) dst(%arg6 : memref<128x32xf32, #tpu.memory_space<vmem>>)
      %scan3A_784 = arith.constant 0 : i32
      %scan3A_785 = arith.constant 0 : i32
      %scan3A_786 = arith.constant 16 : i32
      %scan3A_787 = arith.addi %scan3A_785, %scan3A_786 : i32
      %scan3A_788 = arith.constant 1 : i32
      scf.for %scan3A_1068 = %scan3A_785 to %scan3A_787 step %scan3A_788  : i32 {
        %mul3A_1069 = arith.constant 8 : i32
        %mul3A_1070 = arith.muli %scan3A_1068, %mul3A_1069 : i32
        %add3A_1071 = arith.constant 0 : i32
        %add3A_1072 = arith.addi %mul3A_1070, %add3A_1071 : i32
        %broadcast_in_dim3A = vector.broadcast %add3A_1072 : i32 to vector<16xi32>
        %get3A = arith.index_cast %add3A_1072 : i32 to index
        %get3A_1073 = arith.constant 0 : index
        %get3A_1074 = tpu.vector_load %arg6[%get3A, %get3A_1073] {strides = array<i32>} : memref<128x32xf32, #tpu.memory_space<vmem>>, vector<16xf32>,
        %get3A_1075 = arith.index_cast %add3A_1072 : i32 to index
        %get3A_1076 = arith.constant 16 : index
        %get3A_1077 = tpu.vector_load %arg6[%get3A_1075, %get3A_1076] {strides = array<i32>} : memref<128x32xf32, #tpu.memory_space<vmem>>, vector<16xf32>,
        tpu.vector_store_idx %arg8[%iota3A, %broadcast_in_dim3A], %get3A_1074 : memref<32x128xf32, #tpu.memory_space<vmem>>[vector<16xi32>, vector<16xi32>], vector<16xf32>,
        tpu.vector_store_idx %arg8[%add3A_3, %broadcast_in_dim3A], %get3A_1077 : memref<32x128xf32, #tpu.memory_space<vmem>>[vector<16xi32>, vector<16xi32>], vector<16xf32>,
        %mul3A_1078 = arith.constant 8 : i32
        %mul3A_1079 = arith.muli %scan3A_1068, %mul3A_1078 : i32
        %add3A_1080 = arith.constant 1 : i32
        %add3A_1081 = arith.addi %mul3A_1079, %add3A_1080 : i32
        %broadcast_in_dim3A_1082 = vector.broadcast %add3A_1081 : i32 to vector<16xi32>
        %get3A_1083 = arith.index_cast %add3A_1081 : i32 to index
        %get3A_1084 = arith.constant 0 : index
        %get3A_1085 = tpu.vector_load %arg6[%get3A_1083, %get3A_1084] {strides = array<i32>} : memref<128x32xf32, #tpu.memory_space<vmem>>, vector<16xf32>,
        %get3A_1086 = arith.index_cast %add3A_1081 : i32 to index
        %get3A_1087 = arith.constant 16 : index
        %get3A_1088 = tpu.vector_load %arg6[%get3A_1086, %get3A_1087] {strides = array<i32>} : memref<128x32xf32, #tpu.memory_space<vmem>>, vector<16xf32>,
        tpu.vector_store_idx %arg8[%iota3A, %broadcast_in_dim3A_1082], %get3A_1085 : memref<32x128xf32, #tpu.memory_space<vmem>>[vector<16xi32>, vector<16xi32>], vector<16xf32>,
        tpu.vector_store_idx %arg8[%add3A_3, %broadcast_in_dim3A_1082], %get3A_1088 : memref<32x128xf32, #tpu.memory_space<vmem>>[vector<16xi32>, vector<16xi32>], vector<16xf32>,
        %mul3A_1089 = arith.constant 8 : i32
        %mul3A_1090 = arith.muli %scan3A_1068, %mul3A_1089 : i32
        %add3A_1091 = arith.constant 2 : i32
        %add3A_1092 = arith.addi %mul3A_1090, %add3A_1091 : i32
        %broadcast_in_dim3A_1093 = vector.broadcast %add3A_1092 : i32 to vector<16xi32>
        %get3A_1094 = arith.index_cast %add3A_1092 : i32 to index
        %get3A_1095 = arith.constant 0 : index
        %get3A_1096 = tpu.vector_load %arg6[%get3A_1094, %get3A_1095] {strides = array<i32>} : memref<128x32xf32, #tpu.memory_space<vmem>>, vector<16xf32>,
        %get3A_1097 = arith.index_cast %add3A_1092 : i32 to index
        %get3A_1098 = arith.constant 16 : index
        %get3A_1099 = tpu.vector_load %arg6[%get3A_1097, %get3A_1098] {strides = array<i32>} : memref<128x32xf32, #tpu.memory_space<vmem>>, vector<16xf32>,
        tpu.vector_store_idx %arg8[%iota3A, %broadcast_in_dim3A_1093], %get3A_1096 : memref<32x128xf32, #tpu.memory_space<vmem>>[vector<16xi32>, vector<16xi32>], vector<16xf32>,
        tpu.vector_store_idx %arg8[%add3A_3, %broadcast_in_dim3A_1093], %get3A_1099 : memref<32x128xf32, #tpu.memory_space<vmem>>[vector<16xi32>, vector<16xi32>], vector<16xf32>,
        %mul3A_1100 = arith.constant 8 : i32
        %mul3A_1101 = arith.muli %scan3A_1068, %mul3A_1100 : i32
        %add3A_1102 = arith.constant 3 : i32
        %add3A_1103 = arith.addi %mul3A_1101, %add3A_1102 : i32
        %broadcast_in_dim3A_1104 = vector.broadcast %add3A_1103 : i32 to vector<16xi32>
        %get3A_1105 = arith.index_cast %add3A_1103 : i32 to index
        %get3A_1106 = arith.constant 0 : index
        %get3A_1107 = tpu.vector_load %arg6[%get3A_1105, %get3A_1106] {strides = array<i32>} : memref<128x32xf32, #tpu.memory_space<vmem>>, vector<16xf32>,
        %get3A_1108 = arith.index_cast %add3A_1103 : i32 to index
        %get3A_1109 = arith.constant 16 : index
        %get3A_1110 = tpu.vector_load %arg6[%get3A_1108, %get3A_1109] {strides = array<i32>} : memref<128x32xf32, #tpu.memory_space<vmem>>, vector<16xf32>,
        tpu.vector_store_idx %arg8[%iota3A, %broadcast_in_dim3A_1104], %get3A_1107 : memref<32x128xf32, #tpu.memory_space<vmem>>[vector<16xi32>, vector<16xi32>], vector<16xf32>,
        tpu.vector_store_idx %arg8[%add3A_3, %broadcast_in_dim3A_1104], %get3A_1110 : memref<32x128xf32, #tpu.memory_space<vmem>>[vector<16xi32>, vector<16xi32>], vector<16xf32>,
        %mul3A_1111 = arith.constant 8 : i32
        %mul3A_1112 = arith.muli %scan3A_1068, %mul3A_1111 : i32
        %add3A_1113 = arith.constant 4 : i32
        %add3A_1114 = arith.addi %mul3A_1112, %add3A_1113 : i32
        %broadcast_in_dim3A_1115 = vector.broadcast %add3A_1114 : i32 to vector<16xi32>
        %get3A_1116 = arith.index_cast %add3A_1114 : i32 to index
        %get3A_1117 = arith.constant 0 : index
        %get3A_1118 = tpu.vector_load %arg6[%get3A_1116, %get3A_1117] {strides = array<i32>} : memref<128x32xf32, #tpu.memory_space<vmem>>, vector<16xf32>,
        %get3A_1119 = arith.index_cast %add3A_1114 : i32 to index
        %get3A_1120 = arith.constant 16 : index
        %get3A_1121 = tpu.vector_load %arg6[%get3A_1119, %get3A_1120] {strides = array<i32>} : memref<128x32xf32, #tpu.memory_space<vmem>>, vector<16xf32>,
        tpu.vector_store_idx %arg8[%iota3A, %broadcast_in_dim3A_1115], %get3A_1118 : memref<32x128xf32, #tpu.memory_space<vmem>>[vector<16xi32>, vector<16xi32>], vector<16xf32>,
        tpu.vector_store_idx %arg8[%add3A_3, %broadcast_in_dim3A_1115], %get3A_1121 : memref<32x128xf32, #tpu.memory_space<vmem>>[vector<16xi32>, vector<16xi32>], vector<16xf32>,
        %mul3A_1122 = arith.constant 8 : i32
        %mul3A_1123 = arith.muli %scan3A_1068, %mul3A_1122 : i32
        %add3A_1124 = arith.constant 5 : i32
        %add3A_1125 = arith.addi %mul3A_1123, %add3A_1124 : i32
        %broadcast_in_dim3A_1126 = vector.broadcast %add3A_1125 : i32 to vector<16xi32>
        %get3A_1127 = arith.index_cast %add3A_1125 : i32 to index
        %get3A_1128 = arith.constant 0 : index
        %get3A_1129 = tpu.vector_load %arg6[%get3A_1127, %get3A_1128] {strides = array<i32>} : memref<128x32xf32, #tpu.memory_space<vmem>>, vector<16xf32>,
        %get3A_1130 = arith.index_cast %add3A_1125 : i32 to index
        %get3A_1131 = arith.constant 16 : index
        %get3A_1132 = tpu.vector_load %arg6[%get3A_1130, %get3A_1131] {strides = array<i32>} : memref<128x32xf32, #tpu.memory_space<vmem>>, vector<16xf32>,
        tpu.vector_store_idx %arg8[%iota3A, %broadcast_in_dim3A_1126], %get3A_1129 : memref<32x128xf32, #tpu.memory_space<vmem>>[vector<16xi32>, vector<16xi32>], vector<16xf32>,
        tpu.vector_store_idx %arg8[%add3A_3, %broadcast_in_dim3A_1126], %get3A_1132 : memref<32x128xf32, #tpu.memory_space<vmem>>[vector<16xi32>, vector<16xi32>], vector<16xf32>,
        %mul3A_1133 = arith.constant 8 : i32
        %mul3A_1134 = arith.muli %scan3A_1068, %mul3A_1133 : i32
        %add3A_1135 = arith.constant 6 : i32
        %add3A_1136 = arith.addi %mul3A_1134, %add3A_1135 : i32
        %broadcast_in_dim3A_1137 = vector.broadcast %add3A_1136 : i32 to vector<16xi32>
        %get3A_1138 = arith.index_cast %add3A_1136 : i32 to index
        %get3A_1139 = arith.constant 0 : index
        %get3A_1140 = tpu.vector_load %arg6[%get3A_1138, %get3A_1139] {strides = array<i32>} : memref<128x32xf32, #tpu.memory_space<vmem>>, vector<16xf32>,
        %get3A_1141 = arith.index_cast %add3A_1136 : i32 to index
        %get3A_1142 = arith.constant 16 : index
        %get3A_1143 = tpu.vector_load %arg6[%get3A_1141, %get3A_1142] {strides = array<i32>} : memref<128x32xf32, #tpu.memory_space<vmem>>, vector<16xf32>,
        tpu.vector_store_idx %arg8[%iota3A, %broadcast_in_dim3A_1137], %get3A_1140 : memref<32x128xf32, #tpu.memory_space<vmem>>[vector<16xi32>, vector<16xi32>], vector<16xf32>,
        tpu.vector_store_idx %arg8[%add3A_3, %broadcast_in_dim3A_1137], %get3A_1143 : memref<32x128xf32, #tpu.memory_space<vmem>>[vector<16xi32>, vector<16xi32>], vector<16xf32>,
        %mul3A_1144 = arith.constant 8 : i32
        %mul3A_1145 = arith.muli %scan3A_1068, %mul3A_1144 : i32
        %add3A_1146 = arith.constant 7 : i32
        %add3A_1147 = arith.addi %mul3A_1145, %add3A_1146 : i32
        %broadcast_in_dim3A_1148 = vector.broadcast %add3A_1147 : i32 to vector<16xi32>
        %get3A_1149 = arith.index_cast %add3A_1147 : i32 to index
        %get3A_1150 = arith.constant 0 : index
        %get3A_1151 = tpu.vector_load %arg6[%get3A_1149, %get3A_1150] {strides = array<i32>} : memref<128x32xf32, #tpu.memory_space<vmem>>, vector<16xf32>,
        %get3A_1152 = arith.index_cast %add3A_1147 : i32 to index
        %get3A_1153 = arith.constant 16 : index
        %get3A_1154 = tpu.vector_load %arg6[%get3A_1152, %get3A_1153] {strides = array<i32>} : memref<128x32xf32, #tpu.memory_space<vmem>>, vector<16xf32>,
        tpu.vector_store_idx %arg8[%iota3A, %broadcast_in_dim3A_1148], %get3A_1151 : memref<32x128xf32, #tpu.memory_space<vmem>>[vector<16xi32>, vector<16xi32>], vector<16xf32>,
        tpu.vector_store_idx %arg8[%add3A_3, %broadcast_in_dim3A_1148], %get3A_1154 : memref<32x128xf32, #tpu.memory_space<vmem>>[vector<16xi32>, vector<16xi32>], vector<16xf32>,
      }
      %scan3A_789 = arith.constant 16 : i32
      %mul3A_790 = arith.constant 200 : i32
      %mul3A_791 = arith.muli %add3A, %mul3A_790 : i32
      %add3A_792 = arith.addi %mul3A_791, %mul3A_709 : i32
      %jit3A_793 = arith.constant 128 : i32
      %div3A_794 = arith.divsi %add3A_792, %jit3A_793 : i32
      %sign3A_795 = arith.constant 0 : i32
      %sign3A_796 = arith.cmpi sgt, %add3A_792, %sign3A_795 : i32
      %sign3A_797 = arith.extui %sign3A_796 : i1 to i32
      %sign3A_798 = arith.constant 0 : i32
      %sign3A_799 = arith.cmpi slt, %add3A_792, %sign3A_798 : i32
      %sign3A_800 = arith.extui %sign3A_799 : i1 to i32
      %sign3A_801 = arith.subi %sign3A_797, %sign3A_800 : i32
      %sign3A_802 = arith.constant 0 : i32
      %sign3A_803 = arith.cmpi sgt, %jit3A_793, %sign3A_802 : i32
      %sign3A_804 = arith.extui %sign3A_803 : i1 to i32
      %sign3A_805 = arith.constant 0 : i32
      %sign3A_806 = arith.cmpi slt, %jit3A_793, %sign3A_805 : i32
      %sign3A_807 = arith.extui %sign3A_806 : i1 to i32
      %sign3A_808 = arith.subi %sign3A_804, %sign3A_807 : i32
      %ne3A_809 = arith.cmpi ne, %sign3A_801, %sign3A_808 : i32
      %rem3A_810 = arith.remsi %add3A_792, %jit3A_793 : i32
      %ne3A_811 = arith.constant 0 : i32
      %ne3A_812 = arith.cmpi ne, %rem3A_810, %ne3A_811 : i32
      %and3A_813 = arith.andi %ne3A_809, %ne3A_812 : i1
      %sub3A_814 = arith.constant 1 : i32
      %sub3A_815 = arith.subi %div3A_794, %sub3A_814 : i32
      %select_n3A_816 = arith.select %and3A_813, %sub3A_815, %div3A_794 : i32
      %rem3A_817 = arith.constant 128 : i32
      %rem3A_818 = arith.remsi %add3A_792, %rem3A_817 : i32
      %dma_start3A_819 = arith.constant 0 : i32
      %dma_start3A_820 = arith.constant 0 : i32
      %dma_start3A_821 = arith.constant 0 : i32
      %dma_start3A_822 = tpu.memref_slice %arg8[%dma_start3A_820, %dma_start3A_821] : memref<32x128xf32, #tpu.memory_space<vmem>> -> memref<8x128xf32, #tpu.memory_space<vmem>>
      %dma_start3A_823 = arith.constant 0 : i32
      %dma_start3A_824 = arith.constant 0 : i32
      %dma_start3A_825 = tpu.memref_slice %arg4[%select_n3A_816, %dma_start3A_819, %rem3A_818, %dma_start3A_823, %dma_start3A_824] : memref<50x4x128x8x128xf32, #tpu.memory_space<hbm>> -> memref<1x1x1x8x128xf32, #tpu.memory_space<hbm>>
      %dma_start3A_826 = tpu.memref_squeeze %dma_start3A_825 : memref<1x1x1x8x128xf32, #tpu.memory_space<hbm>> -> memref<8x128xf32, #tpu.memory_space<hbm>>
      %dma_start3A_827 = arith.constant 0 : i32
      %dma_start3A_828 = arith.constant 0 : i32
      %dma_start3A_829 = tpu.memref_slice %arg4[%select_n3A_816, %dma_start3A_819, %rem3A_818, %dma_start3A_827, %dma_start3A_828] : memref<50x4x128x8x128xf32, #tpu.memory_space<hbm>> -> memref<1x1x1x8x128xf32, #tpu.memory_space<hbm>>
      %dma_start3A_830 = tpu.memref_squeeze %dma_start3A_829 : memref<1x1x1x8x128xf32, #tpu.memory_space<hbm>> -> memref<8x128xf32, #tpu.memory_space<hbm>>
      %dma_start3A_831 = arith.constant 0 : i32
      %dma_start3A_832 = arith.constant 0 : i32
      %dma_start3A_833 = tpu.memref_slice %arg8[%dma_start3A_831, %dma_start3A_832] : memref<32x128xf32, #tpu.memory_space<vmem>> -> memref<8x128xf32, #tpu.memory_space<vmem>>
      tpu.enqueue_dma source(%dma_start3A_833 : memref<8x128xf32, #tpu.memory_space<vmem>>) target(%dma_start3A_830 : memref<8x128xf32, #tpu.memory_space<hbm>>) target_semaphore(%arg11 : memref<!tpu.dma_semaphore, #tpu.memory_space<semaphore_mem>>)
      %dma_start3A_834 = arith.constant 1 : i32
      %dma_start3A_835 = arith.constant 8 : i32
      %dma_start3A_836 = arith.constant 0 : i32
      %dma_start3A_837 = tpu.memref_slice %arg8[%dma_start3A_835, %dma_start3A_836] : memref<32x128xf32, #tpu.memory_space<vmem>> -> memref<8x128xf32, #tpu.memory_space<vmem>>
      %dma_start3A_838 = arith.constant 0 : i32
      %dma_start3A_839 = arith.constant 0 : i32
      %dma_start3A_840 = tpu.memref_slice %arg4[%select_n3A_816, %dma_start3A_834, %rem3A_818, %dma_start3A_838, %dma_start3A_839] : memref<50x4x128x8x128xf32, #tpu.memory_space<hbm>> -> memref<1x1x1x8x128xf32, #tpu.memory_space<hbm>>
      %dma_start3A_841 = tpu.memref_squeeze %dma_start3A_840 : memref<1x1x1x8x128xf32, #tpu.memory_space<hbm>> -> memref<8x128xf32, #tpu.memory_space<hbm>>
      %dma_start3A_842 = arith.constant 0 : i32
      %dma_start3A_843 = arith.constant 0 : i32
      %dma_start3A_844 = tpu.memref_slice %arg4[%select_n3A_816, %dma_start3A_834, %rem3A_818, %dma_start3A_842, %dma_start3A_843] : memref<50x4x128x8x128xf32, #tpu.memory_space<hbm>> -> memref<1x1x1x8x128xf32, #tpu.memory_space<hbm>>
      %dma_start3A_845 = tpu.memref_squeeze %dma_start3A_844 : memref<1x1x1x8x128xf32, #tpu.memory_space<hbm>> -> memref<8x128xf32, #tpu.memory_space<hbm>>
      %dma_start3A_846 = arith.constant 8 : i32
      %dma_start3A_847 = arith.constant 0 : i32
      %dma_start3A_848 = tpu.memref_slice %arg8[%dma_start3A_846, %dma_start3A_847] : memref<32x128xf32, #tpu.memory_space<vmem>> -> memref<8x128xf32, #tpu.memory_space<vmem>>
      tpu.enqueue_dma source(%dma_start3A_848 : memref<8x128xf32, #tpu.memory_space<vmem>>) target(%dma_start3A_845 : memref<8x128xf32, #tpu.memory_space<hbm>>) target_semaphore(%arg11 : memref<!tpu.dma_semaphore, #tpu.memory_space<semaphore_mem>>)
      %dma_start3A_849 = arith.constant 2 : i32
      %dma_start3A_850 = arith.constant 16 : i32
      %dma_start3A_851 = arith.constant 0 : i32
      %dma_start3A_852 = tpu.memref_slice %arg8[%dma_start3A_850, %dma_start3A_851] : memref<32x128xf32, #tpu.memory_space<vmem>> -> memref<8x128xf32, #tpu.memory_space<vmem>>
      %dma_start3A_853 = arith.constant 0 : i32
      %dma_start3A_854 = arith.constant 0 : i32
      %dma_start3A_855 = tpu.memref_slice %arg4[%select_n3A_816, %dma_start3A_849, %rem3A_818, %dma_start3A_853, %dma_start3A_854] : memref<50x4x128x8x128xf32, #tpu.memory_space<hbm>> -> memref<1x1x1x8x128xf32, #tpu.memory_space<hbm>>
      %dma_start3A_856 = tpu.memref_squeeze %dma_start3A_855 : memref<1x1x1x8x128xf32, #tpu.memory_space<hbm>> -> memref<8x128xf32, #tpu.memory_space<hbm>>
      %dma_start3A_857 = arith.constant 0 : i32
      %dma_start3A_858 = arith.constant 0 : i32
      %dma_start3A_859 = tpu.memref_slice %arg4[%select_n3A_816, %dma_start3A_849, %rem3A_818, %dma_start3A_857, %dma_start3A_858] : memref<50x4x128x8x128xf32, #tpu.memory_space<hbm>> -> memref<1x1x1x8x128xf32, #tpu.memory_space<hbm>>
      %dma_start3A_860 = tpu.memref_squeeze %dma_start3A_859 : memref<1x1x1x8x128xf32, #tpu.memory_space<hbm>> -> memref<8x128xf32, #tpu.memory_space<hbm>>
      %dma_start3A_861 = arith.constant 16 : i32
      %dma_start3A_862 = arith.constant 0 : i32
      %dma_start3A_863 = tpu.memref_slice %arg8[%dma_start3A_861, %dma_start3A_862] : memref<32x128xf32, #tpu.memory_space<vmem>> -> memref<8x128xf32, #tpu.memory_space<vmem>>
      tpu.enqueue_dma source(%dma_start3A_863 : memref<8x128xf32, #tpu.memory_space<vmem>>) target(%dma_start3A_860 : memref<8x128xf32, #tpu.memory_space<hbm>>) target_semaphore(%arg11 : memref<!tpu.dma_semaphore, #tpu.memory_space<semaphore_mem>>)
      %dma_start3A_864 = arith.constant 3 : i32
      %dma_start3A_865 = arith.constant 24 : i32
      %dma_start3A_866 = arith.constant 0 : i32
      %dma_start3A_867 = tpu.memref_slice %arg8[%dma_start3A_865, %dma_start3A_866] : memref<32x128xf32, #tpu.memory_space<vmem>> -> memref<8x128xf32, #tpu.memory_space<vmem>>
      %dma_start3A_868 = arith.constant 0 : i32
      %dma_start3A_869 = arith.constant 0 : i32
      %dma_start3A_870 = tpu.memref_slice %arg4[%select_n3A_816, %dma_start3A_864, %rem3A_818, %dma_start3A_868, %dma_start3A_869] : memref<50x4x128x8x128xf32, #tpu.memory_space<hbm>> -> memref<1x1x1x8x128xf32, #tpu.memory_space<hbm>>
      %dma_start3A_871 = tpu.memref_squeeze %dma_start3A_870 : memref<1x1x1x8x128xf32, #tpu.memory_space<hbm>> -> memref<8x128xf32, #tpu.memory_space<hbm>>
      %dma_start3A_872 = arith.constant 0 : i32
      %dma_start3A_873 = arith.constant 0 : i32
      %dma_start3A_874 = tpu.memref_slice %arg4[%select_n3A_816, %dma_start3A_864, %rem3A_818, %dma_start3A_872, %dma_start3A_873] : memref<50x4x128x8x128xf32, #tpu.memory_space<hbm>> -> memref<1x1x1x8x128xf32, #tpu.memory_space<hbm>>
      %dma_start3A_875 = tpu.memref_squeeze %dma_start3A_874 : memref<1x1x1x8x128xf32, #tpu.memory_space<hbm>> -> memref<8x128xf32, #tpu.memory_space<hbm>>
      %dma_start3A_876 = arith.constant 24 : i32
      %dma_start3A_877 = arith.constant 0 : i32
      %dma_start3A_878 = tpu.memref_slice %arg8[%dma_start3A_876, %dma_start3A_877] : memref<32x128xf32, #tpu.memory_space<vmem>> -> memref<8x128xf32, #tpu.memory_space<vmem>>
      tpu.enqueue_dma source(%dma_start3A_878 : memref<8x128xf32, #tpu.memory_space<vmem>>) target(%dma_start3A_875 : memref<8x128xf32, #tpu.memory_space<hbm>>) target_semaphore(%arg11 : memref<!tpu.dma_semaphore, #tpu.memory_space<semaphore_mem>>)
      %add3A_879 = arith.constant 2 : i32
      %add3A_880 = arith.addi %mul3A_709, %add3A_879 : i32
      %dma_start3A_881 = arith.constant 0 : i32
      %dma_start3A_882 = tpu.memref_slice %arg5[%add3A_880, %dma_start3A_881] : memref<200x128xi32, #tpu.memory_space<vmem>> -> memref<1x128xi32, #tpu.memory_space<vmem>>
      %dma_start3A_883 = tpu.memref_squeeze %dma_start3A_882 : memref<1x128xi32, #tpu.memory_space<vmem>> -> memref<128xi32, #tpu.memory_space<vmem>>
      %dma_start3A_884 = arith.constant 0 : i32
      %dma_start3A_885 = arith.constant 0 : i32
      %dma_start3A_886 = tpu.memref_slice %arg3[%dma_start3A_884, %dma_start3A_885] : memref<1000000x32xf32, #tpu.memory_space<hbm>> -> memref<1000000x32xf32, #tpu.memory_space<hbm>>
      tpu.enqueue_indirect_dma source(%dma_start3A_886 : memref<1000000x32xf32, #tpu.memory_space<hbm>>) target(%arg6 : memref<128x32xf32, #tpu.memory_space<vmem>>) offsets(%dma_start3A_883 : memref<128xi32, #tpu.memory_space<vmem>>) semaphore(%arg10 : memref<!tpu.dma_semaphore, #tpu.memory_space<semaphore_mem>>)
      %mul3A_887 = arith.constant 2 : i32
      %mul3A_888 = arith.muli %mul3A_887, %scan3A_707 : i32
      %add3A_889 = arith.constant 1 : i32
      %add3A_890 = arith.addi %mul3A_888, %add3A_889 : i32
      %dma_wait3A_891 = arith.constant 0 : i32
      %dma_wait3A_892 = arith.constant 0 : i32
      %dma_wait3A_893 = arith.constant 0 : i32
      %dma_wait3A_894 = arith.constant 0 : i32
      %dma_wait3A_895 = arith.constant 0 : i32
      %dma_wait3A_896 = tpu.memref_slice %arg9[%dma_wait3A_894, %dma_wait3A_895] : memref<32x128xf32, #tpu.memory_space<vmem>> -> memref<8x128xf32, #tpu.memory_space<vmem>>
      %dma_wait3A_897 = arith.constant 0 : i32
      %dma_wait3A_898 = arith.constant 0 : i32
      %dma_wait3A_899 = tpu.memref_slice %arg4[%dma_wait3A_891, %dma_wait3A_892, %dma_wait3A_893, %dma_wait3A_897, %dma_wait3A_898] : memref<50x4x128x8x128xf32, #tpu.memory_space<hbm>> -> memref<1x1x1x8x128xf32, #tpu.memory_space<hbm>>
      %dma_wait3A_900 = tpu.memref_squeeze %dma_wait3A_899 : memref<1x1x1x8x128xf32, #tpu.memory_space<hbm>> -> memref<8x128xf32, #tpu.memory_space<hbm>>
      %dma_wait3A_901 = arith.constant 0 : i32
      %dma_wait3A_902 = arith.constant 0 : i32
      %dma_wait3A_903 = tpu.memref_slice %arg9[%dma_wait3A_901, %dma_wait3A_902] : memref<32x128xf32, #tpu.memory_space<vmem>> -> memref<8x128xf32, #tpu.memory_space<vmem>>
      %dma_wait3A_904 = arith.constant 0 : i32
      %dma_wait3A_905 = arith.constant 0 : i32
      %dma_wait3A_906 = tpu.memref_slice %arg4[%dma_wait3A_891, %dma_wait3A_892, %dma_wait3A_893, %dma_wait3A_904, %dma_wait3A_905] : memref<50x4x128x8x128xf32, #tpu.memory_space<hbm>> -> memref<1x1x1x8x128xf32, #tpu.memory_space<hbm>>
      %dma_wait3A_907 = tpu.memref_squeeze %dma_wait3A_906 : memref<1x1x1x8x128xf32, #tpu.memory_space<hbm>> -> memref<8x128xf32, #tpu.memory_space<hbm>>
      tpu.wait_dma2 semaphore(%arg11 : memref<!tpu.dma_semaphore, #tpu.memory_space<semaphore_mem>>) src(%dma_wait3A_907 : memref<8x128xf32, #tpu.memory_space<hbm>>) dst(%dma_wait3A_903 : memref<8x128xf32, #tpu.memory_space<vmem>>)
      %dma_wait3A_908 = arith.constant 0 : i32
      %dma_wait3A_909 = arith.constant 0 : i32
      %dma_wait3A_910 = arith.constant 0 : i32
      %dma_wait3A_911 = arith.constant 8 : i32
      %dma_wait3A_912 = arith.constant 0 : i32
      %dma_wait3A_913 = tpu.memref_slice %arg9[%dma_wait3A_911, %dma_wait3A_912] : memref<32x128xf32, #tpu.memory_space<vmem>> -> memref<8x128xf32, #tpu.memory_space<vmem>>
      %dma_wait3A_914 = arith.constant 0 : i32
      %dma_wait3A_915 = arith.constant 0 : i32
      %dma_wait3A_916 = tpu.memref_slice %arg4[%dma_wait3A_908, %dma_wait3A_909, %dma_wait3A_910, %dma_wait3A_914, %dma_wait3A_915] : memref<50x4x128x8x128xf32, #tpu.memory_space<hbm>> -> memref<1x1x1x8x128xf32, #tpu.memory_space<hbm>>
      %dma_wait3A_917 = tpu.memref_squeeze %dma_wait3A_916 : memref<1x1x1x8x128xf32, #tpu.memory_space<hbm>> -> memref<8x128xf32, #tpu.memory_space<hbm>>
      %dma_wait3A_918 = arith.constant 8 : i32
      %dma_wait3A_919 = arith.constant 0 : i32
      %dma_wait3A_920 = tpu.memref_slice %arg9[%dma_wait3A_918, %dma_wait3A_919] : memref<32x128xf32, #tpu.memory_space<vmem>> -> memref<8x128xf32, #tpu.memory_space<vmem>>
      %dma_wait3A_921 = arith.constant 0 : i32
      %dma_wait3A_922 = arith.constant 0 : i32
      %dma_wait3A_923 = tpu.memref_slice %arg4[%dma_wait3A_908, %dma_wait3A_909, %dma_wait3A_910, %dma_wait3A_921, %dma_wait3A_922] : memref<50x4x128x8x128xf32, #tpu.memory_space<hbm>> -> memref<1x1x1x8x128xf32, #tpu.memory_space<hbm>>
      %dma_wait3A_924 = tpu.memref_squeeze %dma_wait3A_923 : memref<1x1x1x8x128xf32, #tpu.memory_space<hbm>> -> memref<8x128xf32, #tpu.memory_space<hbm>>
      tpu.wait_dma2 semaphore(%arg11 : memref<!tpu.dma_semaphore, #tpu.memory_space<semaphore_mem>>) src(%dma_wait3A_924 : memref<8x128xf32, #tpu.memory_space<hbm>>) dst(%dma_wait3A_920 : memref<8x128xf32, #tpu.memory_space<vmem>>)
      %dma_wait3A_925 = arith.constant 0 : i32
      %dma_wait3A_926 = arith.constant 0 : i32
      %dma_wait3A_927 = arith.constant 0 : i32
      %dma_wait3A_928 = arith.constant 16 : i32
      %dma_wait3A_929 = arith.constant 0 : i32
      %dma_wait3A_930 = tpu.memref_slice %arg9[%dma_wait3A_928, %dma_wait3A_929] : memref<32x128xf32, #tpu.memory_space<vmem>> -> memref<8x128xf32, #tpu.memory_space<vmem>>
      %dma_wait3A_931 = arith.constant 0 : i32
      %dma_wait3A_932 = arith.constant 0 : i32
      %dma_wait3A_933 = tpu.memref_slice %arg4[%dma_wait3A_925, %dma_wait3A_926, %dma_wait3A_927, %dma_wait3A_931, %dma_wait3A_932] : memref<50x4x128x8x128xf32, #tpu.memory_space<hbm>> -> memref<1x1x1x8x128xf32, #tpu.memory_space<hbm>>
      %dma_wait3A_934 = tpu.memref_squeeze %dma_wait3A_933 : memref<1x1x1x8x128xf32, #tpu.memory_space<hbm>> -> memref<8x128xf32, #tpu.memory_space<hbm>>
      %dma_wait3A_935 = arith.constant 16 : i32
      %dma_wait3A_936 = arith.constant 0 : i32
      %dma_wait3A_937 = tpu.memref_slice %arg9[%dma_wait3A_935, %dma_wait3A_936] : memref<32x128xf32, #tpu.memory_space<vmem>> -> memref<8x128xf32, #tpu.memory_space<vmem>>
      %dma_wait3A_938 = arith.constant 0 : i32
      %dma_wait3A_939 = arith.constant 0 : i32
      %dma_wait3A_940 = tpu.memref_slice %arg4[%dma_wait3A_925, %dma_wait3A_926, %dma_wait3A_927, %dma_wait3A_938, %dma_wait3A_939] : memref<50x4x128x8x128xf32, #tpu.memory_space<hbm>> -> memref<1x1x1x8x128xf32, #tpu.memory_space<hbm>>
      %dma_wait3A_941 = tpu.memref_squeeze %dma_wait3A_940 : memref<1x1x1x8x128xf32, #tpu.memory_space<hbm>> -> memref<8x128xf32, #tpu.memory_space<hbm>>
      tpu.wait_dma2 semaphore(%arg11 : memref<!tpu.dma_semaphore, #tpu.memory_space<semaphore_mem>>) src(%dma_wait3A_941 : memref<8x128xf32, #tpu.memory_space<hbm>>) dst(%dma_wait3A_937 : memref<8x128xf32, #tpu.memory_space<vmem>>)
      %dma_wait3A_942 = arith.constant 0 : i32
      %dma_wait3A_943 = arith.constant 0 : i32
      %dma_wait3A_944 = arith.constant 0 : i32
      %dma_wait3A_945 = arith.constant 24 : i32
      %dma_wait3A_946 = arith.constant 0 : i32
      %dma_wait3A_947 = tpu.memref_slice %arg9[%dma_wait3A_945, %dma_wait3A_946] : memref<32x128xf32, #tpu.memory_space<vmem>> -> memref<8x128xf32, #tpu.memory_space<vmem>>
      %dma_wait3A_948 = arith.constant 0 : i32
      %dma_wait3A_949 = arith.constant 0 : i32
      %dma_wait3A_950 = tpu.memref_slice %arg4[%dma_wait3A_942, %dma_wait3A_943, %dma_wait3A_944, %dma_wait3A_948, %dma_wait3A_949] : memref<50x4x128x8x128xf32, #tpu.memory_space<hbm>> -> memref<1x1x1x8x128xf32, #tpu.memory_space<hbm>>
      %dma_wait3A_951 = tpu.memref_squeeze %dma_wait3A_950 : memref<1x1x1x8x128xf32, #tpu.memory_space<hbm>> -> memref<8x128xf32, #tpu.memory_space<hbm>>
      %dma_wait3A_952 = arith.constant 24 : i32
      %dma_wait3A_953 = arith.constant 0 : i32
      %dma_wait3A_954 = tpu.memref_slice %arg9[%dma_wait3A_952, %dma_wait3A_953] : memref<32x128xf32, #tpu.memory_space<vmem>> -> memref<8x128xf32, #tpu.memory_space<vmem>>
      %dma_wait3A_955 = arith.constant 0 : i32
      %dma_wait3A_956 = arith.constant 0 : i32
      %dma_wait3A_957 = tpu.memref_slice %arg4[%dma_wait3A_942, %dma_wait3A_943, %dma_wait3A_944, %dma_wait3A_955, %dma_wait3A_956] : memref<50x4x128x8x128xf32, #tpu.memory_space<hbm>> -> memref<1x1x1x8x128xf32, #tpu.memory_space<hbm>>
      %dma_wait3A_958 = tpu.memref_squeeze %dma_wait3A_957 : memref<1x1x1x8x128xf32, #tpu.memory_space<hbm>> -> memref<8x128xf32, #tpu.memory_space<hbm>>
      tpu.wait_dma2 semaphore(%arg11 : memref<!tpu.dma_semaphore, #tpu.memory_space<semaphore_mem>>) src(%dma_wait3A_958 : memref<8x128xf32, #tpu.memory_space<hbm>>) dst(%dma_wait3A_954 : memref<8x128xf32, #tpu.memory_space<vmem>>)
      %dma_wait3A_959 = arith.constant 0 : i32
      %dma_wait3A_960 = arith.constant 0 : i32
      %dma_wait3A_961 = tpu.memref_slice %arg3[%dma_wait3A_959, %dma_wait3A_960] : memref<1000000x32xf32, #tpu.memory_space<hbm>> -> memref<128x32xf32, #tpu.memory_space<hbm>>
      %dma_wait3A_962 = arith.constant 0 : i32
      %dma_wait3A_963 = arith.constant 0 : i32
      %dma_wait3A_964 = tpu.memref_slice %arg3[%dma_wait3A_962, %dma_wait3A_963] : memref<1000000x32xf32, #tpu.memory_space<hbm>> -> memref<128x32xf32, #tpu.memory_space<hbm>>
      tpu.wait_dma2 semaphore(%arg10 : memref<!tpu.dma_semaphore, #tpu.memory_space<semaphore_mem>>) src(%dma_wait3A_964 : memref<128x32xf32, #tpu.memory_space<hbm>>) dst(%arg7 : memref<128x32xf32, #tpu.memory_space<vmem>>)
      %scan3A_965 = arith.constant 0 : i32
      %scan3A_966 = arith.constant 0 : i32
      %scan3A_967 = arith.constant 16 : i32
      %scan3A_968 = arith.addi %scan3A_966, %scan3A_967 : i32
      %scan3A_969 = arith.constant 1 : i32
      scf.for %scan3A_1068 = %scan3A_966 to %scan3A_968 step %scan3A_969  : i32 {
        %mul3A_1069 = arith.constant 8 : i32
        %mul3A_1070 = arith.muli %scan3A_1068, %mul3A_1069 : i32
        %add3A_1071 = arith.constant 0 : i32
        %add3A_1072 = arith.addi %mul3A_1070, %add3A_1071 : i32
        %broadcast_in_dim3A = vector.broadcast %add3A_1072 : i32 to vector<16xi32>
        %get3A = arith.index_cast %add3A_1072 : i32 to index
        %get3A_1073 = arith.constant 0 : index
        %get3A_1074 = tpu.vector_load %arg7[%get3A, %get3A_1073] {strides = array<i32>} : memref<128x32xf32, #tpu.memory_space<vmem>>, vector<16xf32>,
        %get3A_1075 = arith.index_cast %add3A_1072 : i32 to index
        %get3A_1076 = arith.constant 16 : index
        %get3A_1077 = tpu.vector_load %arg7[%get3A_1075, %get3A_1076] {strides = array<i32>} : memref<128x32xf32, #tpu.memory_space<vmem>>, vector<16xf32>,
        tpu.vector_store_idx %arg9[%iota3A, %broadcast_in_dim3A], %get3A_1074 : memref<32x128xf32, #tpu.memory_space<vmem>>[vector<16xi32>, vector<16xi32>], vector<16xf32>,
        tpu.vector_store_idx %arg9[%add3A_3, %broadcast_in_dim3A], %get3A_1077 : memref<32x128xf32, #tpu.memory_space<vmem>>[vector<16xi32>, vector<16xi32>], vector<16xf32>,
        %mul3A_1078 = arith.constant 8 : i32
        %mul3A_1079 = arith.muli %scan3A_1068, %mul3A_1078 : i32
        %add3A_1080 = arith.constant 1 : i32
        %add3A_1081 = arith.addi %mul3A_1079, %add3A_1080 : i32
        %broadcast_in_dim3A_1082 = vector.broadcast %add3A_1081 : i32 to vector<16xi32>
        %get3A_1083 = arith.index_cast %add3A_1081 : i32 to index
        %get3A_1084 = arith.constant 0 : index
        %get3A_1085 = tpu.vector_load %arg7[%get3A_1083, %get3A_1084] {strides = array<i32>} : memref<128x32xf32, #tpu.memory_space<vmem>>, vector<16xf32>,
        %get3A_1086 = arith.index_cast %add3A_1081 : i32 to index
        %get3A_1087 = arith.constant 16 : index
        %get3A_1088 = tpu.vector_load %arg7[%get3A_1086, %get3A_1087] {strides = array<i32>} : memref<128x32xf32, #tpu.memory_space<vmem>>, vector<16xf32>,
        tpu.vector_store_idx %arg9[%iota3A, %broadcast_in_dim3A_1082], %get3A_1085 : memref<32x128xf32, #tpu.memory_space<vmem>>[vector<16xi32>, vector<16xi32>], vector<16xf32>,
        tpu.vector_store_idx %arg9[%add3A_3, %broadcast_in_dim3A_1082], %get3A_1088 : memref<32x128xf32, #tpu.memory_space<vmem>>[vector<16xi32>, vector<16xi32>], vector<16xf32>,
        %mul3A_1089 = arith.constant 8 : i32
        %mul3A_1090 = arith.muli %scan3A_1068, %mul3A_1089 : i32
        %add3A_1091 = arith.constant 2 : i32
        %add3A_1092 = arith.addi %mul3A_1090, %add3A_1091 : i32
        %broadcast_in_dim3A_1093 = vector.broadcast %add3A_1092 : i32 to vector<16xi32>
        %get3A_1094 = arith.index_cast %add3A_1092 : i32 to index
        %get3A_1095 = arith.constant 0 : index
        %get3A_1096 = tpu.vector_load %arg7[%get3A_1094, %get3A_1095] {strides = array<i32>} : memref<128x32xf32, #tpu.memory_space<vmem>>, vector<16xf32>,
        %get3A_1097 = arith.index_cast %add3A_1092 : i32 to index
        %get3A_1098 = arith.constant 16 : index
        %get3A_1099 = tpu.vector_load %arg7[%get3A_1097, %get3A_1098] {strides = array<i32>} : memref<128x32xf32, #tpu.memory_space<vmem>>, vector<16xf32>,
        tpu.vector_store_idx %arg9[%iota3A, %broadcast_in_dim3A_1093], %get3A_1096 : memref<32x128xf32, #tpu.memory_space<vmem>>[vector<16xi32>, vector<16xi32>], vector<16xf32>,
        tpu.vector_store_idx %arg9[%add3A_3, %broadcast_in_dim3A_1093], %get3A_1099 : memref<32x128xf32, #tpu.memory_space<vmem>>[vector<16xi32>, vector<16xi32>], vector<16xf32>,
        %mul3A_1100 = arith.constant 8 : i32
        %mul3A_1101 = arith.muli %scan3A_1068, %mul3A_1100 : i32
        %add3A_1102 = arith.constant 3 : i32
        %add3A_1103 = arith.addi %mul3A_1101, %add3A_1102 : i32
        %broadcast_in_dim3A_1104 = vector.broadcast %add3A_1103 : i32 to vector<16xi32>
        %get3A_1105 = arith.index_cast %add3A_1103 : i32 to index
        %get3A_1106 = arith.constant 0 : index
        %get3A_1107 = tpu.vector_load %arg7[%get3A_1105, %get3A_1106] {strides = array<i32>} : memref<128x32xf32, #tpu.memory_space<vmem>>, vector<16xf32>,
        %get3A_1108 = arith.index_cast %add3A_1103 : i32 to index
        %get3A_1109 = arith.constant 16 : index
        %get3A_1110 = tpu.vector_load %arg7[%get3A_1108, %get3A_1109] {strides = array<i32>} : memref<128x32xf32, #tpu.memory_space<vmem>>, vector<16xf32>,
        tpu.vector_store_idx %arg9[%iota3A, %broadcast_in_dim3A_1104], %get3A_1107 : memref<32x128xf32, #tpu.memory_space<vmem>>[vector<16xi32>, vector<16xi32>], vector<16xf32>,
        tpu.vector_store_idx %arg9[%add3A_3, %broadcast_in_dim3A_1104], %get3A_1110 : memref<32x128xf32, #tpu.memory_space<vmem>>[vector<16xi32>, vector<16xi32>], vector<16xf32>,
        %mul3A_1111 = arith.constant 8 : i32
        %mul3A_1112 = arith.muli %scan3A_1068, %mul3A_1111 : i32
        %add3A_1113 = arith.constant 4 : i32
        %add3A_1114 = arith.addi %mul3A_1112, %add3A_1113 : i32
        %broadcast_in_dim3A_1115 = vector.broadcast %add3A_1114 : i32 to vector<16xi32>
        %get3A_1116 = arith.index_cast %add3A_1114 : i32 to index
        %get3A_1117 = arith.constant 0 : index
        %get3A_1118 = tpu.vector_load %arg7[%get3A_1116, %get3A_1117] {strides = array<i32>} : memref<128x32xf32, #tpu.memory_space<vmem>>, vector<16xf32>,
        %get3A_1119 = arith.index_cast %add3A_1114 : i32 to index
        %get3A_1120 = arith.constant 16 : index
        %get3A_1121 = tpu.vector_load %arg7[%get3A_1119, %get3A_1120] {strides = array<i32>} : memref<128x32xf32, #tpu.memory_space<vmem>>, vector<16xf32>,
        tpu.vector_store_idx %arg9[%iota3A, %broadcast_in_dim3A_1115], %get3A_1118 : memref<32x128xf32, #tpu.memory_space<vmem>>[vector<16xi32>, vector<16xi32>], vector<16xf32>,
        tpu.vector_store_idx %arg9[%add3A_3, %broadcast_in_dim3A_1115], %get3A_1121 : memref<32x128xf32, #tpu.memory_space<vmem>>[vector<16xi32>, vector<16xi32>], vector<16xf32>,
        %mul3A_1122 = arith.constant 8 : i32
        %mul3A_1123 = arith.muli %scan3A_1068, %mul3A_1122 : i32
        %add3A_1124 = arith.constant 5 : i32
        %add3A_1125 = arith.addi %mul3A_1123, %add3A_1124 : i32
        %broadcast_in_dim3A_1126 = vector.broadcast %add3A_1125 : i32 to vector<16xi32>
        %get3A_1127 = arith.index_cast %add3A_1125 : i32 to index
        %get3A_1128 = arith.constant 0 : index
        %get3A_1129 = tpu.vector_load %arg7[%get3A_1127, %get3A_1128] {strides = array<i32>} : memref<128x32xf32, #tpu.memory_space<vmem>>, vector<16xf32>,
        %get3A_1130 = arith.index_cast %add3A_1125 : i32 to index
        %get3A_1131 = arith.constant 16 : index
        %get3A_1132 = tpu.vector_load %arg7[%get3A_1130, %get3A_1131] {strides = array<i32>} : memref<128x32xf32, #tpu.memory_space<vmem>>, vector<16xf32>,
        tpu.vector_store_idx %arg9[%iota3A, %broadcast_in_dim3A_1126], %get3A_1129 : memref<32x128xf32, #tpu.memory_space<vmem>>[vector<16xi32>, vector<16xi32>], vector<16xf32>,
        tpu.vector_store_idx %arg9[%add3A_3, %broadcast_in_dim3A_1126], %get3A_1132 : memref<32x128xf32, #tpu.memory_space<vmem>>[vector<16xi32>, vector<16xi32>], vector<16xf32>,
        %mul3A_1133 = arith.constant 8 : i32
        %mul3A_1134 = arith.muli %scan3A_1068, %mul3A_1133 : i32
        %add3A_1135 = arith.constant 6 : i32
        %add3A_1136 = arith.addi %mul3A_1134, %add3A_1135 : i32
        %broadcast_in_dim3A_1137 = vector.broadcast %add3A_1136 : i32 to vector<16xi32>
        %get3A_1138 = arith.index_cast %add3A_1136 : i32 to index
        %get3A_1139 = arith.constant 0 : index
        %get3A_1140 = tpu.vector_load %arg7[%get3A_1138, %get3A_1139] {strides = array<i32>} : memref<128x32xf32, #tpu.memory_space<vmem>>, vector<16xf32>,
        %get3A_1141 = arith.index_cast %add3A_1136 : i32 to index
        %get3A_1142 = arith.constant 16 : index
        %get3A_1143 = tpu.vector_load %arg7[%get3A_1141, %get3A_1142] {strides = array<i32>} : memref<128x32xf32, #tpu.memory_space<vmem>>, vector<16xf32>,
        tpu.vector_store_idx %arg9[%iota3A, %broadcast_in_dim3A_1137], %get3A_1140 : memref<32x128xf32, #tpu.memory_space<vmem>>[vector<16xi32>, vector<16xi32>], vector<16xf32>,
        tpu.vector_store_idx %arg9[%add3A_3, %broadcast_in_dim3A_1137], %get3A_1143 : memref<32x128xf32, #tpu.memory_space<vmem>>[vector<16xi32>, vector<16xi32>], vector<16xf32>,
        %mul3A_1144 = arith.constant 8 : i32
        %mul3A_1145 = arith.muli %scan3A_1068, %mul3A_1144 : i32
        %add3A_1146 = arith.constant 7 : i32
        %add3A_1147 = arith.addi %mul3A_1145, %add3A_1146 : i32
        %broadcast_in_dim3A_1148 = vector.broadcast %add3A_1147 : i32 to vector<16xi32>
        %get3A_1149 = arith.index_cast %add3A_1147 : i32 to index
        %get3A_1150 = arith.constant 0 : index
        %get3A_1151 = tpu.vector_load %arg7[%get3A_1149, %get3A_1150] {strides = array<i32>} : memref<128x32xf32, #tpu.memory_space<vmem>>, vector<16xf32>,
        %get3A_1152 = arith.index_cast %add3A_1147 : i32 to index
        %get3A_1153 = arith.constant 16 : index
        %get3A_1154 = tpu.vector_load %arg7[%get3A_1152, %get3A_1153] {strides = array<i32>} : memref<128x32xf32, #tpu.memory_space<vmem>>, vector<16xf32>,
        tpu.vector_store_idx %arg9[%iota3A, %broadcast_in_dim3A_1148], %get3A_1151 : memref<32x128xf32, #tpu.memory_space<vmem>>[vector<16xi32>, vector<16xi32>], vector<16xf32>,
        tpu.vector_store_idx %arg9[%add3A_3, %broadcast_in_dim3A_1148], %get3A_1154 : memref<32x128xf32, #tpu.memory_space<vmem>>[vector<16xi32>, vector<16xi32>], vector<16xf32>,
      }
      %scan3A_970 = arith.constant 16 : i32
      %mul3A_971 = arith.constant 200 : i32
      %mul3A_972 = arith.muli %add3A, %mul3A_971 : i32
      %add3A_973 = arith.addi %mul3A_972, %add3A_890 : i32
      %jit3A_974 = arith.constant 128 : i32
      %div3A_975 = arith.divsi %add3A_973, %jit3A_974 : i32
      %sign3A_976 = arith.constant 0 : i32
      %sign3A_977 = arith.cmpi sgt, %add3A_973, %sign3A_976 : i32
      %sign3A_978 = arith.extui %sign3A_977 : i1 to i32
      %sign3A_979 = arith.constant 0 : i32
      %sign3A_980 = arith.cmpi slt, %add3A_973, %sign3A_979 : i32
      %sign3A_981 = arith.extui %sign3A_980 : i1 to i32
      %sign3A_982 = arith.subi %sign3A_978, %sign3A_981 : i32
      %sign3A_983 = arith.constant 0 : i32
      %sign3A_984 = arith.cmpi sgt, %jit3A_974, %sign3A_983 : i32
      %sign3A_985 = arith.extui %sign3A_984 : i1 to i32
      %sign3A_986 = arith.constant 0 : i32
      %sign3A_987 = arith.cmpi slt, %jit3A_974, %sign3A_986 : i32
      %sign3A_988 = arith.extui %sign3A_987 : i1 to i32
      %sign3A_989 = arith.subi %sign3A_985, %sign3A_988 : i32
      %ne3A_990 = arith.cmpi ne, %sign3A_982, %sign3A_989 : i32
      %rem3A_991 = arith.remsi %add3A_973, %jit3A_974 : i32
      %ne3A_992 = arith.constant 0 : i32
      %ne3A_993 = arith.cmpi ne, %rem3A_991, %ne3A_992 : i32
      %and3A_994 = arith.andi %ne3A_990, %ne3A_993 : i1
      %sub3A_995 = arith.constant 1 : i32
      %sub3A_996 = arith.subi %div3A_975, %sub3A_995 : i32
      %select_n3A_997 = arith.select %and3A_994, %sub3A_996, %div3A_975 : i32
      %rem3A_998 = arith.constant 128 : i32
      %rem3A_999 = arith.remsi %add3A_973, %rem3A_998 : i32
      %dma_start3A_1000 = arith.constant 0 : i32
      %dma_start3A_1001 = arith.constant 0 : i32
      %dma_start3A_1002 = arith.constant 0 : i32
      %dma_start3A_1003 = tpu.memref_slice %arg9[%dma_start3A_1001, %dma_start3A_1002] : memref<32x128xf32, #tpu.memory_space<vmem>> -> memref<8x128xf32, #tpu.memory_space<vmem>>
      %dma_start3A_1004 = arith.constant 0 : i32
      %dma_start3A_1005 = arith.constant 0 : i32
      %dma_start3A_1006 = tpu.memref_slice %arg4[%select_n3A_997, %dma_start3A_1000, %rem3A_999, %dma_start3A_1004, %dma_start3A_1005] : memref<50x4x128x8x128xf32, #tpu.memory_space<hbm>> -> memref<1x1x1x8x128xf32, #tpu.memory_space<hbm>>
      %dma_start3A_1007 = tpu.memref_squeeze %dma_start3A_1006 : memref<1x1x1x8x128xf32, #tpu.memory_space<hbm>> -> memref<8x128xf32, #tpu.memory_space<hbm>>
      %dma_start3A_1008 = arith.constant 0 : i32
      %dma_start3A_1009 = arith.constant 0 : i32
      %dma_start3A_1010 = tpu.memref_slice %arg4[%select_n3A_997, %dma_start3A_1000, %rem3A_999, %dma_start3A_1008, %dma_start3A_1009] : memref<50x4x128x8x128xf32, #tpu.memory_space<hbm>> -> memref<1x1x1x8x128xf32, #tpu.memory_space<hbm>>
      %dma_start3A_1011 = tpu.memref_squeeze %dma_start3A_1010 : memref<1x1x1x8x128xf32, #tpu.memory_space<hbm>> -> memref<8x128xf32, #tpu.memory_space<hbm>>
      %dma_start3A_1012 = arith.constant 0 : i32
      %dma_start3A_1013 = arith.constant 0 : i32
      %dma_start3A_1014 = tpu.memref_slice %arg9[%dma_start3A_1012, %dma_start3A_1013] : memref<32x128xf32, #tpu.memory_space<vmem>> -> memref<8x128xf32, #tpu.memory_space<vmem>>
      tpu.enqueue_dma source(%dma_start3A_1014 : memref<8x128xf32, #tpu.memory_space<vmem>>) target(%dma_start3A_1011 : memref<8x128xf32, #tpu.memory_space<hbm>>) target_semaphore(%arg11 : memref<!tpu.dma_semaphore, #tpu.memory_space<semaphore_mem>>)
      %dma_start3A_1015 = arith.constant 1 : i32
      %dma_start3A_1016 = arith.constant 8 : i32
      %dma_start3A_1017 = arith.constant 0 : i32
      %dma_start3A_1018 = tpu.memref_slice %arg9[%dma_start3A_1016, %dma_start3A_1017] : memref<32x128xf32, #tpu.memory_space<vmem>> -> memref<8x128xf32, #tpu.memory_space<vmem>>
      %dma_start3A_1019 = arith.constant 0 : i32
      %dma_start3A_1020 = arith.constant 0 : i32
      %dma_start3A_1021 = tpu.memref_slice %arg4[%select_n3A_997, %dma_start3A_1015, %rem3A_999, %dma_start3A_1019, %dma_start3A_1020] : memref<50x4x128x8x128xf32, #tpu.memory_space<hbm>> -> memref<1x1x1x8x128xf32, #tpu.memory_space<hbm>>
      %dma_start3A_1022 = tpu.memref_squeeze %dma_start3A_1021 : memref<1x1x1x8x128xf32, #tpu.memory_space<hbm>> -> memref<8x128xf32, #tpu.memory_space<hbm>>
      %dma_start3A_1023 = arith.constant 0 : i32
      %dma_start3A_1024 = arith.constant 0 : i32
      %dma_start3A_1025 = tpu.memref_slice %arg4[%select_n3A_997, %dma_start3A_1015, %rem3A_999, %dma_start3A_1023, %dma_start3A_1024] : memref<50x4x128x8x128xf32, #tpu.memory_space<hbm>> -> memref<1x1x1x8x128xf32, #tpu.memory_space<hbm>>
      %dma_start3A_1026 = tpu.memref_squeeze %dma_start3A_1025 : memref<1x1x1x8x128xf32, #tpu.memory_space<hbm>> -> memref<8x128xf32, #tpu.memory_space<hbm>>
      %dma_start3A_1027 = arith.constant 8 : i32
      %dma_start3A_1028 = arith.constant 0 : i32
      %dma_start3A_1029 = tpu.memref_slice %arg9[%dma_start3A_1027, %dma_start3A_1028] : memref<32x128xf32, #tpu.memory_space<vmem>> -> memref<8x128xf32, #tpu.memory_space<vmem>>
      tpu.enqueue_dma source(%dma_start3A_1029 : memref<8x128xf32, #tpu.memory_space<vmem>>) target(%dma_start3A_1026 : memref<8x128xf32, #tpu.memory_space<hbm>>) target_semaphore(%arg11 : memref<!tpu.dma_semaphore, #tpu.memory_space<semaphore_mem>>)
      %dma_start3A_1030 = arith.constant 2 : i32
      %dma_start3A_1031 = arith.constant 16 : i32
      %dma_start3A_1032 = arith.constant 0 : i32
      %dma_start3A_1033 = tpu.memref_slice %arg9[%dma_start3A_1031, %dma_start3A_1032] : memref<32x128xf32, #tpu.memory_space<vmem>> -> memref<8x128xf32, #tpu.memory_space<vmem>>
      %dma_start3A_1034 = arith.constant 0 : i32
      %dma_start3A_1035 = arith.constant 0 : i32
      %dma_start3A_1036 = tpu.memref_slice %arg4[%select_n3A_997, %dma_start3A_1030, %rem3A_999, %dma_start3A_1034, %dma_start3A_1035] : memref<50x4x128x8x128xf32, #tpu.memory_space<hbm>> -> memref<1x1x1x8x128xf32, #tpu.memory_space<hbm>>
      %dma_start3A_1037 = tpu.memref_squeeze %dma_start3A_1036 : memref<1x1x1x8x128xf32, #tpu.memory_space<hbm>> -> memref<8x128xf32, #tpu.memory_space<hbm>>
      %dma_start3A_1038 = arith.constant 0 : i32
      %dma_start3A_1039 = arith.constant 0 : i32
      %dma_start3A_1040 = tpu.memref_slice %arg4[%select_n3A_997, %dma_start3A_1030, %rem3A_999, %dma_start3A_1038, %dma_start3A_1039] : memref<50x4x128x8x128xf32, #tpu.memory_space<hbm>> -> memref<1x1x1x8x128xf32, #tpu.memory_space<hbm>>
      %dma_start3A_1041 = tpu.memref_squeeze %dma_start3A_1040 : memref<1x1x1x8x128xf32, #tpu.memory_space<hbm>> -> memref<8x128xf32, #tpu.memory_space<hbm>>
      %dma_start3A_1042 = arith.constant 16 : i32
      %dma_start3A_1043 = arith.constant 0 : i32
      %dma_start3A_1044 = tpu.memref_slice %arg9[%dma_start3A_1042, %dma_start3A_1043] : memref<32x128xf32, #tpu.memory_space<vmem>> -> memref<8x128xf32, #tpu.memory_space<vmem>>
      tpu.enqueue_dma source(%dma_start3A_1044 : memref<8x128xf32, #tpu.memory_space<vmem>>) target(%dma_start3A_1041 : memref<8x128xf32, #tpu.memory_space<hbm>>) target_semaphore(%arg11 : memref<!tpu.dma_semaphore, #tpu.memory_space<semaphore_mem>>)
      %dma_start3A_1045 = arith.constant 3 : i32
      %dma_start3A_1046 = arith.constant 24 : i32
      %dma_start3A_1047 = arith.constant 0 : i32
      %dma_start3A_1048 = tpu.memref_slice %arg9[%dma_start3A_1046, %dma_start3A_1047] : memref<32x128xf32, #tpu.memory_space<vmem>> -> memref<8x128xf32, #tpu.memory_space<vmem>>
      %dma_start3A_1049 = arith.constant 0 : i32
      %dma_start3A_1050 = arith.constant 0 : i32
      %dma_start3A_1051 = tpu.memref_slice %arg4[%select_n3A_997, %dma_start3A_1045, %rem3A_999, %dma_start3A_1049, %dma_start3A_1050] : memref<50x4x128x8x128xf32, #tpu.memory_space<hbm>> -> memref<1x1x1x8x128xf32, #tpu.memory_space<hbm>>
      %dma_start3A_1052 = tpu.memref_squeeze %dma_start3A_1051 : memref<1x1x1x8x128xf32, #tpu.memory_space<hbm>> -> memref<8x128xf32, #tpu.memory_space<hbm>>
      %dma_start3A_1053 = arith.constant 0 : i32
      %dma_start3A_1054 = arith.constant 0 : i32
      %dma_start3A_1055 = tpu.memref_slice %arg4[%select_n3A_997, %dma_start3A_1045, %rem3A_999, %dma_start3A_1053, %dma_start3A_1054] : memref<50x4x128x8x128xf32, #tpu.memory_space<hbm>> -> memref<1x1x1x8x128xf32, #tpu.memory_space<hbm>>
      %dma_start3A_1056 = tpu.memref_squeeze %dma_start3A_1055 : memref<1x1x1x8x128xf32, #tpu.memory_space<hbm>> -> memref<8x128xf32, #tpu.memory_space<hbm>>
      %dma_start3A_1057 = arith.constant 24 : i32
      %dma_start3A_1058 = arith.constant 0 : i32
      %dma_start3A_1059 = tpu.memref_slice %arg9[%dma_start3A_1057, %dma_start3A_1058] : memref<32x128xf32, #tpu.memory_space<vmem>> -> memref<8x128xf32, #tpu.memory_space<vmem>>
      tpu.enqueue_dma source(%dma_start3A_1059 : memref<8x128xf32, #tpu.memory_space<vmem>>) target(%dma_start3A_1056 : memref<8x128xf32, #tpu.memory_space<hbm>>) target_semaphore(%arg11 : memref<!tpu.dma_semaphore, #tpu.memory_space<semaphore_mem>>)
      %add3A_1060 = arith.constant 2 : i32
      %add3A_1061 = arith.addi %add3A_890, %add3A_1060 : i32
      %dma_start3A_1062 = arith.constant 0 : i32
      %dma_start3A_1063 = tpu.memref_slice %arg5[%add3A_1061, %dma_start3A_1062] : memref<200x128xi32, #tpu.memory_space<vmem>> -> memref<1x128xi32, #tpu.memory_space<vmem>>
      %dma_start3A_1064 = tpu.memref_squeeze %dma_start3A_1063 : memref<1x128xi32, #tpu.memory_space<vmem>> -> memref<128xi32, #tpu.memory_space<vmem>>
      %dma_start3A_1065 = arith.constant 0 : i32
      %dma_start3A_1066 = arith.constant 0 : i32
      %dma_start3A_1067 = tpu.memref_slice %arg3[%dma_start3A_1065, %dma_start3A_1066] : memref<1000000x32xf32, #tpu.memory_space<hbm>> -> memref<1000000x32xf32, #tpu.memory_space<hbm>>
      tpu.enqueue_indirect_dma source(%dma_start3A_1067 : memref<1000000x32xf32, #tpu.memory_space<hbm>>) target(%arg7 : memref<128x32xf32, #tpu.memory_space<vmem>>) offsets(%dma_start3A_1064 : memref<128xi32, #tpu.memory_space<vmem>>) semaphore(%arg10 : memref<!tpu.dma_semaphore, #tpu.memory_space<semaphore_mem>>)
    }
    %scan3A_230 = arith.constant 98 : i32
    %dma_wait3A_231 = arith.constant 0 : i32
    %dma_wait3A_232 = arith.constant 0 : i32
    %dma_wait3A_233 = arith.constant 0 : i32
    %dma_wait3A_234 = arith.constant 0 : i32
    %dma_wait3A_235 = arith.constant 0 : i32
    %dma_wait3A_236 = tpu.memref_slice %arg8[%dma_wait3A_234, %dma_wait3A_235] : memref<32x128xf32, #tpu.memory_space<vmem>> -> memref<8x128xf32, #tpu.memory_space<vmem>>
    %dma_wait3A_237 = arith.constant 0 : i32
    %dma_wait3A_238 = arith.constant 0 : i32
    %dma_wait3A_239 = tpu.memref_slice %arg4[%dma_wait3A_231, %dma_wait3A_232, %dma_wait3A_233, %dma_wait3A_237, %dma_wait3A_238] : memref<50x4x128x8x128xf32, #tpu.memory_space<hbm>> -> memref<1x1x1x8x128xf32, #tpu.memory_space<hbm>>
    %dma_wait3A_240 = tpu.memref_squeeze %dma_wait3A_239 : memref<1x1x1x8x128xf32, #tpu.memory_space<hbm>> -> memref<8x128xf32, #tpu.memory_space<hbm>>
    %dma_wait3A_241 = arith.constant 0 : i32
    %dma_wait3A_242 = arith.constant 0 : i32
    %dma_wait3A_243 = tpu.memref_slice %arg8[%dma_wait3A_241, %dma_wait3A_242] : memref<32x128xf32, #tpu.memory_space<vmem>> -> memref<8x128xf32, #tpu.memory_space<vmem>>
    %dma_wait3A_244 = arith.constant 0 : i32
    %dma_wait3A_245 = arith.constant 0 : i32
    %dma_wait3A_246 = tpu.memref_slice %arg4[%dma_wait3A_231, %dma_wait3A_232, %dma_wait3A_233, %dma_wait3A_244, %dma_wait3A_245] : memref<50x4x128x8x128xf32, #tpu.memory_space<hbm>> -> memref<1x1x1x8x128xf32, #tpu.memory_space<hbm>>
    %dma_wait3A_247 = tpu.memref_squeeze %dma_wait3A_246 : memref<1x1x1x8x128xf32, #tpu.memory_space<hbm>> -> memref<8x128xf32, #tpu.memory_space<hbm>>
    tpu.wait_dma2 semaphore(%arg11 : memref<!tpu.dma_semaphore, #tpu.memory_space<semaphore_mem>>) src(%dma_wait3A_247 : memref<8x128xf32, #tpu.memory_space<hbm>>) dst(%dma_wait3A_243 : memref<8x128xf32, #tpu.memory_space<vmem>>)
    %dma_wait3A_248 = arith.constant 0 : i32
    %dma_wait3A_249 = arith.constant 0 : i32
    %dma_wait3A_250 = arith.constant 0 : i32
    %dma_wait3A_251 = arith.constant 8 : i32
    %dma_wait3A_252 = arith.constant 0 : i32
    %dma_wait3A_253 = tpu.memref_slice %arg8[%dma_wait3A_251, %dma_wait3A_252] : memref<32x128xf32, #tpu.memory_space<vmem>> -> memref<8x128xf32, #tpu.memory_space<vmem>>
    %dma_wait3A_254 = arith.constant 0 : i32
    %dma_wait3A_255 = arith.constant 0 : i32
    %dma_wait3A_256 = tpu.memref_slice %arg4[%dma_wait3A_248, %dma_wait3A_249, %dma_wait3A_250, %dma_wait3A_254, %dma_wait3A_255] : memref<50x4x128x8x128xf32, #tpu.memory_space<hbm>> -> memref<1x1x1x8x128xf32, #tpu.memory_space<hbm>>
    %dma_wait3A_257 = tpu.memref_squeeze %dma_wait3A_256 : memref<1x1x1x8x128xf32, #tpu.memory_space<hbm>> -> memref<8x128xf32, #tpu.memory_space<hbm>>
    %dma_wait3A_258 = arith.constant 8 : i32
    %dma_wait3A_259 = arith.constant 0 : i32
    %dma_wait3A_260 = tpu.memref_slice %arg8[%dma_wait3A_258, %dma_wait3A_259] : memref<32x128xf32, #tpu.memory_space<vmem>> -> memref<8x128xf32, #tpu.memory_space<vmem>>
    %dma_wait3A_261 = arith.constant 0 : i32
    %dma_wait3A_262 = arith.constant 0 : i32
    %dma_wait3A_263 = tpu.memref_slice %arg4[%dma_wait3A_248, %dma_wait3A_249, %dma_wait3A_250, %dma_wait3A_261, %dma_wait3A_262] : memref<50x4x128x8x128xf32, #tpu.memory_space<hbm>> -> memref<1x1x1x8x128xf32, #tpu.memory_space<hbm>>
    %dma_wait3A_264 = tpu.memref_squeeze %dma_wait3A_263 : memref<1x1x1x8x128xf32, #tpu.memory_space<hbm>> -> memref<8x128xf32, #tpu.memory_space<hbm>>
    tpu.wait_dma2 semaphore(%arg11 : memref<!tpu.dma_semaphore, #tpu.memory_space<semaphore_mem>>) src(%dma_wait3A_264 : memref<8x128xf32, #tpu.memory_space<hbm>>) dst(%dma_wait3A_260 : memref<8x128xf32, #tpu.memory_space<vmem>>)
    %dma_wait3A_265 = arith.constant 0 : i32
    %dma_wait3A_266 = arith.constant 0 : i32
    %dma_wait3A_267 = arith.constant 0 : i32
    %dma_wait3A_268 = arith.constant 16 : i32
    %dma_wait3A_269 = arith.constant 0 : i32
    %dma_wait3A_270 = tpu.memref_slice %arg8[%dma_wait3A_268, %dma_wait3A_269] : memref<32x128xf32, #tpu.memory_space<vmem>> -> memref<8x128xf32, #tpu.memory_space<vmem>>
    %dma_wait3A_271 = arith.constant 0 : i32
    %dma_wait3A_272 = arith.constant 0 : i32
    %dma_wait3A_273 = tpu.memref_slice %arg4[%dma_wait3A_265, %dma_wait3A_266, %dma_wait3A_267, %dma_wait3A_271, %dma_wait3A_272] : memref<50x4x128x8x128xf32, #tpu.memory_space<hbm>> -> memref<1x1x1x8x128xf32, #tpu.memory_space<hbm>>
    %dma_wait3A_274 = tpu.memref_squeeze %dma_wait3A_273 : memref<1x1x1x8x128xf32, #tpu.memory_space<hbm>> -> memref<8x128xf32, #tpu.memory_space<hbm>>
    %dma_wait3A_275 = arith.constant 16 : i32
    %dma_wait3A_276 = arith.constant 0 : i32
    %dma_wait3A_277 = tpu.memref_slice %arg8[%dma_wait3A_275, %dma_wait3A_276] : memref<32x128xf32, #tpu.memory_space<vmem>> -> memref<8x128xf32, #tpu.memory_space<vmem>>
    %dma_wait3A_278 = arith.constant 0 : i32
    %dma_wait3A_279 = arith.constant 0 : i32
    %dma_wait3A_280 = tpu.memref_slice %arg4[%dma_wait3A_265, %dma_wait3A_266, %dma_wait3A_267, %dma_wait3A_278, %dma_wait3A_279] : memref<50x4x128x8x128xf32, #tpu.memory_space<hbm>> -> memref<1x1x1x8x128xf32, #tpu.memory_space<hbm>>
    %dma_wait3A_281 = tpu.memref_squeeze %dma_wait3A_280 : memref<1x1x1x8x128xf32, #tpu.memory_space<hbm>> -> memref<8x128xf32, #tpu.memory_space<hbm>>
    tpu.wait_dma2 semaphore(%arg11 : memref<!tpu.dma_semaphore, #tpu.memory_space<semaphore_mem>>) src(%dma_wait3A_281 : memref<8x128xf32, #tpu.memory_space<hbm>>) dst(%dma_wait3A_277 : memref<8x128xf32, #tpu.memory_space<vmem>>)
    %dma_wait3A_282 = arith.constant 0 : i32
    %dma_wait3A_283 = arith.constant 0 : i32
    %dma_wait3A_284 = arith.constant 0 : i32
    %dma_wait3A_285 = arith.constant 24 : i32
    %dma_wait3A_286 = arith.constant 0 : i32
    %dma_wait3A_287 = tpu.memref_slice %arg8[%dma_wait3A_285, %dma_wait3A_286] : memref<32x128xf32, #tpu.memory_space<vmem>> -> memref<8x128xf32, #tpu.memory_space<vmem>>
    %dma_wait3A_288 = arith.constant 0 : i32
    %dma_wait3A_289 = arith.constant 0 : i32
    %dma_wait3A_290 = tpu.memref_slice %arg4[%dma_wait3A_282, %dma_wait3A_283, %dma_wait3A_284, %dma_wait3A_288, %dma_wait3A_289] : memref<50x4x128x8x128xf32, #tpu.memory_space<hbm>> -> memref<1x1x1x8x128xf32, #tpu.memory_space<hbm>>
    %dma_wait3A_291 = tpu.memref_squeeze %dma_wait3A_290 : memref<1x1x1x8x128xf32, #tpu.memory_space<hbm>> -> memref<8x128xf32, #tpu.memory_space<hbm>>
    %dma_wait3A_292 = arith.constant 24 : i32
    %dma_wait3A_293 = arith.constant 0 : i32
    %dma_wait3A_294 = tpu.memref_slice %arg8[%dma_wait3A_292, %dma_wait3A_293] : memref<32x128xf32, #tpu.memory_space<vmem>> -> memref<8x128xf32, #tpu.memory_space<vmem>>
    %dma_wait3A_295 = arith.constant 0 : i32
    %dma_wait3A_296 = arith.constant 0 : i32
    %dma_wait3A_297 = tpu.memref_slice %arg4[%dma_wait3A_282, %dma_wait3A_283, %dma_wait3A_284, %dma_wait3A_295, %dma_wait3A_296] : memref<50x4x128x8x128xf32, #tpu.memory_space<hbm>> -> memref<1x1x1x8x128xf32, #tpu.memory_space<hbm>>
    %dma_wait3A_298 = tpu.memref_squeeze %dma_wait3A_297 : memref<1x1x1x8x128xf32, #tpu.memory_space<hbm>> -> memref<8x128xf32, #tpu.memory_space<hbm>>
    tpu.wait_dma2 semaphore(%arg11 : memref<!tpu.dma_semaphore, #tpu.memory_space<semaphore_mem>>) src(%dma_wait3A_298 : memref<8x128xf32, #tpu.memory_space<hbm>>) dst(%dma_wait3A_294 : memref<8x128xf32, #tpu.memory_space<vmem>>)
    %dma_wait3A_299 = arith.constant 0 : i32
    %dma_wait3A_300 = arith.constant 0 : i32
    %dma_wait3A_301 = tpu.memref_slice %arg3[%dma_wait3A_299, %dma_wait3A_300] : memref<1000000x32xf32, #tpu.memory_space<hbm>> -> memref<128x32xf32, #tpu.memory_space<hbm>>
    %dma_wait3A_302 = arith.constant 0 : i32
    %dma_wait3A_303 = arith.constant 0 : i32
    %dma_wait3A_304 = tpu.memref_slice %arg3[%dma_wait3A_302, %dma_wait3A_303] : memref<1000000x32xf32, #tpu.memory_space<hbm>> -> memref<128x32xf32, #tpu.memory_space<hbm>>
    tpu.wait_dma2 semaphore(%arg10 : memref<!tpu.dma_semaphore, #tpu.memory_space<semaphore_mem>>) src(%dma_wait3A_304 : memref<128x32xf32, #tpu.memory_space<hbm>>) dst(%arg6 : memref<128x32xf32, #tpu.memory_space<vmem>>)
    %scan3A_305 = arith.constant 0 : i32
    %scan3A_306 = arith.constant 0 : i32
    %scan3A_307 = arith.constant 16 : i32
    %scan3A_308 = arith.addi %scan3A_306, %scan3A_307 : i32
    %scan3A_309 = arith.constant 1 : i32
    scf.for %scan3A_707 = %scan3A_306 to %scan3A_308 step %scan3A_309  : i32 {
      %mul3A_708 = arith.constant 8 : i32
      %mul3A_709 = arith.muli %scan3A_707, %mul3A_708 : i32
      %add3A_710 = arith.constant 0 : i32
      %add3A_711 = arith.addi %mul3A_709, %add3A_710 : i32
      %broadcast_in_dim3A = vector.broadcast %add3A_711 : i32 to vector<16xi32>
      %get3A = arith.index_cast %add3A_711 : i32 to index
      %get3A_712 = arith.constant 0 : index
      %get3A_713 = tpu.vector_load %arg6[%get3A, %get3A_712] {strides = array<i32>} : memref<128x32xf32, #tpu.memory_space<vmem>>, vector<16xf32>,
      %get3A_714 = arith.index_cast %add3A_711 : i32 to index
      %get3A_715 = arith.constant 16 : index
      %get3A_716 = tpu.vector_load %arg6[%get3A_714, %get3A_715] {strides = array<i32>} : memref<128x32xf32, #tpu.memory_space<vmem>>, vector<16xf32>,
      tpu.vector_store_idx %arg8[%iota3A, %broadcast_in_dim3A], %get3A_713 : memref<32x128xf32, #tpu.memory_space<vmem>>[vector<16xi32>, vector<16xi32>], vector<16xf32>,
      tpu.vector_store_idx %arg8[%add3A_3, %broadcast_in_dim3A], %get3A_716 : memref<32x128xf32, #tpu.memory_space<vmem>>[vector<16xi32>, vector<16xi32>], vector<16xf32>,
      %mul3A_717 = arith.constant 8 : i32
      %mul3A_718 = arith.muli %scan3A_707, %mul3A_717 : i32
      %add3A_719 = arith.constant 1 : i32
      %add3A_720 = arith.addi %mul3A_718, %add3A_719 : i32
      %broadcast_in_dim3A_721 = vector.broadcast %add3A_720 : i32 to vector<16xi32>
      %get3A_722 = arith.index_cast %add3A_720 : i32 to index
      %get3A_723 = arith.constant 0 : index
      %get3A_724 = tpu.vector_load %arg6[%get3A_722, %get3A_723] {strides = array<i32>} : memref<128x32xf32, #tpu.memory_space<vmem>>, vector<16xf32>,
      %get3A_725 = arith.index_cast %add3A_720 : i32 to index
      %get3A_726 = arith.constant 16 : index
      %get3A_727 = tpu.vector_load %arg6[%get3A_725, %get3A_726] {strides = array<i32>} : memref<128x32xf32, #tpu.memory_space<vmem>>, vector<16xf32>,
      tpu.vector_store_idx %arg8[%iota3A, %broadcast_in_dim3A_721], %get3A_724 : memref<32x128xf32, #tpu.memory_space<vmem>>[vector<16xi32>, vector<16xi32>], vector<16xf32>,
      tpu.vector_store_idx %arg8[%add3A_3, %broadcast_in_dim3A_721], %get3A_727 : memref<32x128xf32, #tpu.memory_space<vmem>>[vector<16xi32>, vector<16xi32>], vector<16xf32>,
      %mul3A_728 = arith.constant 8 : i32
      %mul3A_729 = arith.muli %scan3A_707, %mul3A_728 : i32
      %add3A_730 = arith.constant 2 : i32
      %add3A_731 = arith.addi %mul3A_729, %add3A_730 : i32
      %broadcast_in_dim3A_732 = vector.broadcast %add3A_731 : i32 to vector<16xi32>
      %get3A_733 = arith.index_cast %add3A_731 : i32 to index
      %get3A_734 = arith.constant 0 : index
      %get3A_735 = tpu.vector_load %arg6[%get3A_733, %get3A_734] {strides = array<i32>} : memref<128x32xf32, #tpu.memory_space<vmem>>, vector<16xf32>,
      %get3A_736 = arith.index_cast %add3A_731 : i32 to index
      %get3A_737 = arith.constant 16 : index
      %get3A_738 = tpu.vector_load %arg6[%get3A_736, %get3A_737] {strides = array<i32>} : memref<128x32xf32, #tpu.memory_space<vmem>>, vector<16xf32>,
      tpu.vector_store_idx %arg8[%iota3A, %broadcast_in_dim3A_732], %get3A_735 : memref<32x128xf32, #tpu.memory_space<vmem>>[vector<16xi32>, vector<16xi32>], vector<16xf32>,
      tpu.vector_store_idx %arg8[%add3A_3, %broadcast_in_dim3A_732], %get3A_738 : memref<32x128xf32, #tpu.memory_space<vmem>>[vector<16xi32>, vector<16xi32>], vector<16xf32>,
      %mul3A_739 = arith.constant 8 : i32
      %mul3A_740 = arith.muli %scan3A_707, %mul3A_739 : i32
      %add3A_741 = arith.constant 3 : i32
      %add3A_742 = arith.addi %mul3A_740, %add3A_741 : i32
      %broadcast_in_dim3A_743 = vector.broadcast %add3A_742 : i32 to vector<16xi32>
      %get3A_744 = arith.index_cast %add3A_742 : i32 to index
      %get3A_745 = arith.constant 0 : index
      %get3A_746 = tpu.vector_load %arg6[%get3A_744, %get3A_745] {strides = array<i32>} : memref<128x32xf32, #tpu.memory_space<vmem>>, vector<16xf32>,
      %get3A_747 = arith.index_cast %add3A_742 : i32 to index
      %get3A_748 = arith.constant 16 : index
      %get3A_749 = tpu.vector_load %arg6[%get3A_747, %get3A_748] {strides = array<i32>} : memref<128x32xf32, #tpu.memory_space<vmem>>, vector<16xf32>,
      tpu.vector_store_idx %arg8[%iota3A, %broadcast_in_dim3A_743], %get3A_746 : memref<32x128xf32, #tpu.memory_space<vmem>>[vector<16xi32>, vector<16xi32>], vector<16xf32>,
      tpu.vector_store_idx %arg8[%add3A_3, %broadcast_in_dim3A_743], %get3A_749 : memref<32x128xf32, #tpu.memory_space<vmem>>[vector<16xi32>, vector<16xi32>], vector<16xf32>,
      %mul3A_750 = arith.constant 8 : i32
      %mul3A_751 = arith.muli %scan3A_707, %mul3A_750 : i32
      %add3A_752 = arith.constant 4 : i32
      %add3A_753 = arith.addi %mul3A_751, %add3A_752 : i32
      %broadcast_in_dim3A_754 = vector.broadcast %add3A_753 : i32 to vector<16xi32>
      %get3A_755 = arith.index_cast %add3A_753 : i32 to index
      %get3A_756 = arith.constant 0 : index
      %get3A_757 = tpu.vector_load %arg6[%get3A_755, %get3A_756] {strides = array<i32>} : memref<128x32xf32, #tpu.memory_space<vmem>>, vector<16xf32>,
      %get3A_758 = arith.index_cast %add3A_753 : i32 to index
      %get3A_759 = arith.constant 16 : index
      %get3A_760 = tpu.vector_load %arg6[%get3A_758, %get3A_759] {strides = array<i32>} : memref<128x32xf32, #tpu.memory_space<vmem>>, vector<16xf32>,
      tpu.vector_store_idx %arg8[%iota3A, %broadcast_in_dim3A_754], %get3A_757 : memref<32x128xf32, #tpu.memory_space<vmem>>[vector<16xi32>, vector<16xi32>], vector<16xf32>,
      tpu.vector_store_idx %arg8[%add3A_3, %broadcast_in_dim3A_754], %get3A_760 : memref<32x128xf32, #tpu.memory_space<vmem>>[vector<16xi32>, vector<16xi32>], vector<16xf32>,
      %mul3A_761 = arith.constant 8 : i32
      %mul3A_762 = arith.muli %scan3A_707, %mul3A_761 : i32
      %add3A_763 = arith.constant 5 : i32
      %add3A_764 = arith.addi %mul3A_762, %add3A_763 : i32
      %broadcast_in_dim3A_765 = vector.broadcast %add3A_764 : i32 to vector<16xi32>
      %get3A_766 = arith.index_cast %add3A_764 : i32 to index
      %get3A_767 = arith.constant 0 : index
      %get3A_768 = tpu.vector_load %arg6[%get3A_766, %get3A_767] {strides = array<i32>} : memref<128x32xf32, #tpu.memory_space<vmem>>, vector<16xf32>,
      %get3A_769 = arith.index_cast %add3A_764 : i32 to index
      %get3A_770 = arith.constant 16 : index
      %get3A_771 = tpu.vector_load %arg6[%get3A_769, %get3A_770] {strides = array<i32>} : memref<128x32xf32, #tpu.memory_space<vmem>>, vector<16xf32>,
      tpu.vector_store_idx %arg8[%iota3A, %broadcast_in_dim3A_765], %get3A_768 : memref<32x128xf32, #tpu.memory_space<vmem>>[vector<16xi32>, vector<16xi32>], vector<16xf32>,
      tpu.vector_store_idx %arg8[%add3A_3, %broadcast_in_dim3A_765], %get3A_771 : memref<32x128xf32, #tpu.memory_space<vmem>>[vector<16xi32>, vector<16xi32>], vector<16xf32>,
      %mul3A_772 = arith.constant 8 : i32
      %mul3A_773 = arith.muli %scan3A_707, %mul3A_772 : i32
      %add3A_774 = arith.constant 6 : i32
      %add3A_775 = arith.addi %mul3A_773, %add3A_774 : i32
      %broadcast_in_dim3A_776 = vector.broadcast %add3A_775 : i32 to vector<16xi32>
      %get3A_777 = arith.index_cast %add3A_775 : i32 to index
      %get3A_778 = arith.constant 0 : index
      %get3A_779 = tpu.vector_load %arg6[%get3A_777, %get3A_778] {strides = array<i32>} : memref<128x32xf32, #tpu.memory_space<vmem>>, vector<16xf32>,
      %get3A_780 = arith.index_cast %add3A_775 : i32 to index
      %get3A_781 = arith.constant 16 : index
      %get3A_782 = tpu.vector_load %arg6[%get3A_780, %get3A_781] {strides = array<i32>} : memref<128x32xf32, #tpu.memory_space<vmem>>, vector<16xf32>,
      tpu.vector_store_idx %arg8[%iota3A, %broadcast_in_dim3A_776], %get3A_779 : memref<32x128xf32, #tpu.memory_space<vmem>>[vector<16xi32>, vector<16xi32>], vector<16xf32>,
      tpu.vector_store_idx %arg8[%add3A_3, %broadcast_in_dim3A_776], %get3A_782 : memref<32x128xf32, #tpu.memory_space<vmem>>[vector<16xi32>, vector<16xi32>], vector<16xf32>,
      %mul3A_783 = arith.constant 8 : i32
      %mul3A_784 = arith.muli %scan3A_707, %mul3A_783 : i32
      %add3A_785 = arith.constant 7 : i32
      %add3A_786 = arith.addi %mul3A_784, %add3A_785 : i32
      %broadcast_in_dim3A_787 = vector.broadcast %add3A_786 : i32 to vector<16xi32>
      %get3A_788 = arith.index_cast %add3A_786 : i32 to index
      %get3A_789 = arith.constant 0 : index
      %get3A_790 = tpu.vector_load %arg6[%get3A_788, %get3A_789] {strides = array<i32>} : memref<128x32xf32, #tpu.memory_space<vmem>>, vector<16xf32>,
      %get3A_791 = arith.index_cast %add3A_786 : i32 to index
      %get3A_792 = arith.constant 16 : index
      %get3A_793 = tpu.vector_load %arg6[%get3A_791, %get3A_792] {strides = array<i32>} : memref<128x32xf32, #tpu.memory_space<vmem>>, vector<16xf32>,
      tpu.vector_store_idx %arg8[%iota3A, %broadcast_in_dim3A_787], %get3A_790 : memref<32x128xf32, #tpu.memory_space<vmem>>[vector<16xi32>, vector<16xi32>], vector<16xf32>,
      tpu.vector_store_idx %arg8[%add3A_3, %broadcast_in_dim3A_787], %get3A_793 : memref<32x128xf32, #tpu.memory_space<vmem>>[vector<16xi32>, vector<16xi32>], vector<16xf32>,
    }
    %scan3A_310 = arith.constant 16 : i32
    %mul3A_311 = arith.constant 200 : i32
    %mul3A_312 = arith.muli %add3A, %mul3A_311 : i32
    %add3A_313 = arith.constant 198 : i32
    %add3A_314 = arith.addi %mul3A_312, %add3A_313 : i32
    %jit3A_315 = arith.constant 128 : i32
    %div3A_316 = arith.divsi %add3A_314, %jit3A_315 : i32
    %sign3A_317 = arith.constant 0 : i32
    %sign3A_318 = arith.cmpi sgt, %add3A_314, %sign3A_317 : i32
    %sign3A_319 = arith.extui %sign3A_318 : i1 to i32
    %sign3A_320 = arith.constant 0 : i32
    %sign3A_321 = arith.cmpi slt, %add3A_314, %sign3A_320 : i32
    %sign3A_322 = arith.extui %sign3A_321 : i1 to i32
    %sign3A_323 = arith.subi %sign3A_319, %sign3A_322 : i32
    %sign3A_324 = arith.constant 0 : i32
    %sign3A_325 = arith.cmpi sgt, %jit3A_315, %sign3A_324 : i32
    %sign3A_326 = arith.extui %sign3A_325 : i1 to i32
    %sign3A_327 = arith.constant 0 : i32
    %sign3A_328 = arith.cmpi slt, %jit3A_315, %sign3A_327 : i32
    %sign3A_329 = arith.extui %sign3A_328 : i1 to i32
    %sign3A_330 = arith.subi %sign3A_326, %sign3A_329 : i32
    %ne3A_331 = arith.cmpi ne, %sign3A_323, %sign3A_330 : i32
    %rem3A_332 = arith.remsi %add3A_314, %jit3A_315 : i32
    %ne3A_333 = arith.constant 0 : i32
    %ne3A_334 = arith.cmpi ne, %rem3A_332, %ne3A_333 : i32
    %and3A_335 = arith.andi %ne3A_331, %ne3A_334 : i1
    %sub3A_336 = arith.constant 1 : i32
    %sub3A_337 = arith.subi %div3A_316, %sub3A_336 : i32
    %select_n3A_338 = arith.select %and3A_335, %sub3A_337, %div3A_316 : i32
    %rem3A_339 = arith.constant 128 : i32
    %rem3A_340 = arith.remsi %add3A_314, %rem3A_339 : i32
    %dma_start3A_341 = arith.constant 0 : i32
    %dma_start3A_342 = arith.constant 0 : i32
    %dma_start3A_343 = arith.constant 0 : i32
    %dma_start3A_344 = tpu.memref_slice %arg8[%dma_start3A_342, %dma_start3A_343] : memref<32x128xf32, #tpu.memory_space<vmem>> -> memref<8x128xf32, #tpu.memory_space<vmem>>
    %dma_start3A_345 = arith.constant 0 : i32
    %dma_start3A_346 = arith.constant 0 : i32
    %dma_start3A_347 = tpu.memref_slice %arg4[%select_n3A_338, %dma_start3A_341, %rem3A_340, %dma_start3A_345, %dma_start3A_346] : memref<50x4x128x8x128xf32, #tpu.memory_space<hbm>> -> memref<1x1x1x8x128xf32, #tpu.memory_space<hbm>>
    %dma_start3A_348 = tpu.memref_squeeze %dma_start3A_347 : memref<1x1x1x8x128xf32, #tpu.memory_space<hbm>> -> memref<8x128xf32, #tpu.memory_space<hbm>>
    %dma_start3A_349 = arith.constant 0 : i32
    %dma_start3A_350 = arith.constant 0 : i32
    %dma_start3A_351 = tpu.memref_slice %arg4[%select_n3A_338, %dma_start3A_341, %rem3A_340, %dma_start3A_349, %dma_start3A_350] : memref<50x4x128x8x128xf32, #tpu.memory_space<hbm>> -> memref<1x1x1x8x128xf32, #tpu.memory_space<hbm>>
    %dma_start3A_352 = tpu.memref_squeeze %dma_start3A_351 : memref<1x1x1x8x128xf32, #tpu.memory_space<hbm>> -> memref<8x128xf32, #tpu.memory_space<hbm>>
    %dma_start3A_353 = arith.constant 0 : i32
    %dma_start3A_354 = arith.constant 0 : i32
    %dma_start3A_355 = tpu.memref_slice %arg8[%dma_start3A_353, %dma_start3A_354] : memref<32x128xf32, #tpu.memory_space<vmem>> -> memref<8x128xf32, #tpu.memory_space<vmem>>
    tpu.enqueue_dma source(%dma_start3A_355 : memref<8x128xf32, #tpu.memory_space<vmem>>) target(%dma_start3A_352 : memref<8x128xf32, #tpu.memory_space<hbm>>) target_semaphore(%arg11 : memref<!tpu.dma_semaphore, #tpu.memory_space<semaphore_mem>>)
    %dma_start3A_356 = arith.constant 1 : i32
    %dma_start3A_357 = arith.constant 8 : i32
    %dma_start3A_358 = arith.constant 0 : i32
    %dma_start3A_359 = tpu.memref_slice %arg8[%dma_start3A_357, %dma_start3A_358] : memref<32x128xf32, #tpu.memory_space<vmem>> -> memref<8x128xf32, #tpu.memory_space<vmem>>
    %dma_start3A_360 = arith.constant 0 : i32
    %dma_start3A_361 = arith.constant 0 : i32
    %dma_start3A_362 = tpu.memref_slice %arg4[%select_n3A_338, %dma_start3A_356, %rem3A_340, %dma_start3A_360, %dma_start3A_361] : memref<50x4x128x8x128xf32, #tpu.memory_space<hbm>> -> memref<1x1x1x8x128xf32, #tpu.memory_space<hbm>>
    %dma_start3A_363 = tpu.memref_squeeze %dma_start3A_362 : memref<1x1x1x8x128xf32, #tpu.memory_space<hbm>> -> memref<8x128xf32, #tpu.memory_space<hbm>>
    %dma_start3A_364 = arith.constant 0 : i32
    %dma_start3A_365 = arith.constant 0 : i32
    %dma_start3A_366 = tpu.memref_slice %arg4[%select_n3A_338, %dma_start3A_356, %rem3A_340, %dma_start3A_364, %dma_start3A_365] : memref<50x4x128x8x128xf32, #tpu.memory_space<hbm>> -> memref<1x1x1x8x128xf32, #tpu.memory_space<hbm>>
    %dma_start3A_367 = tpu.memref_squeeze %dma_start3A_366 : memref<1x1x1x8x128xf32, #tpu.memory_space<hbm>> -> memref<8x128xf32, #tpu.memory_space<hbm>>
    %dma_start3A_368 = arith.constant 8 : i32
    %dma_start3A_369 = arith.constant 0 : i32
    %dma_start3A_370 = tpu.memref_slice %arg8[%dma_start3A_368, %dma_start3A_369] : memref<32x128xf32, #tpu.memory_space<vmem>> -> memref<8x128xf32, #tpu.memory_space<vmem>>
    tpu.enqueue_dma source(%dma_start3A_370 : memref<8x128xf32, #tpu.memory_space<vmem>>) target(%dma_start3A_367 : memref<8x128xf32, #tpu.memory_space<hbm>>) target_semaphore(%arg11 : memref<!tpu.dma_semaphore, #tpu.memory_space<semaphore_mem>>)
    %dma_start3A_371 = arith.constant 2 : i32
    %dma_start3A_372 = arith.constant 16 : i32
    %dma_start3A_373 = arith.constant 0 : i32
    %dma_start3A_374 = tpu.memref_slice %arg8[%dma_start3A_372, %dma_start3A_373] : memref<32x128xf32, #tpu.memory_space<vmem>> -> memref<8x128xf32, #tpu.memory_space<vmem>>
    %dma_start3A_375 = arith.constant 0 : i32
    %dma_start3A_376 = arith.constant 0 : i32
    %dma_start3A_377 = tpu.memref_slice %arg4[%select_n3A_338, %dma_start3A_371, %rem3A_340, %dma_start3A_375, %dma_start3A_376] : memref<50x4x128x8x128xf32, #tpu.memory_space<hbm>> -> memref<1x1x1x8x128xf32, #tpu.memory_space<hbm>>
    %dma_start3A_378 = tpu.memref_squeeze %dma_start3A_377 : memref<1x1x1x8x128xf32, #tpu.memory_space<hbm>> -> memref<8x128xf32, #tpu.memory_space<hbm>>
    %dma_start3A_379 = arith.constant 0 : i32
    %dma_start3A_380 = arith.constant 0 : i32
    %dma_start3A_381 = tpu.memref_slice %arg4[%select_n3A_338, %dma_start3A_371, %rem3A_340, %dma_start3A_379, %dma_start3A_380] : memref<50x4x128x8x128xf32, #tpu.memory_space<hbm>> -> memref<1x1x1x8x128xf32, #tpu.memory_space<hbm>>
    %dma_start3A_382 = tpu.memref_squeeze %dma_start3A_381 : memref<1x1x1x8x128xf32, #tpu.memory_space<hbm>> -> memref<8x128xf32, #tpu.memory_space<hbm>>
    %dma_start3A_383 = arith.constant 16 : i32
    %dma_start3A_384 = arith.constant 0 : i32
    %dma_start3A_385 = tpu.memref_slice %arg8[%dma_start3A_383, %dma_start3A_384] : memref<32x128xf32, #tpu.memory_space<vmem>> -> memref<8x128xf32, #tpu.memory_space<vmem>>
    tpu.enqueue_dma source(%dma_start3A_385 : memref<8x128xf32, #tpu.memory_space<vmem>>) target(%dma_start3A_382 : memref<8x128xf32, #tpu.memory_space<hbm>>) target_semaphore(%arg11 : memref<!tpu.dma_semaphore, #tpu.memory_space<semaphore_mem>>)
    %dma_start3A_386 = arith.constant 3 : i32
    %dma_start3A_387 = arith.constant 24 : i32
    %dma_start3A_388 = arith.constant 0 : i32
    %dma_start3A_389 = tpu.memref_slice %arg8[%dma_start3A_387, %dma_start3A_388] : memref<32x128xf32, #tpu.memory_space<vmem>> -> memref<8x128xf32, #tpu.memory_space<vmem>>
    %dma_start3A_390 = arith.constant 0 : i32
    %dma_start3A_391 = arith.constant 0 : i32
    %dma_start3A_392 = tpu.memref_slice %arg4[%select_n3A_338, %dma_start3A_386, %rem3A_340, %dma_start3A_390, %dma_start3A_391] : memref<50x4x128x8x128xf32, #tpu.memory_space<hbm>> -> memref<1x1x1x8x128xf32, #tpu.memory_space<hbm>>
    %dma_start3A_393 = tpu.memref_squeeze %dma_start3A_392 : memref<1x1x1x8x128xf32, #tpu.memory_space<hbm>> -> memref<8x128xf32, #tpu.memory_space<hbm>>
    %dma_start3A_394 = arith.constant 0 : i32
    %dma_start3A_395 = arith.constant 0 : i32
    %dma_start3A_396 = tpu.memref_slice %arg4[%select_n3A_338, %dma_start3A_386, %rem3A_340, %dma_start3A_394, %dma_start3A_395] : memref<50x4x128x8x128xf32, #tpu.memory_space<hbm>> -> memref<1x1x1x8x128xf32, #tpu.memory_space<hbm>>
    %dma_start3A_397 = tpu.memref_squeeze %dma_start3A_396 : memref<1x1x1x8x128xf32, #tpu.memory_space<hbm>> -> memref<8x128xf32, #tpu.memory_space<hbm>>
    %dma_start3A_398 = arith.constant 24 : i32
    %dma_start3A_399 = arith.constant 0 : i32
    %dma_start3A_400 = tpu.memref_slice %arg8[%dma_start3A_398, %dma_start3A_399] : memref<32x128xf32, #tpu.memory_space<vmem>> -> memref<8x128xf32, #tpu.memory_space<vmem>>
    tpu.enqueue_dma source(%dma_start3A_400 : memref<8x128xf32, #tpu.memory_space<vmem>>) target(%dma_start3A_397 : memref<8x128xf32, #tpu.memory_space<hbm>>) target_semaphore(%arg11 : memref<!tpu.dma_semaphore, #tpu.memory_space<semaphore_mem>>)
    %dma_wait3A_401 = arith.constant 0 : i32
    %dma_wait3A_402 = arith.constant 0 : i32
    %dma_wait3A_403 = arith.constant 0 : i32
    %dma_wait3A_404 = arith.constant 0 : i32
    %dma_wait3A_405 = arith.constant 0 : i32
    %dma_wait3A_406 = tpu.memref_slice %arg9[%dma_wait3A_404, %dma_wait3A_405] : memref<32x128xf32, #tpu.memory_space<vmem>> -> memref<8x128xf32, #tpu.memory_space<vmem>>
    %dma_wait3A_407 = arith.constant 0 : i32
    %dma_wait3A_408 = arith.constant 0 : i32
    %dma_wait3A_409 = tpu.memref_slice %arg4[%dma_wait3A_401, %dma_wait3A_402, %dma_wait3A_403, %dma_wait3A_407, %dma_wait3A_408] : memref<50x4x128x8x128xf32, #tpu.memory_space<hbm>> -> memref<1x1x1x8x128xf32, #tpu.memory_space<hbm>>
    %dma_wait3A_410 = tpu.memref_squeeze %dma_wait3A_409 : memref<1x1x1x8x128xf32, #tpu.memory_space<hbm>> -> memref<8x128xf32, #tpu.memory_space<hbm>>
    %dma_wait3A_411 = arith.constant 0 : i32
    %dma_wait3A_412 = arith.constant 0 : i32
    %dma_wait3A_413 = tpu.memref_slice %arg9[%dma_wait3A_411, %dma_wait3A_412] : memref<32x128xf32, #tpu.memory_space<vmem>> -> memref<8x128xf32, #tpu.memory_space<vmem>>
    %dma_wait3A_414 = arith.constant 0 : i32
    %dma_wait3A_415 = arith.constant 0 : i32
    %dma_wait3A_416 = tpu.memref_slice %arg4[%dma_wait3A_401, %dma_wait3A_402, %dma_wait3A_403, %dma_wait3A_414, %dma_wait3A_415] : memref<50x4x128x8x128xf32, #tpu.memory_space<hbm>> -> memref<1x1x1x8x128xf32, #tpu.memory_space<hbm>>
    %dma_wait3A_417 = tpu.memref_squeeze %dma_wait3A_416 : memref<1x1x1x8x128xf32, #tpu.memory_space<hbm>> -> memref<8x128xf32, #tpu.memory_space<hbm>>
    tpu.wait_dma2 semaphore(%arg11 : memref<!tpu.dma_semaphore, #tpu.memory_space<semaphore_mem>>) src(%dma_wait3A_417 : memref<8x128xf32, #tpu.memory_space<hbm>>) dst(%dma_wait3A_413 : memref<8x128xf32, #tpu.memory_space<vmem>>)
    %dma_wait3A_418 = arith.constant 0 : i32
    %dma_wait3A_419 = arith.constant 0 : i32
    %dma_wait3A_420 = arith.constant 0 : i32
    %dma_wait3A_421 = arith.constant 8 : i32
    %dma_wait3A_422 = arith.constant 0 : i32
    %dma_wait3A_423 = tpu.memref_slice %arg9[%dma_wait3A_421, %dma_wait3A_422] : memref<32x128xf32, #tpu.memory_space<vmem>> -> memref<8x128xf32, #tpu.memory_space<vmem>>
    %dma_wait3A_424 = arith.constant 0 : i32
    %dma_wait3A_425 = arith.constant 0 : i32
    %dma_wait3A_426 = tpu.memref_slice %arg4[%dma_wait3A_418, %dma_wait3A_419, %dma_wait3A_420, %dma_wait3A_424, %dma_wait3A_425] : memref<50x4x128x8x128xf32, #tpu.memory_space<hbm>> -> memref<1x1x1x8x128xf32, #tpu.memory_space<hbm>>
    %dma_wait3A_427 = tpu.memref_squeeze %dma_wait3A_426 : memref<1x1x1x8x128xf32, #tpu.memory_space<hbm>> -> memref<8x128xf32, #tpu.memory_space<hbm>>
    %dma_wait3A_428 = arith.constant 8 : i32
    %dma_wait3A_429 = arith.constant 0 : i32
    %dma_wait3A_430 = tpu.memref_slice %arg9[%dma_wait3A_428, %dma_wait3A_429] : memref<32x128xf32, #tpu.memory_space<vmem>> -> memref<8x128xf32, #tpu.memory_space<vmem>>
    %dma_wait3A_431 = arith.constant 0 : i32
    %dma_wait3A_432 = arith.constant 0 : i32
    %dma_wait3A_433 = tpu.memref_slice %arg4[%dma_wait3A_418, %dma_wait3A_419, %dma_wait3A_420, %dma_wait3A_431, %dma_wait3A_432] : memref<50x4x128x8x128xf32, #tpu.memory_space<hbm>> -> memref<1x1x1x8x128xf32, #tpu.memory_space<hbm>>
    %dma_wait3A_434 = tpu.memref_squeeze %dma_wait3A_433 : memref<1x1x1x8x128xf32, #tpu.memory_space<hbm>> -> memref<8x128xf32, #tpu.memory_space<hbm>>
    tpu.wait_dma2 semaphore(%arg11 : memref<!tpu.dma_semaphore, #tpu.memory_space<semaphore_mem>>) src(%dma_wait3A_434 : memref<8x128xf32, #tpu.memory_space<hbm>>) dst(%dma_wait3A_430 : memref<8x128xf32, #tpu.memory_space<vmem>>)
    %dma_wait3A_435 = arith.constant 0 : i32
    %dma_wait3A_436 = arith.constant 0 : i32
    %dma_wait3A_437 = arith.constant 0 : i32
    %dma_wait3A_438 = arith.constant 16 : i32
    %dma_wait3A_439 = arith.constant 0 : i32
    %dma_wait3A_440 = tpu.memref_slice %arg9[%dma_wait3A_438, %dma_wait3A_439] : memref<32x128xf32, #tpu.memory_space<vmem>> -> memref<8x128xf32, #tpu.memory_space<vmem>>
    %dma_wait3A_441 = arith.constant 0 : i32
    %dma_wait3A_442 = arith.constant 0 : i32
    %dma_wait3A_443 = tpu.memref_slice %arg4[%dma_wait3A_435, %dma_wait3A_436, %dma_wait3A_437, %dma_wait3A_441, %dma_wait3A_442] : memref<50x4x128x8x128xf32, #tpu.memory_space<hbm>> -> memref<1x1x1x8x128xf32, #tpu.memory_space<hbm>>
    %dma_wait3A_444 = tpu.memref_squeeze %dma_wait3A_443 : memref<1x1x1x8x128xf32, #tpu.memory_space<hbm>> -> memref<8x128xf32, #tpu.memory_space<hbm>>
    %dma_wait3A_445 = arith.constant 16 : i32
    %dma_wait3A_446 = arith.constant 0 : i32
    %dma_wait3A_447 = tpu.memref_slice %arg9[%dma_wait3A_445, %dma_wait3A_446] : memref<32x128xf32, #tpu.memory_space<vmem>> -> memref<8x128xf32, #tpu.memory_space<vmem>>
    %dma_wait3A_448 = arith.constant 0 : i32
    %dma_wait3A_449 = arith.constant 0 : i32
    %dma_wait3A_450 = tpu.memref_slice %arg4[%dma_wait3A_435, %dma_wait3A_436, %dma_wait3A_437, %dma_wait3A_448, %dma_wait3A_449] : memref<50x4x128x8x128xf32, #tpu.memory_space<hbm>> -> memref<1x1x1x8x128xf32, #tpu.memory_space<hbm>>
    %dma_wait3A_451 = tpu.memref_squeeze %dma_wait3A_450 : memref<1x1x1x8x128xf32, #tpu.memory_space<hbm>> -> memref<8x128xf32, #tpu.memory_space<hbm>>
    tpu.wait_dma2 semaphore(%arg11 : memref<!tpu.dma_semaphore, #tpu.memory_space<semaphore_mem>>) src(%dma_wait3A_451 : memref<8x128xf32, #tpu.memory_space<hbm>>) dst(%dma_wait3A_447 : memref<8x128xf32, #tpu.memory_space<vmem>>)
    %dma_wait3A_452 = arith.constant 0 : i32
    %dma_wait3A_453 = arith.constant 0 : i32
    %dma_wait3A_454 = arith.constant 0 : i32
    %dma_wait3A_455 = arith.constant 24 : i32
    %dma_wait3A_456 = arith.constant 0 : i32
    %dma_wait3A_457 = tpu.memref_slice %arg9[%dma_wait3A_455, %dma_wait3A_456] : memref<32x128xf32, #tpu.memory_space<vmem>> -> memref<8x128xf32, #tpu.memory_space<vmem>>
    %dma_wait3A_458 = arith.constant 0 : i32
    %dma_wait3A_459 = arith.constant 0 : i32
    %dma_wait3A_460 = tpu.memref_slice %arg4[%dma_wait3A_452, %dma_wait3A_453, %dma_wait3A_454, %dma_wait3A_458, %dma_wait3A_459] : memref<50x4x128x8x128xf32, #tpu.memory_space<hbm>> -> memref<1x1x1x8x128xf32, #tpu.memory_space<hbm>>
    %dma_wait3A_461 = tpu.memref_squeeze %dma_wait3A_460 : memref<1x1x1x8x128xf32, #tpu.memory_space<hbm>> -> memref<8x128xf32, #tpu.memory_space<hbm>>
    %dma_wait3A_462 = arith.constant 24 : i32
    %dma_wait3A_463 = arith.constant 0 : i32
    %dma_wait3A_464 = tpu.memref_slice %arg9[%dma_wait3A_462, %dma_wait3A_463] : memref<32x128xf32, #tpu.memory_space<vmem>> -> memref<8x128xf32, #tpu.memory_space<vmem>>
    %dma_wait3A_465 = arith.constant 0 : i32
    %dma_wait3A_466 = arith.constant 0 : i32
    %dma_wait3A_467 = tpu.memref_slice %arg4[%dma_wait3A_452, %dma_wait3A_453, %dma_wait3A_454, %dma_wait3A_465, %dma_wait3A_466] : memref<50x4x128x8x128xf32, #tpu.memory_space<hbm>> -> memref<1x1x1x8x128xf32, #tpu.memory_space<hbm>>
    %dma_wait3A_468 = tpu.memref_squeeze %dma_wait3A_467 : memref<1x1x1x8x128xf32, #tpu.memory_space<hbm>> -> memref<8x128xf32, #tpu.memory_space<hbm>>
    tpu.wait_dma2 semaphore(%arg11 : memref<!tpu.dma_semaphore, #tpu.memory_space<semaphore_mem>>) src(%dma_wait3A_468 : memref<8x128xf32, #tpu.memory_space<hbm>>) dst(%dma_wait3A_464 : memref<8x128xf32, #tpu.memory_space<vmem>>)
    %dma_wait3A_469 = arith.constant 0 : i32
    %dma_wait3A_470 = arith.constant 0 : i32
    %dma_wait3A_471 = tpu.memref_slice %arg3[%dma_wait3A_469, %dma_wait3A_470] : memref<1000000x32xf32, #tpu.memory_space<hbm>> -> memref<128x32xf32, #tpu.memory_space<hbm>>
    %dma_wait3A_472 = arith.constant 0 : i32
    %dma_wait3A_473 = arith.constant 0 : i32
    %dma_wait3A_474 = tpu.memref_slice %arg3[%dma_wait3A_472, %dma_wait3A_473] : memref<1000000x32xf32, #tpu.memory_space<hbm>> -> memref<128x32xf32, #tpu.memory_space<hbm>>
    tpu.wait_dma2 semaphore(%arg10 : memref<!tpu.dma_semaphore, #tpu.memory_space<semaphore_mem>>) src(%dma_wait3A_474 : memref<128x32xf32, #tpu.memory_space<hbm>>) dst(%arg7 : memref<128x32xf32, #tpu.memory_space<vmem>>)
    %scan3A_475 = arith.constant 0 : i32
    %scan3A_476 = arith.constant 0 : i32
    %scan3A_477 = arith.constant 16 : i32
    %scan3A_478 = arith.addi %scan3A_476, %scan3A_477 : i32
    %scan3A_479 = arith.constant 1 : i32
    scf.for %scan3A_707 = %scan3A_476 to %scan3A_478 step %scan3A_479  : i32 {
      %mul3A_708 = arith.constant 8 : i32
      %mul3A_709 = arith.muli %scan3A_707, %mul3A_708 : i32
      %add3A_710 = arith.constant 0 : i32
      %add3A_711 = arith.addi %mul3A_709, %add3A_710 : i32
      %broadcast_in_dim3A = vector.broadcast %add3A_711 : i32 to vector<16xi32>
      %get3A = arith.index_cast %add3A_711 : i32 to index
      %get3A_712 = arith.constant 0 : index
      %get3A_713 = tpu.vector_load %arg7[%get3A, %get3A_712] {strides = array<i32>} : memref<128x32xf32, #tpu.memory_space<vmem>>, vector<16xf32>,
      %get3A_714 = arith.index_cast %add3A_711 : i32 to index
      %get3A_715 = arith.constant 16 : index
      %get3A_716 = tpu.vector_load %arg7[%get3A_714, %get3A_715] {strides = array<i32>} : memref<128x32xf32, #tpu.memory_space<vmem>>, vector<16xf32>,
      tpu.vector_store_idx %arg9[%iota3A, %broadcast_in_dim3A], %get3A_713 : memref<32x128xf32, #tpu.memory_space<vmem>>[vector<16xi32>, vector<16xi32>], vector<16xf32>,
      tpu.vector_store_idx %arg9[%add3A_3, %broadcast_in_dim3A], %get3A_716 : memref<32x128xf32, #tpu.memory_space<vmem>>[vector<16xi32>, vector<16xi32>], vector<16xf32>,
      %mul3A_717 = arith.constant 8 : i32
      %mul3A_718 = arith.muli %scan3A_707, %mul3A_717 : i32
      %add3A_719 = arith.constant 1 : i32
      %add3A_720 = arith.addi %mul3A_718, %add3A_719 : i32
      %broadcast_in_dim3A_721 = vector.broadcast %add3A_720 : i32 to vector<16xi32>
      %get3A_722 = arith.index_cast %add3A_720 : i32 to index
      %get3A_723 = arith.constant 0 : index
      %get3A_724 = tpu.vector_load %arg7[%get3A_722, %get3A_723] {strides = array<i32>} : memref<128x32xf32, #tpu.memory_space<vmem>>, vector<16xf32>,
      %get3A_725 = arith.index_cast %add3A_720 : i32 to index
      %get3A_726 = arith.constant 16 : index
      %get3A_727 = tpu.vector_load %arg7[%get3A_725, %get3A_726] {strides = array<i32>} : memref<128x32xf32, #tpu.memory_space<vmem>>, vector<16xf32>,
      tpu.vector_store_idx %arg9[%iota3A, %broadcast_in_dim3A_721], %get3A_724 : memref<32x128xf32, #tpu.memory_space<vmem>>[vector<16xi32>, vector<16xi32>], vector<16xf32>,
      tpu.vector_store_idx %arg9[%add3A_3, %broadcast_in_dim3A_721], %get3A_727 : memref<32x128xf32, #tpu.memory_space<vmem>>[vector<16xi32>, vector<16xi32>], vector<16xf32>,
      %mul3A_728 = arith.constant 8 : i32
      %mul3A_729 = arith.muli %scan3A_707, %mul3A_728 : i32
      %add3A_730 = arith.constant 2 : i32
      %add3A_731 = arith.addi %mul3A_729, %add3A_730 : i32
      %broadcast_in_dim3A_732 = vector.broadcast %add3A_731 : i32 to vector<16xi32>
      %get3A_733 = arith.index_cast %add3A_731 : i32 to index
      %get3A_734 = arith.constant 0 : index
      %get3A_735 = tpu.vector_load %arg7[%get3A_733, %get3A_734] {strides = array<i32>} : memref<128x32xf32, #tpu.memory_space<vmem>>, vector<16xf32>,
      %get3A_736 = arith.index_cast %add3A_731 : i32 to index
      %get3A_737 = arith.constant 16 : index
      %get3A_738 = tpu.vector_load %arg7[%get3A_736, %get3A_737] {strides = array<i32>} : memref<128x32xf32, #tpu.memory_space<vmem>>, vector<16xf32>,
      tpu.vector_store_idx %arg9[%iota3A, %broadcast_in_dim3A_732], %get3A_735 : memref<32x128xf32, #tpu.memory_space<vmem>>[vector<16xi32>, vector<16xi32>], vector<16xf32>,
      tpu.vector_store_idx %arg9[%add3A_3, %broadcast_in_dim3A_732], %get3A_738 : memref<32x128xf32, #tpu.memory_space<vmem>>[vector<16xi32>, vector<16xi32>], vector<16xf32>,
      %mul3A_739 = arith.constant 8 : i32
      %mul3A_740 = arith.muli %scan3A_707, %mul3A_739 : i32
      %add3A_741 = arith.constant 3 : i32
      %add3A_742 = arith.addi %mul3A_740, %add3A_741 : i32
      %broadcast_in_dim3A_743 = vector.broadcast %add3A_742 : i32 to vector<16xi32>
      %get3A_744 = arith.index_cast %add3A_742 : i32 to index
      %get3A_745 = arith.constant 0 : index
      %get3A_746 = tpu.vector_load %arg7[%get3A_744, %get3A_745] {strides = array<i32>} : memref<128x32xf32, #tpu.memory_space<vmem>>, vector<16xf32>,
      %get3A_747 = arith.index_cast %add3A_742 : i32 to index
      %get3A_748 = arith.constant 16 : index
      %get3A_749 = tpu.vector_load %arg7[%get3A_747, %get3A_748] {strides = array<i32>} : memref<128x32xf32, #tpu.memory_space<vmem>>, vector<16xf32>,
      tpu.vector_store_idx %arg9[%iota3A, %broadcast_in_dim3A_743], %get3A_746 : memref<32x128xf32, #tpu.memory_space<vmem>>[vector<16xi32>, vector<16xi32>], vector<16xf32>,
      tpu.vector_store_idx %arg9[%add3A_3, %broadcast_in_dim3A_743], %get3A_749 : memref<32x128xf32, #tpu.memory_space<vmem>>[vector<16xi32>, vector<16xi32>], vector<16xf32>,
      %mul3A_750 = arith.constant 8 : i32
      %mul3A_751 = arith.muli %scan3A_707, %mul3A_750 : i32
      %add3A_752 = arith.constant 4 : i32
      %add3A_753 = arith.addi %mul3A_751, %add3A_752 : i32
      %broadcast_in_dim3A_754 = vector.broadcast %add3A_753 : i32 to vector<16xi32>
      %get3A_755 = arith.index_cast %add3A_753 : i32 to index
      %get3A_756 = arith.constant 0 : index
      %get3A_757 = tpu.vector_load %arg7[%get3A_755, %get3A_756] {strides = array<i32>} : memref<128x32xf32, #tpu.memory_space<vmem>>, vector<16xf32>,
      %get3A_758 = arith.index_cast %add3A_753 : i32 to index
      %get3A_759 = arith.constant 16 : index
      %get3A_760 = tpu.vector_load %arg7[%get3A_758, %get3A_759] {strides = array<i32>} : memref<128x32xf32, #tpu.memory_space<vmem>>, vector<16xf32>,
      tpu.vector_store_idx %arg9[%iota3A, %broadcast_in_dim3A_754], %get3A_757 : memref<32x128xf32, #tpu.memory_space<vmem>>[vector<16xi32>, vector<16xi32>], vector<16xf32>,
      tpu.vector_store_idx %arg9[%add3A_3, %broadcast_in_dim3A_754], %get3A_760 : memref<32x128xf32, #tpu.memory_space<vmem>>[vector<16xi32>, vector<16xi32>], vector<16xf32>,
      %mul3A_761 = arith.constant 8 : i32
      %mul3A_762 = arith.muli %scan3A_707, %mul3A_761 : i32
      %add3A_763 = arith.constant 5 : i32
      %add3A_764 = arith.addi %mul3A_762, %add3A_763 : i32
      %broadcast_in_dim3A_765 = vector.broadcast %add3A_764 : i32 to vector<16xi32>
      %get3A_766 = arith.index_cast %add3A_764 : i32 to index
      %get3A_767 = arith.constant 0 : index
      %get3A_768 = tpu.vector_load %arg7[%get3A_766, %get3A_767] {strides = array<i32>} : memref<128x32xf32, #tpu.memory_space<vmem>>, vector<16xf32>,
      %get3A_769 = arith.index_cast %add3A_764 : i32 to index
      %get3A_770 = arith.constant 16 : index
      %get3A_771 = tpu.vector_load %arg7[%get3A_769, %get3A_770] {strides = array<i32>} : memref<128x32xf32, #tpu.memory_space<vmem>>, vector<16xf32>,
      tpu.vector_store_idx %arg9[%iota3A, %broadcast_in_dim3A_765], %get3A_768 : memref<32x128xf32, #tpu.memory_space<vmem>>[vector<16xi32>, vector<16xi32>], vector<16xf32>,
      tpu.vector_store_idx %arg9[%add3A_3, %broadcast_in_dim3A_765], %get3A_771 : memref<32x128xf32, #tpu.memory_space<vmem>>[vector<16xi32>, vector<16xi32>], vector<16xf32>,
      %mul3A_772 = arith.constant 8 : i32
      %mul3A_773 = arith.muli %scan3A_707, %mul3A_772 : i32
      %add3A_774 = arith.constant 6 : i32
      %add3A_775 = arith.addi %mul3A_773, %add3A_774 : i32
      %broadcast_in_dim3A_776 = vector.broadcast %add3A_775 : i32 to vector<16xi32>
      %get3A_777 = arith.index_cast %add3A_775 : i32 to index
      %get3A_778 = arith.constant 0 : index
      %get3A_779 = tpu.vector_load %arg7[%get3A_777, %get3A_778] {strides = array<i32>} : memref<128x32xf32, #tpu.memory_space<vmem>>, vector<16xf32>,
      %get3A_780 = arith.index_cast %add3A_775 : i32 to index
      %get3A_781 = arith.constant 16 : index
      %get3A_782 = tpu.vector_load %arg7[%get3A_780, %get3A_781] {strides = array<i32>} : memref<128x32xf32, #tpu.memory_space<vmem>>, vector<16xf32>,
      tpu.vector_store_idx %arg9[%iota3A, %broadcast_in_dim3A_776], %get3A_779 : memref<32x128xf32, #tpu.memory_space<vmem>>[vector<16xi32>, vector<16xi32>], vector<16xf32>,
      tpu.vector_store_idx %arg9[%add3A_3, %broadcast_in_dim3A_776], %get3A_782 : memref<32x128xf32, #tpu.memory_space<vmem>>[vector<16xi32>, vector<16xi32>], vector<16xf32>,
      %mul3A_783 = arith.constant 8 : i32
      %mul3A_784 = arith.muli %scan3A_707, %mul3A_783 : i32
      %add3A_785 = arith.constant 7 : i32
      %add3A_786 = arith.addi %mul3A_784, %add3A_785 : i32
      %broadcast_in_dim3A_787 = vector.broadcast %add3A_786 : i32 to vector<16xi32>
      %get3A_788 = arith.index_cast %add3A_786 : i32 to index
      %get3A_789 = arith.constant 0 : index
      %get3A_790 = tpu.vector_load %arg7[%get3A_788, %get3A_789] {strides = array<i32>} : memref<128x32xf32, #tpu.memory_space<vmem>>, vector<16xf32>,
      %get3A_791 = arith.index_cast %add3A_786 : i32 to index
      %get3A_792 = arith.constant 16 : index
      %get3A_793 = tpu.vector_load %arg7[%get3A_791, %get3A_792] {strides = array<i32>} : memref<128x32xf32, #tpu.memory_space<vmem>>, vector<16xf32>,
      tpu.vector_store_idx %arg9[%iota3A, %broadcast_in_dim3A_787], %get3A_790 : memref<32x128xf32, #tpu.memory_space<vmem>>[vector<16xi32>, vector<16xi32>], vector<16xf32>,
      tpu.vector_store_idx %arg9[%add3A_3, %broadcast_in_dim3A_787], %get3A_793 : memref<32x128xf32, #tpu.memory_space<vmem>>[vector<16xi32>, vector<16xi32>], vector<16xf32>,
    }
    %scan3A_480 = arith.constant 16 : i32
    %mul3A_481 = arith.constant 200 : i32
    %mul3A_482 = arith.muli %add3A, %mul3A_481 : i32
    %add3A_483 = arith.constant 199 : i32
    %add3A_484 = arith.addi %mul3A_482, %add3A_483 : i32
    %jit3A_485 = arith.constant 128 : i32
    %div3A_486 = arith.divsi %add3A_484, %jit3A_485 : i32
    %sign3A_487 = arith.constant 0 : i32
    %sign3A_488 = arith.cmpi sgt, %add3A_484, %sign3A_487 : i32
    %sign3A_489 = arith.extui %sign3A_488 : i1 to i32
    %sign3A_490 = arith.constant 0 : i32
    %sign3A_491 = arith.cmpi slt, %add3A_484, %sign3A_490 : i32
    %sign3A_492 = arith.extui %sign3A_491 : i1 to i32
    %sign3A_493 = arith.subi %sign3A_489, %sign3A_492 : i32
    %sign3A_494 = arith.constant 0 : i32
    %sign3A_495 = arith.cmpi sgt, %jit3A_485, %sign3A_494 : i32
    %sign3A_496 = arith.extui %sign3A_495 : i1 to i32
    %sign3A_497 = arith.constant 0 : i32
    %sign3A_498 = arith.cmpi slt, %jit3A_485, %sign3A_497 : i32
    %sign3A_499 = arith.extui %sign3A_498 : i1 to i32
    %sign3A_500 = arith.subi %sign3A_496, %sign3A_499 : i32
    %ne3A_501 = arith.cmpi ne, %sign3A_493, %sign3A_500 : i32
    %rem3A_502 = arith.remsi %add3A_484, %jit3A_485 : i32
    %ne3A_503 = arith.constant 0 : i32
    %ne3A_504 = arith.cmpi ne, %rem3A_502, %ne3A_503 : i32
    %and3A_505 = arith.andi %ne3A_501, %ne3A_504 : i1
    %sub3A_506 = arith.constant 1 : i32
    %sub3A_507 = arith.subi %div3A_486, %sub3A_506 : i32
    %select_n3A_508 = arith.select %and3A_505, %sub3A_507, %div3A_486 : i32
    %rem3A_509 = arith.constant 128 : i32
    %rem3A_510 = arith.remsi %add3A_484, %rem3A_509 : i32
    %dma_start3A_511 = arith.constant 0 : i32
    %dma_start3A_512 = arith.constant 0 : i32
    %dma_start3A_513 = arith.constant 0 : i32
    %dma_start3A_514 = tpu.memref_slice %arg9[%dma_start3A_512, %dma_start3A_513] : memref<32x128xf32, #tpu.memory_space<vmem>> -> memref<8x128xf32, #tpu.memory_space<vmem>>
    %dma_start3A_515 = arith.constant 0 : i32
    %dma_start3A_516 = arith.constant 0 : i32
    %dma_start3A_517 = tpu.memref_slice %arg4[%select_n3A_508, %dma_start3A_511, %rem3A_510, %dma_start3A_515, %dma_start3A_516] : memref<50x4x128x8x128xf32, #tpu.memory_space<hbm>> -> memref<1x1x1x8x128xf32, #tpu.memory_space<hbm>>
    %dma_start3A_518 = tpu.memref_squeeze %dma_start3A_517 : memref<1x1x1x8x128xf32, #tpu.memory_space<hbm>> -> memref<8x128xf32, #tpu.memory_space<hbm>>
    %dma_start3A_519 = arith.constant 0 : i32
    %dma_start3A_520 = arith.constant 0 : i32
    %dma_start3A_521 = tpu.memref_slice %arg4[%select_n3A_508, %dma_start3A_511, %rem3A_510, %dma_start3A_519, %dma_start3A_520] : memref<50x4x128x8x128xf32, #tpu.memory_space<hbm>> -> memref<1x1x1x8x128xf32, #tpu.memory_space<hbm>>
    %dma_start3A_522 = tpu.memref_squeeze %dma_start3A_521 : memref<1x1x1x8x128xf32, #tpu.memory_space<hbm>> -> memref<8x128xf32, #tpu.memory_space<hbm>>
    %dma_start3A_523 = arith.constant 0 : i32
    %dma_start3A_524 = arith.constant 0 : i32
    %dma_start3A_525 = tpu.memref_slice %arg9[%dma_start3A_523, %dma_start3A_524] : memref<32x128xf32, #tpu.memory_space<vmem>> -> memref<8x128xf32, #tpu.memory_space<vmem>>
    tpu.enqueue_dma source(%dma_start3A_525 : memref<8x128xf32, #tpu.memory_space<vmem>>) target(%dma_start3A_522 : memref<8x128xf32, #tpu.memory_space<hbm>>) target_semaphore(%arg11 : memref<!tpu.dma_semaphore, #tpu.memory_space<semaphore_mem>>)
    %dma_start3A_526 = arith.constant 1 : i32
    %dma_start3A_527 = arith.constant 8 : i32
    %dma_start3A_528 = arith.constant 0 : i32
    %dma_start3A_529 = tpu.memref_slice %arg9[%dma_start3A_527, %dma_start3A_528] : memref<32x128xf32, #tpu.memory_space<vmem>> -> memref<8x128xf32, #tpu.memory_space<vmem>>
    %dma_start3A_530 = arith.constant 0 : i32
    %dma_start3A_531 = arith.constant 0 : i32
    %dma_start3A_532 = tpu.memref_slice %arg4[%select_n3A_508, %dma_start3A_526, %rem3A_510, %dma_start3A_530, %dma_start3A_531] : memref<50x4x128x8x128xf32, #tpu.memory_space<hbm>> -> memref<1x1x1x8x128xf32, #tpu.memory_space<hbm>>
    %dma_start3A_533 = tpu.memref_squeeze %dma_start3A_532 : memref<1x1x1x8x128xf32, #tpu.memory_space<hbm>> -> memref<8x128xf32, #tpu.memory_space<hbm>>
    %dma_start3A_534 = arith.constant 0 : i32
    %dma_start3A_535 = arith.constant 0 : i32
    %dma_start3A_536 = tpu.memref_slice %arg4[%select_n3A_508, %dma_start3A_526, %rem3A_510, %dma_start3A_534, %dma_start3A_535] : memref<50x4x128x8x128xf32, #tpu.memory_space<hbm>> -> memref<1x1x1x8x128xf32, #tpu.memory_space<hbm>>
    %dma_start3A_537 = tpu.memref_squeeze %dma_start3A_536 : memref<1x1x1x8x128xf32, #tpu.memory_space<hbm>> -> memref<8x128xf32, #tpu.memory_space<hbm>>
    %dma_start3A_538 = arith.constant 8 : i32
    %dma_start3A_539 = arith.constant 0 : i32
    %dma_start3A_540 = tpu.memref_slice %arg9[%dma_start3A_538, %dma_start3A_539] : memref<32x128xf32, #tpu.memory_space<vmem>> -> memref<8x128xf32, #tpu.memory_space<vmem>>
    tpu.enqueue_dma source(%dma_start3A_540 : memref<8x128xf32, #tpu.memory_space<vmem>>) target(%dma_start3A_537 : memref<8x128xf32, #tpu.memory_space<hbm>>) target_semaphore(%arg11 : memref<!tpu.dma_semaphore, #tpu.memory_space<semaphore_mem>>)
    %dma_start3A_541 = arith.constant 2 : i32
    %dma_start3A_542 = arith.constant 16 : i32
    %dma_start3A_543 = arith.constant 0 : i32
    %dma_start3A_544 = tpu.memref_slice %arg9[%dma_start3A_542, %dma_start3A_543] : memref<32x128xf32, #tpu.memory_space<vmem>> -> memref<8x128xf32, #tpu.memory_space<vmem>>
    %dma_start3A_545 = arith.constant 0 : i32
    %dma_start3A_546 = arith.constant 0 : i32
    %dma_start3A_547 = tpu.memref_slice %arg4[%select_n3A_508, %dma_start3A_541, %rem3A_510, %dma_start3A_545, %dma_start3A_546] : memref<50x4x128x8x128xf32, #tpu.memory_space<hbm>> -> memref<1x1x1x8x128xf32, #tpu.memory_space<hbm>>
    %dma_start3A_548 = tpu.memref_squeeze %dma_start3A_547 : memref<1x1x1x8x128xf32, #tpu.memory_space<hbm>> -> memref<8x128xf32, #tpu.memory_space<hbm>>
    %dma_start3A_549 = arith.constant 0 : i32
    %dma_start3A_550 = arith.constant 0 : i32
    %dma_start3A_551 = tpu.memref_slice %arg4[%select_n3A_508, %dma_start3A_541, %rem3A_510, %dma_start3A_549, %dma_start3A_550] : memref<50x4x128x8x128xf32, #tpu.memory_space<hbm>> -> memref<1x1x1x8x128xf32, #tpu.memory_space<hbm>>
    %dma_start3A_552 = tpu.memref_squeeze %dma_start3A_551 : memref<1x1x1x8x128xf32, #tpu.memory_space<hbm>> -> memref<8x128xf32, #tpu.memory_space<hbm>>
    %dma_start3A_553 = arith.constant 16 : i32
    %dma_start3A_554 = arith.constant 0 : i32
    %dma_start3A_555 = tpu.memref_slice %arg9[%dma_start3A_553, %dma_start3A_554] : memref<32x128xf32, #tpu.memory_space<vmem>> -> memref<8x128xf32, #tpu.memory_space<vmem>>
    tpu.enqueue_dma source(%dma_start3A_555 : memref<8x128xf32, #tpu.memory_space<vmem>>) target(%dma_start3A_552 : memref<8x128xf32, #tpu.memory_space<hbm>>) target_semaphore(%arg11 : memref<!tpu.dma_semaphore, #tpu.memory_space<semaphore_mem>>)
    %dma_start3A_556 = arith.constant 3 : i32
    %dma_start3A_557 = arith.constant 24 : i32
    %dma_start3A_558 = arith.constant 0 : i32
    %dma_start3A_559 = tpu.memref_slice %arg9[%dma_start3A_557, %dma_start3A_558] : memref<32x128xf32, #tpu.memory_space<vmem>> -> memref<8x128xf32, #tpu.memory_space<vmem>>
    %dma_start3A_560 = arith.constant 0 : i32
    %dma_start3A_561 = arith.constant 0 : i32
    %dma_start3A_562 = tpu.memref_slice %arg4[%select_n3A_508, %dma_start3A_556, %rem3A_510, %dma_start3A_560, %dma_start3A_561] : memref<50x4x128x8x128xf32, #tpu.memory_space<hbm>> -> memref<1x1x1x8x128xf32, #tpu.memory_space<hbm>>
    %dma_start3A_563 = tpu.memref_squeeze %dma_start3A_562 : memref<1x1x1x8x128xf32, #tpu.memory_space<hbm>> -> memref<8x128xf32, #tpu.memory_space<hbm>>
    %dma_start3A_564 = arith.constant 0 : i32
    %dma_start3A_565 = arith.constant 0 : i32
    %dma_start3A_566 = tpu.memref_slice %arg4[%select_n3A_508, %dma_start3A_556, %rem3A_510, %dma_start3A_564, %dma_start3A_565] : memref<50x4x128x8x128xf32, #tpu.memory_space<hbm>> -> memref<1x1x1x8x128xf32, #tpu.memory_space<hbm>>
    %dma_start3A_567 = tpu.memref_squeeze %dma_start3A_566 : memref<1x1x1x8x128xf32, #tpu.memory_space<hbm>> -> memref<8x128xf32, #tpu.memory_space<hbm>>
    %dma_start3A_568 = arith.constant 24 : i32
    %dma_start3A_569 = arith.constant 0 : i32
    %dma_start3A_570 = tpu.memref_slice %arg9[%dma_start3A_568, %dma_start3A_569] : memref<32x128xf32, #tpu.memory_space<vmem>> -> memref<8x128xf32, #tpu.memory_space<vmem>>
    tpu.enqueue_dma source(%dma_start3A_570 : memref<8x128xf32, #tpu.memory_space<vmem>>) target(%dma_start3A_567 : memref<8x128xf32, #tpu.memory_space<hbm>>) target_semaphore(%arg11 : memref<!tpu.dma_semaphore, #tpu.memory_space<semaphore_mem>>)
    %dma_wait3A_571 = arith.constant 0 : i32
    %dma_wait3A_572 = arith.constant 0 : i32
    %dma_wait3A_573 = arith.constant 0 : i32
    %dma_wait3A_574 = arith.constant 0 : i32
    %dma_wait3A_575 = arith.constant 0 : i32
    %dma_wait3A_576 = tpu.memref_slice %arg8[%dma_wait3A_574, %dma_wait3A_575] : memref<32x128xf32, #tpu.memory_space<vmem>> -> memref<8x128xf32, #tpu.memory_space<vmem>>
    %dma_wait3A_577 = arith.constant 0 : i32
    %dma_wait3A_578 = arith.constant 0 : i32
    %dma_wait3A_579 = tpu.memref_slice %arg4[%dma_wait3A_571, %dma_wait3A_572, %dma_wait3A_573, %dma_wait3A_577, %dma_wait3A_578] : memref<50x4x128x8x128xf32, #tpu.memory_space<hbm>> -> memref<1x1x1x8x128xf32, #tpu.memory_space<hbm>>
    %dma_wait3A_580 = tpu.memref_squeeze %dma_wait3A_579 : memref<1x1x1x8x128xf32, #tpu.memory_space<hbm>> -> memref<8x128xf32, #tpu.memory_space<hbm>>
    %dma_wait3A_581 = arith.constant 0 : i32
    %dma_wait3A_582 = arith.constant 0 : i32
    %dma_wait3A_583 = tpu.memref_slice %arg8[%dma_wait3A_581, %dma_wait3A_582] : memref<32x128xf32, #tpu.memory_space<vmem>> -> memref<8x128xf32, #tpu.memory_space<vmem>>
    %dma_wait3A_584 = arith.constant 0 : i32
    %dma_wait3A_585 = arith.constant 0 : i32
    %dma_wait3A_586 = tpu.memref_slice %arg4[%dma_wait3A_571, %dma_wait3A_572, %dma_wait3A_573, %dma_wait3A_584, %dma_wait3A_585] : memref<50x4x128x8x128xf32, #tpu.memory_space<hbm>> -> memref<1x1x1x8x128xf32, #tpu.memory_space<hbm>>
    %dma_wait3A_587 = tpu.memref_squeeze %dma_wait3A_586 : memref<1x1x1x8x128xf32, #tpu.memory_space<hbm>> -> memref<8x128xf32, #tpu.memory_space<hbm>>
    tpu.wait_dma2 semaphore(%arg11 : memref<!tpu.dma_semaphore, #tpu.memory_space<semaphore_mem>>) src(%dma_wait3A_587 : memref<8x128xf32, #tpu.memory_space<hbm>>) dst(%dma_wait3A_583 : memref<8x128xf32, #tpu.memory_space<vmem>>)
    %dma_wait3A_588 = arith.constant 0 : i32
    %dma_wait3A_589 = arith.constant 0 : i32
    %dma_wait3A_590 = arith.constant 0 : i32
    %dma_wait3A_591 = arith.constant 8 : i32
    %dma_wait3A_592 = arith.constant 0 : i32
    %dma_wait3A_593 = tpu.memref_slice %arg8[%dma_wait3A_591, %dma_wait3A_592] : memref<32x128xf32, #tpu.memory_space<vmem>> -> memref<8x128xf32, #tpu.memory_space<vmem>>
    %dma_wait3A_594 = arith.constant 0 : i32
    %dma_wait3A_595 = arith.constant 0 : i32
    %dma_wait3A_596 = tpu.memref_slice %arg4[%dma_wait3A_588, %dma_wait3A_589, %dma_wait3A_590, %dma_wait3A_594, %dma_wait3A_595] : memref<50x4x128x8x128xf32, #tpu.memory_space<hbm>> -> memref<1x1x1x8x128xf32, #tpu.memory_space<hbm>>
    %dma_wait3A_597 = tpu.memref_squeeze %dma_wait3A_596 : memref<1x1x1x8x128xf32, #tpu.memory_space<hbm>> -> memref<8x128xf32, #tpu.memory_space<hbm>>
    %dma_wait3A_598 = arith.constant 8 : i32
    %dma_wait3A_599 = arith.constant 0 : i32
    %dma_wait3A_600 = tpu.memref_slice %arg8[%dma_wait3A_598, %dma_wait3A_599] : memref<32x128xf32, #tpu.memory_space<vmem>> -> memref<8x128xf32, #tpu.memory_space<vmem>>
    %dma_wait3A_601 = arith.constant 0 : i32
    %dma_wait3A_602 = arith.constant 0 : i32
    %dma_wait3A_603 = tpu.memref_slice %arg4[%dma_wait3A_588, %dma_wait3A_589, %dma_wait3A_590, %dma_wait3A_601, %dma_wait3A_602] : memref<50x4x128x8x128xf32, #tpu.memory_space<hbm>> -> memref<1x1x1x8x128xf32, #tpu.memory_space<hbm>>
    %dma_wait3A_604 = tpu.memref_squeeze %dma_wait3A_603 : memref<1x1x1x8x128xf32, #tpu.memory_space<hbm>> -> memref<8x128xf32, #tpu.memory_space<hbm>>
    tpu.wait_dma2 semaphore(%arg11 : memref<!tpu.dma_semaphore, #tpu.memory_space<semaphore_mem>>) src(%dma_wait3A_604 : memref<8x128xf32, #tpu.memory_space<hbm>>) dst(%dma_wait3A_600 : memref<8x128xf32, #tpu.memory_space<vmem>>)
    %dma_wait3A_605 = arith.constant 0 : i32
    %dma_wait3A_606 = arith.constant 0 : i32
    %dma_wait3A_607 = arith.constant 0 : i32
    %dma_wait3A_608 = arith.constant 16 : i32
    %dma_wait3A_609 = arith.constant 0 : i32
    %dma_wait3A_610 = tpu.memref_slice %arg8[%dma_wait3A_608, %dma_wait3A_609] : memref<32x128xf32, #tpu.memory_space<vmem>> -> memref<8x128xf32, #tpu.memory_space<vmem>>
    %dma_wait3A_611 = arith.constant 0 : i32
    %dma_wait3A_612 = arith.constant 0 : i32
    %dma_wait3A_613 = tpu.memref_slice %arg4[%dma_wait3A_605, %dma_wait3A_606, %dma_wait3A_607, %dma_wait3A_611, %dma_wait3A_612] : memref<50x4x128x8x128xf32, #tpu.memory_space<hbm>> -> memref<1x1x1x8x128xf32, #tpu.memory_space<hbm>>
    %dma_wait3A_614 = tpu.memref_squeeze %dma_wait3A_613 : memref<1x1x1x8x128xf32, #tpu.memory_space<hbm>> -> memref<8x128xf32, #tpu.memory_space<hbm>>
    %dma_wait3A_615 = arith.constant 16 : i32
    %dma_wait3A_616 = arith.constant 0 : i32
    %dma_wait3A_617 = tpu.memref_slice %arg8[%dma_wait3A_615, %dma_wait3A_616] : memref<32x128xf32, #tpu.memory_space<vmem>> -> memref<8x128xf32, #tpu.memory_space<vmem>>
    %dma_wait3A_618 = arith.constant 0 : i32
    %dma_wait3A_619 = arith.constant 0 : i32
    %dma_wait3A_620 = tpu.memref_slice %arg4[%dma_wait3A_605, %dma_wait3A_606, %dma_wait3A_607, %dma_wait3A_618, %dma_wait3A_619] : memref<50x4x128x8x128xf32, #tpu.memory_space<hbm>> -> memref<1x1x1x8x128xf32, #tpu.memory_space<hbm>>
    %dma_wait3A_621 = tpu.memref_squeeze %dma_wait3A_620 : memref<1x1x1x8x128xf32, #tpu.memory_space<hbm>> -> memref<8x128xf32, #tpu.memory_space<hbm>>
    tpu.wait_dma2 semaphore(%arg11 : memref<!tpu.dma_semaphore, #tpu.memory_space<semaphore_mem>>) src(%dma_wait3A_621 : memref<8x128xf32, #tpu.memory_space<hbm>>) dst(%dma_wait3A_617 : memref<8x128xf32, #tpu.memory_space<vmem>>)
    %dma_wait3A_622 = arith.constant 0 : i32
    %dma_wait3A_623 = arith.constant 0 : i32
    %dma_wait3A_624 = arith.constant 0 : i32
    %dma_wait3A_625 = arith.constant 24 : i32
    %dma_wait3A_626 = arith.constant 0 : i32
    %dma_wait3A_627 = tpu.memref_slice %arg8[%dma_wait3A_625, %dma_wait3A_626] : memref<32x128xf32, #tpu.memory_space<vmem>> -> memref<8x128xf32, #tpu.memory_space<vmem>>
    %dma_wait3A_628 = arith.constant 0 : i32
    %dma_wait3A_629 = arith.constant 0 : i32
    %dma_wait3A_630 = tpu.memref_slice %arg4[%dma_wait3A_622, %dma_wait3A_623, %dma_wait3A_624, %dma_wait3A_628, %dma_wait3A_629] : memref<50x4x128x8x128xf32, #tpu.memory_space<hbm>> -> memref<1x1x1x8x128xf32, #tpu.memory_space<hbm>>
    %dma_wait3A_631 = tpu.memref_squeeze %dma_wait3A_630 : memref<1x1x1x8x128xf32, #tpu.memory_space<hbm>> -> memref<8x128xf32, #tpu.memory_space<hbm>>
    %dma_wait3A_632 = arith.constant 24 : i32
    %dma_wait3A_633 = arith.constant 0 : i32
    %dma_wait3A_634 = tpu.memref_slice %arg8[%dma_wait3A_632, %dma_wait3A_633] : memref<32x128xf32, #tpu.memory_space<vmem>> -> memref<8x128xf32, #tpu.memory_space<vmem>>
    %dma_wait3A_635 = arith.constant 0 : i32
    %dma_wait3A_636 = arith.constant 0 : i32
    %dma_wait3A_637 = tpu.memref_slice %arg4[%dma_wait3A_622, %dma_wait3A_623, %dma_wait3A_624, %dma_wait3A_635, %dma_wait3A_636] : memref<50x4x128x8x128xf32, #tpu.memory_space<hbm>> -> memref<1x1x1x8x128xf32, #tpu.memory_space<hbm>>
    %dma_wait3A_638 = tpu.memref_squeeze %dma_wait3A_637 : memref<1x1x1x8x128xf32, #tpu.memory_space<hbm>> -> memref<8x128xf32, #tpu.memory_space<hbm>>
    tpu.wait_dma2 semaphore(%arg11 : memref<!tpu.dma_semaphore, #tpu.memory_space<semaphore_mem>>) src(%dma_wait3A_638 : memref<8x128xf32, #tpu.memory_space<hbm>>) dst(%dma_wait3A_634 : memref<8x128xf32, #tpu.memory_space<vmem>>)
    %dma_wait3A_639 = arith.constant 0 : i32
    %dma_wait3A_640 = arith.constant 0 : i32
    %dma_wait3A_641 = arith.constant 0 : i32
    %dma_wait3A_642 = arith.constant 0 : i32
    %dma_wait3A_643 = arith.constant 0 : i32
    %dma_wait3A_644 = tpu.memref_slice %arg9[%dma_wait3A_642, %dma_wait3A_643] : memref<32x128xf32, #tpu.memory_space<vmem>> -> memref<8x128xf32, #tpu.memory_space<vmem>>
    %dma_wait3A_645 = arith.constant 0 : i32
    %dma_wait3A_646 = arith.constant 0 : i32
    %dma_wait3A_647 = tpu.memref_slice %arg4[%dma_wait3A_639, %dma_wait3A_640, %dma_wait3A_641, %dma_wait3A_645, %dma_wait3A_646] : memref<50x4x128x8x128xf32, #tpu.memory_space<hbm>> -> memref<1x1x1x8x128xf32, #tpu.memory_space<hbm>>
    %dma_wait3A_648 = tpu.memref_squeeze %dma_wait3A_647 : memref<1x1x1x8x128xf32, #tpu.memory_space<hbm>> -> memref<8x128xf32, #tpu.memory_space<hbm>>
    %dma_wait3A_649 = arith.constant 0 : i32
    %dma_wait3A_650 = arith.constant 0 : i32
    %dma_wait3A_651 = tpu.memref_slice %arg9[%dma_wait3A_649, %dma_wait3A_650] : memref<32x128xf32, #tpu.memory_space<vmem>> -> memref<8x128xf32, #tpu.memory_space<vmem>>
    %dma_wait3A_652 = arith.constant 0 : i32
    %dma_wait3A_653 = arith.constant 0 : i32
    %dma_wait3A_654 = tpu.memref_slice %arg4[%dma_wait3A_639, %dma_wait3A_640, %dma_wait3A_641, %dma_wait3A_652, %dma_wait3A_653] : memref<50x4x128x8x128xf32, #tpu.memory_space<hbm>> -> memref<1x1x1x8x128xf32, #tpu.memory_space<hbm>>
    %dma_wait3A_655 = tpu.memref_squeeze %dma_wait3A_654 : memref<1x1x1x8x128xf32, #tpu.memory_space<hbm>> -> memref<8x128xf32, #tpu.memory_space<hbm>>
    tpu.wait_dma2 semaphore(%arg11 : memref<!tpu.dma_semaphore, #tpu.memory_space<semaphore_mem>>) src(%dma_wait3A_655 : memref<8x128xf32, #tpu.memory_space<hbm>>) dst(%dma_wait3A_651 : memref<8x128xf32, #tpu.memory_space<vmem>>)
    %dma_wait3A_656 = arith.constant 0 : i32
    %dma_wait3A_657 = arith.constant 0 : i32
    %dma_wait3A_658 = arith.constant 0 : i32
    %dma_wait3A_659 = arith.constant 8 : i32
    %dma_wait3A_660 = arith.constant 0 : i32
    %dma_wait3A_661 = tpu.memref_slice %arg9[%dma_wait3A_659, %dma_wait3A_660] : memref<32x128xf32, #tpu.memory_space<vmem>> -> memref<8x128xf32, #tpu.memory_space<vmem>>
    %dma_wait3A_662 = arith.constant 0 : i32
    %dma_wait3A_663 = arith.constant 0 : i32
    %dma_wait3A_664 = tpu.memref_slice %arg4[%dma_wait3A_656, %dma_wait3A_657, %dma_wait3A_658, %dma_wait3A_662, %dma_wait3A_663] : memref<50x4x128x8x128xf32, #tpu.memory_space<hbm>> -> memref<1x1x1x8x128xf32, #tpu.memory_space<hbm>>
    %dma_wait3A_665 = tpu.memref_squeeze %dma_wait3A_664 : memref<1x1x1x8x128xf32, #tpu.memory_space<hbm>> -> memref<8x128xf32, #tpu.memory_space<hbm>>
    %dma_wait3A_666 = arith.constant 8 : i32
    %dma_wait3A_667 = arith.constant 0 : i32
    %dma_wait3A_668 = tpu.memref_slice %arg9[%dma_wait3A_666, %dma_wait3A_667] : memref<32x128xf32, #tpu.memory_space<vmem>> -> memref<8x128xf32, #tpu.memory_space<vmem>>
    %dma_wait3A_669 = arith.constant 0 : i32
    %dma_wait3A_670 = arith.constant 0 : i32
    %dma_wait3A_671 = tpu.memref_slice %arg4[%dma_wait3A_656, %dma_wait3A_657, %dma_wait3A_658, %dma_wait3A_669, %dma_wait3A_670] : memref<50x4x128x8x128xf32, #tpu.memory_space<hbm>> -> memref<1x1x1x8x128xf32, #tpu.memory_space<hbm>>
    %dma_wait3A_672 = tpu.memref_squeeze %dma_wait3A_671 : memref<1x1x1x8x128xf32, #tpu.memory_space<hbm>> -> memref<8x128xf32, #tpu.memory_space<hbm>>
    tpu.wait_dma2 semaphore(%arg11 : memref<!tpu.dma_semaphore, #tpu.memory_space<semaphore_mem>>) src(%dma_wait3A_672 : memref<8x128xf32, #tpu.memory_space<hbm>>) dst(%dma_wait3A_668 : memref<8x128xf32, #tpu.memory_space<vmem>>)
    %dma_wait3A_673 = arith.constant 0 : i32
    %dma_wait3A_674 = arith.constant 0 : i32
    %dma_wait3A_675 = arith.constant 0 : i32
    %dma_wait3A_676 = arith.constant 16 : i32
    %dma_wait3A_677 = arith.constant 0 : i32
    %dma_wait3A_678 = tpu.memref_slice %arg9[%dma_wait3A_676, %dma_wait3A_677] : memref<32x128xf32, #tpu.memory_space<vmem>> -> memref<8x128xf32, #tpu.memory_space<vmem>>
    %dma_wait3A_679 = arith.constant 0 : i32
    %dma_wait3A_680 = arith.constant 0 : i32
    %dma_wait3A_681 = tpu.memref_slice %arg4[%dma_wait3A_673, %dma_wait3A_674, %dma_wait3A_675, %dma_wait3A_679, %dma_wait3A_680] : memref<50x4x128x8x128xf32, #tpu.memory_space<hbm>> -> memref<1x1x1x8x128xf32, #tpu.memory_space<hbm>>
    %dma_wait3A_682 = tpu.memref_squeeze %dma_wait3A_681 : memref<1x1x1x8x128xf32, #tpu.memory_space<hbm>> -> memref<8x128xf32, #tpu.memory_space<hbm>>
    %dma_wait3A_683 = arith.constant 16 : i32
    %dma_wait3A_684 = arith.constant 0 : i32
    %dma_wait3A_685 = tpu.memref_slice %arg9[%dma_wait3A_683, %dma_wait3A_684] : memref<32x128xf32, #tpu.memory_space<vmem>> -> memref<8x128xf32, #tpu.memory_space<vmem>>
    %dma_wait3A_686 = arith.constant 0 : i32
    %dma_wait3A_687 = arith.constant 0 : i32
    %dma_wait3A_688 = tpu.memref_slice %arg4[%dma_wait3A_673, %dma_wait3A_674, %dma_wait3A_675, %dma_wait3A_686, %dma_wait3A_687] : memref<50x4x128x8x128xf32, #tpu.memory_space<hbm>> -> memref<1x1x1x8x128xf32, #tpu.memory_space<hbm>>
    %dma_wait3A_689 = tpu.memref_squeeze %dma_wait3A_688 : memref<1x1x1x8x128xf32, #tpu.memory_space<hbm>> -> memref<8x128xf32, #tpu.memory_space<hbm>>
    tpu.wait_dma2 semaphore(%arg11 : memref<!tpu.dma_semaphore, #tpu.memory_space<semaphore_mem>>) src(%dma_wait3A_689 : memref<8x128xf32, #tpu.memory_space<hbm>>) dst(%dma_wait3A_685 : memref<8x128xf32, #tpu.memory_space<vmem>>)
    %dma_wait3A_690 = arith.constant 0 : i32
    %dma_wait3A_691 = arith.constant 0 : i32
    %dma_wait3A_692 = arith.constant 0 : i32
    %dma_wait3A_693 = arith.constant 24 : i32
    %dma_wait3A_694 = arith.constant 0 : i32
    %dma_wait3A_695 = tpu.memref_slice %arg9[%dma_wait3A_693, %dma_wait3A_694] : memref<32x128xf32, #tpu.memory_space<vmem>> -> memref<8x128xf32, #tpu.memory_space<vmem>>
    %dma_wait3A_696 = arith.constant 0 : i32
    %dma_wait3A_697 = arith.constant 0 : i32
    %dma_wait3A_698 = tpu.memref_slice %arg4[%dma_wait3A_690, %dma_wait3A_691, %dma_wait3A_692, %dma_wait3A_696, %dma_wait3A_697] : memref<50x4x128x8x128xf32, #tpu.memory_space<hbm>> -> memref<1x1x1x8x128xf32, #tpu.memory_space<hbm>>
    %dma_wait3A_699 = tpu.memref_squeeze %dma_wait3A_698 : memref<1x1x1x8x128xf32, #tpu.memory_space<hbm>> -> memref<8x128xf32, #tpu.memory_space<hbm>>
    %dma_wait3A_700 = arith.constant 24 : i32
    %dma_wait3A_701 = arith.constant 0 : i32
    %dma_wait3A_702 = tpu.memref_slice %arg9[%dma_wait3A_700, %dma_wait3A_701] : memref<32x128xf32, #tpu.memory_space<vmem>> -> memref<8x128xf32, #tpu.memory_space<vmem>>
    %dma_wait3A_703 = arith.constant 0 : i32
    %dma_wait3A_704 = arith.constant 0 : i32
    %dma_wait3A_705 = tpu.memref_slice %arg4[%dma_wait3A_690, %dma_wait3A_691, %dma_wait3A_692, %dma_wait3A_703, %dma_wait3A_704] : memref<50x4x128x8x128xf32, #tpu.memory_space<hbm>> -> memref<1x1x1x8x128xf32, #tpu.memory_space<hbm>>
    %dma_wait3A_706 = tpu.memref_squeeze %dma_wait3A_705 : memref<1x1x1x8x128xf32, #tpu.memory_space<hbm>> -> memref<8x128xf32, #tpu.memory_space<hbm>>
    tpu.wait_dma2 semaphore(%arg11 : memref<!tpu.dma_semaphore, #tpu.memory_space<semaphore_mem>>) src(%dma_wait3A_706 : memref<8x128xf32, #tpu.memory_space<hbm>>) dst(%dma_wait3A_702 : memref<8x128xf32, #tpu.memory_space<vmem>>)
    return
  }
}

</mosaic_0001>

<sc_bundles>
// kernel: _gather.3.cloned.1.call-start
scs
__scs_entry_jumppad:
0x0: {  	(pc) =	sbr.rel $0x88, $3  }
0x1: {  	(tag) =	ssettag $0x0;
	lr =	simm.s32 $0x1  }
0x2: {  	[smem:$0x3F9F] =	sst lr;
	_ =	strace $0xD0000000  }
0x3: {  	_ = 	snop  }
0x4: {  	_ = 	snop  }
0x5: {  	_ = 	snop  }
0x6: {  	_ = 	snop  }
0x7: {  	_ = 	snop  }
__scs_overlays_trampoline_lowered:
0x8: {  	[smem:$0x3FAE] =	sst s0  }
0x9: {  	[smem:$0x3FAF] =	sst s1  }
0xa: {  	[smem:$0x3FB0] =	sst s2  }
0xb: {  	[smem:$0x3FB1] =	sst s3  }
0xc: {  	[smem:$0x3FB2] =	sst s4  }
0xd: {  	[smem:$0x3FB3] =	sst s5  }
0xe: {  	[smem:$0x3FB4] =	sst s6  }
0xf: {  	[smem:$0x3FB5] =	sst s7  }
0x10: {  	[smem:$0x3FB6] =	sst s8  }
0x11: {  	[smem:$0x3FB7] =	sst s9;
	s0 =	simm.s32 @!p0 $0x0  }
0x12: {  	s1 =	sld [smem:$0x3F9D];
	s0 =	simm.s32 @p0 $0x1  }
0x13: {  	[smem:$0x3FB8] =	sst s0;
	s0 =	simm.s32 @!p1 $0x0  }
0x14: {  	s2 =	sld [smem:$0x3F9C];
	s0 =	simm.s32 @p1 $0x1  }
0x15: {  	[smem:$0x3FB9] =	sst s0;
	s0 =	simm.s32 @!p2 $0x0  }
0x16: {  	s3 =	sld [smem:$0x3FDB];
	s0 =	simm.s32 @p2 $0x1  }
0x17: {  	s4 =	simm.s32 $0x1BF5;
	[smem:$0x3FBB] =	sst s0  }
0x18: {  	s0 =	sld [smem:$0x3F9E];
	_ =	swait.ge [sflag:s4], $0x0  }
0x19: {  	s7 =	sld [smem:$0x3F9F]  }
0x1a: {  	s8 =	sadd.s32 $0xFFFFE003, lr  }
0x1b: {  	s9 =	sadd.s32 $0xFFFFFEF7, lr;
	s5 =	simm.s32 $0xFFFFFFFF;
	p2 =	slt.u32 s8, $0xFFFFF086  }
0x1c: {  	p1 =	slt.u32 s9, $0xF7A;
	s5 =	simm.s32 @!p2 $0x0  }
0x1d: {  	s5 =	simm.s32 @p1 $0x1;
	p0 =	seq.s32 s7, s2  }
0x1e: {  	s7 =	smul.u32 @!p0 $0xF7A, s2;
	p2 =	seq.s32 @!p0 s5, $0x0  }
0x1f: {  	s9 =	smul.u32 $0xF7A, s1;
	s8 =	simm.s32 @!p0 $0x1BF5;
	p2 =	por !p2, p0  }
0x20: {  	[sflag:s8] =	ssyncset.s32 @!p0 $0xFFFFF086;
	s6 =	sadd.s32 @!p0 s3, s7;
	s7 =	simm.s32 @!p0 $0x108  }
0x21: {  	s3 =	sadd.s32 s3, s9;
	s6 =	sadd.s32 @!p0 $0x88, s6;
	s7 =	simm.s32 @p2 $0x1082  }
0x22: {  	[simem:s7], [sflag:s8] =	dma.local @!p0 [hbm:s6], $0xF7A  }
0x23: {  	s9 =	sor.u32 $0xD0000000, s2;
	s6 =	simm.s32 $0x108;
	_ =	swait.ge @!p0 [sflag:s8], $0x0  }
0x24: {  	s3 =	sadd.s32 $0x88, s3;
	s6 =	simm.s32 @!p1 $0x1082;
	[sflag:s4] =	ssyncset.s32 $0xFFFFF086  }
0x25: {  	[simem:s6], [sflag:s4] =	dma.local [hbm:s3], $0xF7A  }
0x26: {  	[smem:$0x3F9F] =	sst s1;
	(tag) =	ssettag s2;
	_ =	strace s9  }
0x27: {  	s1 =	sld [smem:$0x3FAF]  }
0x28: {  	s2 =	sld [smem:$0x3FB0]  }
0x29: {  	s4 =	sld [smem:$0x3FB2]  }
0x2a: {  	p0 =	seq.s32 s5, $0x0;
	s5 =	sld [smem:$0x3FB3]  }
0x2b: {  	s6 =	sld [smem:$0x3FB4]  }
0x2c: {  	s7 =	sld [smem:$0x3FB5]  }
0x2d: {  	s3 =	simm.s32 $0x108;
	s8 =	sld [smem:$0x3FB6]  }
0x2e: {  	s3 =	simm.s32 @!p0 $0x1082;
	s9 =	sld [smem:$0x3FB7]  }
0x2f: {  	lr =	sadd.s32 s0, s3;
	s0 =	sld [smem:$0x3FAE]  }
0x30: {  	s3 =	sld [smem:$0x3FB1]  }
0x31: {  	[smem:$0x3FBA] =	sst s10  }
0x32: {  	s10 =	sld [smem:$0x3FB8];
	_ =	sdelay $0x3  }
0x33: {  	p0 =	seq.s32 s10, $0x1;
	s10 =	sld [smem:$0x3FBA];
	_ =	sdelay $0x3  }
0x34: {  	[smem:$0x3FBA] =	sst s10  }
0x35: {  	s10 =	sld [smem:$0x3FB9];
	_ =	sdelay $0x3  }
0x36: {  	p1 =	seq.s32 s10, $0x1;
	s10 =	sld [smem:$0x3FBA];
	_ =	sdelay $0x3  }
0x37: {  	[smem:$0x3FBA] =	sst s10  }
0x38: {  	s10 =	sld [smem:$0x3FBB]  }
0x39: {  	_ = 	snop;
	(pc) =	sbr.ind lr, $3  }
0x3a: {  	_ = 	snop  }
0x3b: {  	_ = 	snop  }
0x3c: {  	p2 =	seq.s32 s10, $0x1;
	s10 =	sld [smem:$0x3FBA]  }
0x3d: {  	_ =	shalt  }
0x3e: {  	_ =	shalt  }
0x3f: {  	_ =	shalt  }
0x40: {  	_ =	shalt  }
0x41: {  	_ =	shalt  }
0x42: {  	_ =	shalt  }
0x43: {  	_ =	shalt  }
0x44: {  	_ =	shalt  }
0x45: {  	_ =	shalt  }
0x46: {  	_ =	shalt  }
0x47: {  	_ =	shalt  }
0x48: {  	_ =	shalt  }
0x49: {  	_ =	shalt  }
0x4a: {  	_ =	shalt  }
0x4b: {  	_ =	shalt  }
0x4c: {  	_ =	shalt  }
0x4d: {  	_ =	shalt  }
0x4e: {  	_ =	shalt  }
0x4f: {  	_ =	shalt  }
0x50: {  	_ =	shalt  }
0x51: {  	_ =	shalt  }
0x52: {  	_ =	shalt  }
0x53: {  	_ =	shalt  }
0x54: {  	_ =	shalt  }
0x55: {  	_ =	shalt  }
0x56: {  	_ =	shalt  }
0x57: {  	_ =	shalt  }
0x58: {  	_ =	shalt  }
0x59: {  	_ =	shalt  }
0x5a: {  	_ =	shalt  }
0x5b: {  	_ =	shalt  }
0x5c: {  	_ =	shalt  }
0x5d: {  	_ =	shalt  }
0x5e: {  	_ =	shalt  }
0x5f: {  	_ =	shalt  }
0x60: {  	_ =	shalt  }
0x61: {  	_ =	shalt  }
0x62: {  	_ =	shalt  }
0x63: {  	_ =	shalt  }
0x64: {  	_ =	shalt  }
0x65: {  	_ =	shalt  }
0x66: {  	_ =	shalt  }
0x67: {  	_ =	shalt  }
0x68: {  	_ =	shalt  }
0x69: {  	_ =	shalt  }
0x6a: {  	_ =	shalt  }
0x6b: {  	_ =	shalt  }
0x6c: {  	_ =	shalt  }
0x6d: {  	_ =	shalt  }
0x6e: {  	_ =	shalt  }
0x6f: {  	_ =	shalt  }
0x70: {  	_ =	shalt  }
0x71: {  	_ =	shalt  }
0x72: {  	_ =	shalt  }
0x73: {  	_ =	shalt  }
0x74: {  	_ =	shalt  }
0x75: {  	_ =	shalt  }
0x76: {  	_ =	shalt  }
0x77: {  	_ =	shalt  }
0x78: {  	_ =	shalt  }
0x79: {  	_ =	shalt  }
0x7a: {  	_ =	shalt  }
0x7b: {  	_ =	shalt  }
0x7c: {  	_ =	shalt  }
0x7d: {  	_ =	shalt  }
0x7e: {  	_ =	shalt  }
0x7f: {  	_ =	shalt  }
0x80: {  	_ =	shalt  }
0x81: {  	_ =	shalt  }
0x82: {  	_ =	shalt  }
0x83: {  	_ =	shalt  }
0x84: {  	_ =	shalt  }
0x85: {  	_ =	shalt  }
0x86: {  	_ =	shalt  }
0x87: {  	_ =	shalt  }
.Lfunc_end0:
.L_simem_size_0:
called_computation_lowered:
.L_overlay_start_0:
0x88: {  	s2 =	sld [smem:$0x3FD9]  }
0x89: {  	s3 =	sld [smem:$0x3FFE];
	_ =	sdelay $0x1  }
0x8a: {  	s1 =	srdreg.scid  }
0x8b: {  	s0 =	sand.u32 $0x1, s1  }
0x8c: {  	s17 =	sshll.u32 s0, $0xA;
	s2 =	sadd.s32 s3, s2  }
0x8d: {  	s2 =	sadd.s32 s2, s17  }
0x8e: {  	[smem:$0x3FC6] =	sst s2  }
0x8f: {  	_ = 	snop  }
0x90: {  	s2 =	sld [smem:$0x3FC9]  }
0x91: {  	s18 =	sld [smem:$0x3FD0];
	(tm) =	ssettm $0x1  }
0x92: {  	s4 =	sld [smem:$0x3FFB];
	_ =	sdelay $0x3  }
0x93: {  	_ =	strace s4  }
0x94: {  	s4 =	sld [smem:$0x3FFC];
	_ =	sdelay $0x3  }
0x95: {  	_ =	strace s4  }
0x96: {  	s4 =	sld [smem:$0x3FFD];
	_ =	sdelay $0x3  }
0x97: {  	_ =	strace s4  }
0x98: {  	_ =	strace $0x8FFFFFFF  }
0x99: {  	s19 =	sld [smem:$0x3FDB];
	_ =	sdelay $0x1  }
0x9a: {  	s5 =	simm.s32 $_scs_section_size  }
0x9b: {  	s6 =	simm.s32 $_size__tile_overlayer_lowered;
	s7 =	simm.s32 $_tile_overlayer_lowered  }
0x9c: {  	s22 =	simm.s32 $0x1BFF;
	s21 =	sshll.u32 s7, $0x1;
	s4 =	sadd.s32 s5, s19  }
0x9d: {  	s8 =	simm.s32 $0x0;
	s20 =	sshll.u32 s6, $0x1;
	s6 =	sadd.s32 s21, s4  }
0x9e: {  	[timem:s8], [sflag:s22] =	dma.local [hbm:s6], s20  }
0x9f: {  	_ =	swait.ge [sflag:s22], s20  }
0xa0: {  	s5 =	ssub.s32 $0x0, s20;
	[sflag:s22] =	ssyncset.done $0x0  }
0xa1: {  	[sflag:s22] =	ssyncadd.s32 s5;
	_ =	sdelay $0x1  }
0xa2: {  	s23 =	simm.s32 $0x1B8B  }
0xa3: {  	_ =	swait.ge [sflag:s23], $0x1  }
0xa4: {  	[sflag:s23] =	ssyncset.done $0x0  }
0xa5: {  	s25 =	simm.s32 $0x1B8E;
	s24 =	sld [smem:$0x3FFE];
	[sflag:s23] =	ssyncadd.s32 $0xFFFFFFFF  }
0xa6: {  	s26 =	simm.s32 $execute0_lowered;
	[smem:$0x3FD2] =	sst s25  }
0xa7: {  	s6 =	sshll.u32 s26, $0x1;
	_ =	strace $0x80000046;
	[dreg:$0x1] =	wrdreg $0xFFFFFFFF  }
0xa8: {  	s28 =	simm.s32 $_size_execute0_lowered;
	s4 =	sadd.s32 s4, s6;
	[dreg:$0x0] =	wrdreg $0x0  }
0xa9: {  	s6 =	sshll.u32 s28, $0x1;
	[dreg:$0x2] =	wrdreg s4  }
0xaa: {  	[dreg:$0x3] =	wrdreg s6  }
0xab: {  	[dreg:$0x4] =	wrdreg $0xC0  }
0xac: {  	_ =	task [dreg:s8], $0x5FFFF  }
0xad: {  	[dreg:$0x1] =	wrdreg $0xFFFFFFFF  }
0xae: {  	[dreg:$0x0] =	wrdreg $0x60  }
0xaf: {  	[dreg:$0x2] =	wrdreg s2  }
0xb0: {  	[dreg:$0x3] =	wrdreg s24  }
0xb1: {  	[dreg:$0x4] =	wrdreg s18  }
0xb2: {  	[dreg:$0x5] =	wrdreg $0x9  }
0xb3: {  	_ =	task.clear_ibuf [dreg:s8], $0x6FFFF;
	_ =	strace $0x90000046  }
0xb4: {  	s29 =	simm.s32 $0x9;
	_ =	strace $0x80000048  }
0xb5: {  	_ =	swait.ge [sflag:s29], $0x1  }
0xb6: {  	[sflag:s29] =	ssyncadd.s32 $0xFFFFFFFF  }
0xb7: {  	_ =	strace $0x90000048  }
0xb8: {  	_ =	sfence  }
0xb9: {  	s30 =	sld [smem:$0x0];
	_ =	sdelay $0x2  }
0xba: {  	s31 =	sshll.u32 s1, $0xD;
	s1 =	sshrl.u32 s1, $0x2  }
0xbb: {  	s3 =	sand.u32 $0x4000, s31;
	s1 =	sadd.s32 s1, s30  }
0xbc: {  	s0 =	sor.u32 s3, s0;
	s1 =	sshll.u32 s1, $0x11  }
0xbd: {  	s0 =	sor.u32 s1, s0  }
0xbe: {  	s0 =	sadd.s32 $0x8F2B, s0  }
0xbf: {  	[sflag:s0] =	ssyncadd.remote.s32 $0x1  }
0xc0: {  	_ =	sfence.sel $0xFFFF  }
0xc1: {  	[dreg:$0x0] =	wrdreg $0xFFFFFFFF;
	(pc) =	sbr.abs _section_cstart, $3  }
0xc2: {  	[dreg:$0x1] =	wrdreg $0xFFFFFFFF  }
0xc3: {  	_ =	task.clear_ibuf [dreg:s8], $0x2FFFF;
	_ =	strace $0x9FFFFFFF  }
0xc4: {  	(tm) =	ssettm $0x7FFFFFFF  }
0xc5: {  	_ =	shalt  }
tec
execute0_lowered:
.L_overlay_start_1:
0x0: {  	(tag) =	ssettag $0x1  }
0x1: {  	s1 =	srdreg.scid;
	s2 =	stileid.u32  }
0x2: {  	s0 =	rddreg [dreg:$0x0];
	s1 =	sand.u32 $0x1, s1;
	s3 =	sshll.u32 s2, $0x1  }
0x3: {  	s4 =	rddreg [dreg:$0x1];
	s28 =	simm.s32 $0x3;
	s5 =	sor.u32 s1, s3  }
0x4: {  	s29 =	simm.s32 $0x80;
	s30 =	simm.s32 $0x6400;
	s6 =	smul.u32 $0xC8000, s5  }
0x5: {  	s31 =	simm.s32 $0x7400;
	s2 =	rddreg [dreg:$0x2];
	s7 =	smul.u32 $0x12000, s5  }
0x6: {  	s3 =	simm.s32 $0x0;
	s1 =	ssub.s32 $0x2, s1;
	s10 =	sadd.s32 $0x8000, s2  }
0x7: {  	s8 =	smul.u32 $0xC80, s5;
	s6 =	sand.u32 $0x1F80000, s6;
	s7 =	sand.u32 $0x1E000, s7  }
0x8: {  	s11 =	sadd.s32 $0xC000, s2;
	[smem:$0x7FF] =	sst s3;
	s6 =	sor.u32 s7, s6  }
0x9: {  	_ =	strace $0x80000047;
	s0 =	sadd.s32 s0, s8;
	s24 =	sshrl.u32 s6, $0x3  }
0xa: {  	s8 =	sadd.s32 $0x4000, s2;
	[dreg:$0x4] =	wrdreg s0;
	s25 =	sadd.s32 s2, s24  }
0xb: {  	s9 =	sshrl.u32 s1, $0x1;
	s26 =	sadd.s32 s24, s8;
	[dreg:$0x5] =	wrdreg s25  }
0xc: {  	s1 =	ssub.s32 s1, s9;
	s7 =	sadd.s32 s24, s10;
	[dreg:$0x6] =	wrdreg s26  }
0xd: {  	s6 =	smul.u32 $0xC8, s5;
	s9 =	sadd.s32 s24, s11;
	[dreg:$0x7] =	wrdreg s7  }
0xe: {  	s4 =	sadd.s32 $0xF42800, s4;
	s0 =	sor.u32 $0x80, s24;
	[dreg:$0x8] =	wrdreg s9  }
0xf: {  	s12 =	sadd.s32 s2, s0;
	s13 =	sadd.s32 s0, s8;
	s14 =	sadd.s32 $0xC6, s6  }
0x10: {  	s15 =	sadd.s32 s0, s10;
	s0 =	sadd.s32 s0, s11;
	[dreg:$0x9] =	wrdreg s12  }
0x11: {  	s17 =	sadd.s32 $0xC7, s6;
	s9 =	simm.s32 $0x9000;
	[dreg:$0xa] =	wrdreg s13  }
0x12: {  	[dreg:$0xb] =	wrdreg s15;
	s16 =	sshll.u32 s14, $0x9;
	s5 =	sshll.u32 s14, $0x7  }
0x13: {  	[dreg:$0xc] =	wrdreg s0;
	s0 =	sand.u32 $0x7F0000, s16;
	s5 =	sand.u32 $0x3F00, s5  }
0x14: {  	s18 =	sshll.u32 s17, $0x9;
	s7 =	sshll.u32 s17, $0x7;
	s0 =	sor.u32 s5, s0  }
0x15: {  	s12 =	simm.s32 $0x9400;
	s13 =	simm.s32 $0x9800;
	s20 =	sadd.s32 s2, s0  }
0x16: {  	s19 =	sand.u32 $0x7F0000, s18;
	s21 =	sadd.s32 s0, s8;
	[dreg:$0xd] =	wrdreg s20  }
0x17: {  	v0 =	vlaneseq.u32;
	s7 =	sand.u32 $0x3F80, s7;
	s22 =	sadd.s32 s0, s10;
	[dreg:$0xe] =	wrdreg s21  }
0x18: {  	v1 =	vimm.s32 $0x0;
	vm0 =	vcmask $0x300;
	v0 =	vmul.u32 $0x80, v0;
	s5 =	sor.u32 s7, s19;
	s0 =	sadd.s32 s0, s11;
	[dreg:$0xf] =	wrdreg s22  }
0x19: {  	v1 =	vsel vm0, $0x3, v1;
	s14 =	simm.s32 $0x9C00;
	s23 =	sadd.s32 s2, s5;
	[dreg:$0x10] =	wrdreg s0  }
0x1a: {  	v2 =	vor.u32 $0x800, v0;
	v3 =	vor.u32 $0x1, v0;
	v4 =	vor.u32 $0x801, v0;
	s15 =	simm.s32 $0xA000;
	s24 =	sadd.s32 s5, s8;
	[dreg:$0x11] =	wrdreg s23  }
0x1b: {  	v5 =	vor.u32 $0x2, v0;
	v6 =	vor.u32 $0x802, v0;
	v7 =	vor.u32 $0x3, v0;
	s17 =	simm.s32 $0x0;
	s25 =	sadd.s32 s5, s10;
	[dreg:$0x12] =	wrdreg s24  }
0x1c: {  	v8 =	vor.u32 $0x803, v0;
	v9 =	vor.u32 $0x4, v0;
	v10 =	vor.u32 $0x804, v0;
	s16 =	simm.s32 $0x2;
	s26 =	sadd.s32 s5, s11;
	[dreg:$0x13] =	wrdreg s25  }
0x1d: {  	v11 =	vor.u32 $0x5, v0;
	v12 =	vor.u32 $0x805, v0;
	v13 =	vor.u32 $0x6, v0;
	s7 =	simm.s32 $0x8C00;
	s5 =	simm.s32 $0x8800;
	[dreg:$0x14] =	wrdreg s26  }
0x1e: {  	v14 =	vor.u32 $0x806, v0;
	v15 =	vor.u32 $0x7, v0;
	v16 =	vor.u32 $0x807, v0;
	s26 =	smax.u32 s1, $0x1;
	s1 =	simm.s32 $0x1;
	s0 =	simm.s32 $0x8400  }
.LBB2_1:
0x1f: {  	s18 =	rddreg [dreg:$0x4]  }
0x20: {  	[tilespmem:s3], [sflag:$0x3] =	stream.linear.gather [hbm4b:s18+s3], $0x6400, $0x38;
	[tilespmem:$0xA400] =	vst v63  }
0x21: {  	_ =	swait.ge [sflag:s28], $0x6400  }
0x22: {  	[sflag:s28] =	ssyncset.done $0x0  }
0x23: {  	s24 =	simm.s32 $0x0;
	[sflag:s28] =	ssyncadd.s32 $0xFFFF9C00  }
0x24: {  	[tilespmem:s30], [sflag:$0x1] =	stream.indirect.gather [hbm4b:s4+s29], $0x20, s3, s29, $0xb8;
	[tilespmem:$0xA400] =	vst v63  }
0x25: {  	v17 =	vmov s24  }
0x26: {  	v17 =	vshrl.u32 v17, $0x3;
	[tilespmem:s31], [sflag:$0x1] =	stream.indirect.gather [hbm4b:s4+s29], $0x20, s29, s29, $0xb8;
	[tilespmem:$0xA400] =	vst v63  }
0x27: {  	v17 =	vshll.u32 v17, v1;
	_ =	swait.ge [sflag:s1], $0x1000  }
0x28: {  	v17 =	vbroadcast v17, $0x0;
	[sflag:s1] =	ssyncset.done $0x0  }
0x29: {  	s18 =	simm.s32 $0x6480;
	[sflag:s1] =	ssyncadd.s32 $0xFFFFF000  }
0x2a: {  	v19 =	vor.u32 v0, v17;
	v18 =	vld [tilespmem:s18+$0xFFFFFF80]  }
0x2b: {  	s19 =	simm.s32 $0x1;
	v17 =	vor.u32 v2, v17;
	v20 =	vld [tilespmem:s18+$0xFFFFFF90]  }
0x2c: {  	v21 =	vmov s19  }
0x2d: {  	v21 =	vshrl.u32 v21, $0x3  }
0x2e: {  	v21 =	vshll.u32 v21, v1  }
0x2f: {  	[tilespmem:v19+s0+$0x0] =	vst.idx.msk $0xffff, v18;
	v18 =	vbroadcast v21, $0x0  }
0x30: {  	[tilespmem:v17+s0+$0x0] =	vst.idx.msk $0xffff, v20  }
0x31: {  	v17 =	vld [tilespmem:s18+$0xFFFFFFA0];
	v19 =	vadd.s32 v3, v18  }
0x32: {  	s25 =	simm.s32 $0x2;
	v20 =	vld [tilespmem:s18+$0xFFFFFFB0];
	v18 =	vadd.s32 v4, v18  }
0x33: {  	v58 =	vmov s25  }
0x34: {  	v21 =	vshrl.u32 v58, $0x3  }
0x35: {  	v21 =	vshll.u32 v21, v1  }
0x36: {  	[tilespmem:v19+s0+$0x0] =	vst.idx.msk $0xffff, v17;
	v17 =	vbroadcast v21, $0x0  }
0x37: {  	[tilespmem:v18+s0+$0x0] =	vst.idx.msk $0xffff, v20  }
0x38: {  	v18 =	vld [tilespmem:s18+$0xFFFFFFC0];
	v19 =	vadd.s32 v5, v17  }
0x39: {  	s20 =	simm.s32 $0x3;
	v20 =	vld [tilespmem:s18+$0xFFFFFFD0];
	v17 =	vadd.s32 v6, v17  }
0x3a: {  	v59 =	vmov s20  }
0x3b: {  	v21 =	vshrl.u32 v59, $0x3  }
0x3c: {  	v21 =	vshll.u32 v21, v1  }
0x3d: {  	[tilespmem:v19+s0+$0x0] =	vst.idx.msk $0xffff, v18;
	v18 =	vbroadcast v21, $0x0  }
0x3e: {  	[tilespmem:v17+s0+$0x0] =	vst.idx.msk $0xffff, v20  }
0x3f: {  	v17 =	vld [tilespmem:s18+$0xFFFFFFE0];
	v19 =	vadd.s32 v7, v18  }
0x40: {  	s21 =	simm.s32 $0x4;
	v20 =	vld [tilespmem:s18+$0xFFFFFFF0];
	v18 =	vadd.s32 v8, v18  }
0x41: {  	v60 =	vmov s21  }
0x42: {  	v21 =	vshrl.u32 v60, $0x3  }
0x43: {  	v21 =	vshll.u32 v21, v1  }
0x44: {  	[tilespmem:v19+s0+$0x0] =	vst.idx.msk $0xffff, v17;
	v17 =	vbroadcast v21, $0x0  }
0x45: {  	[tilespmem:v18+s0+$0x0] =	vst.idx.msk $0xffff, v20  }
0x46: {  	v18 =	vld [tilespmem:s18+$0x0];
	v19 =	vadd.s32 v9, v17  }
0x47: {  	s22 =	simm.s32 $0x5;
	v20 =	vld [tilespmem:s18+$0x10];
	v17 =	vadd.s32 v10, v17  }
0x48: {  	v61 =	vmov s22  }
0x49: {  	v21 =	vshrl.u32 v61, $0x3  }
0x4a: {  	v21 =	vshll.u32 v21, v1  }
0x4b: {  	[tilespmem:v19+s0+$0x0] =	vst.idx.msk $0xffff, v18;
	v18 =	vbroadcast v21, $0x0  }
0x4c: {  	[tilespmem:v17+s0+$0x0] =	vst.idx.msk $0xffff, v20  }
0x4d: {  	v17 =	vld [tilespmem:s18+$0x20];
	v19 =	vadd.s32 v11, v18  }
0x4e: {  	s23 =	simm.s32 $0x6;
	v20 =	vld [tilespmem:s18+$0x30];
	v18 =	vadd.s32 v12, v18  }
0x4f: {  	v62 =	vmov s23  }
0x50: {  	v21 =	vshrl.u32 v62, $0x3  }
0x51: {  	v21 =	vshll.u32 v21, v1  }
0x52: {  	[tilespmem:v19+s0+$0x0] =	vst.idx.msk $0xffff, v17;
	v17 =	vbroadcast v21, $0x0  }
0x53: {  	[tilespmem:v18+s0+$0x0] =	vst.idx.msk $0xffff, v20  }
0x54: {  	v18 =	vld [tilespmem:s18+$0x40];
	v19 =	vadd.s32 v13, v17  }
0x55: {  	s24 =	simm.s32 $0x7;
	v20 =	vld [tilespmem:s18+$0x50];
	v17 =	vadd.s32 v14, v17  }
0x56: {  	v63 =	vmov s24  }
0x57: {  	v21 =	vshrl.u32 v63, $0x3  }
0x58: {  	v21 =	vshll.u32 v21, v1  }
0x59: {  	[tilespmem:v19+s0+$0x0] =	vst.idx.msk $0xffff, v18;
	v18 =	vbroadcast v21, $0x0  }
0x5a: {  	s25 =	simm.s32 $0x8;
	[tilespmem:v17+s0+$0x0] =	vst.idx.msk $0xffff, v20  }
0x5b: {  	v17 =	vmov s25;
	v20 =	vld [tilespmem:s18+$0x60];
	v21 =	vadd.s32 v15, v18  }
0x5c: {  	v19 =	vshrl.u32 v17, $0x3  }
0x5d: {  	v17 =	vld [tilespmem:s18+$0x70];
	v22 =	vshll.u32 v19, v1;
	v19 =	vadd.s32 v16, v18;
	_ =	sdelay $0x2  }
0x5e: {  	s19 =	simm.s32 $0xF;
	s20 =	simm.s32 $0x17;
	v18 =	vbroadcast v22, $0x0;
	[tilespmem:v21+s0+$0x0] =	vst.idx.msk $0xffff, v20  }
.LBB2_2:
0x5f: {  	p0 =	sne.s32 s20, $0x7F  }
0x60: {  	[tilespmem:v19+s0+$0x0] =	vst.idx.msk $0xffff, v17;
	s18 =	sadd.s32 $0x100, s18;
	s21 =	smov.u32 s20;
	s20 =	sadd.s32 $0x8, s20  }
0x61: {  	v17 =	vld [tilespmem:s18+$0xFFFFFF80];
	v19 =	vor.u32 v0, v18  }
0x62: {  	s22 =	sadd.s32 $0xFFFFFFFA, s19;
	v18 =	vor.u32 v2, v18;
	v20 =	vld [tilespmem:s18+$0xFFFFFF90]  }
0x63: {  	v21 =	vmov s22  }
0x64: {  	v21 =	vshrl.u32 v21, $0x3  }
0x65: {  	v21 =	vshll.u32 v21, v1  }
0x66: {  	[tilespmem:v19+s0+$0x0] =	vst.idx.msk $0xffff, v17;
	v17 =	vbroadcast v21, $0x0  }
0x67: {  	[tilespmem:v18+s0+$0x0] =	vst.idx.msk $0xffff, v20  }
0x68: {  	v18 =	vld [tilespmem:s18+$0xFFFFFFA0];
	v19 =	vadd.s32 v3, v17  }
0x69: {  	s22 =	sadd.s32 $0xFFFFFFFB, s19;
	v17 =	vadd.s32 v4, v17;
	v20 =	vld [tilespmem:s18+$0xFFFFFFB0]  }
0x6a: {  	v21 =	vmov s22  }
0x6b: {  	v21 =	vshrl.u32 v21, $0x3  }
0x6c: {  	v21 =	vshll.u32 v21, v1  }
0x6d: {  	[tilespmem:v19+s0+$0x0] =	vst.idx.msk $0xffff, v18;
	v18 =	vbroadcast v21, $0x0  }
0x6e: {  	[tilespmem:v17+s0+$0x0] =	vst.idx.msk $0xffff, v20  }
0x6f: {  	v17 =	vld [tilespmem:s18+$0xFFFFFFC0];
	v19 =	vadd.s32 v5, v18  }
0x70: {  	s22 =	sadd.s32 $0xFFFFFFFC, s19;
	v18 =	vadd.s32 v6, v18;
	v20 =	vld [tilespmem:s18+$0xFFFFFFD0]  }
0x71: {  	v21 =	vmov s22  }
0x72: {  	v21 =	vshrl.u32 v21, $0x3  }
0x73: {  	v21 =	vshll.u32 v21, v1  }
0x74: {  	[tilespmem:v19+s0+$0x0] =	vst.idx.msk $0xffff, v17;
	v17 =	vbroadcast v21, $0x0  }
0x75: {  	[tilespmem:v18+s0+$0x0] =	vst.idx.msk $0xffff, v20  }
0x76: {  	v18 =	vld [tilespmem:s18+$0xFFFFFFE0];
	v19 =	vadd.s32 v7, v17  }
0x77: {  	s22 =	sadd.s32 $0xFFFFFFFD, s19;
	v17 =	vadd.s32 v8, v17;
	v20 =	vld [tilespmem:s18+$0xFFFFFFF0]  }
0x78: {  	v21 =	vmov s22  }
0x79: {  	v21 =	vshrl.u32 v21, $0x3  }
0x7a: {  	v21 =	vshll.u32 v21, v1  }
0x7b: {  	[tilespmem:v19+s0+$0x0] =	vst.idx.msk $0xffff, v18;
	v18 =	vbroadcast v21, $0x0  }
0x7c: {  	[tilespmem:v17+s0+$0x0] =	vst.idx.msk $0xffff, v20  }
0x7d: {  	v17 =	vld [tilespmem:s18+$0x0];
	v19 =	vadd.s32 v9, v18  }
0x7e: {  	s22 =	sadd.s32 $0xFFFFFFFE, s19;
	v18 =	vadd.s32 v10, v18;
	v20 =	vld [tilespmem:s18+$0x10]  }
0x7f: {  	v21 =	vmov s22  }
0x80: {  	v21 =	vshrl.u32 v21, $0x3  }
0x81: {  	v21 =	vshll.u32 v21, v1  }
0x82: {  	[tilespmem:v19+s0+$0x0] =	vst.idx.msk $0xffff, v17;
	v17 =	vbroadcast v21, $0x0  }
0x83: {  	[tilespmem:v18+s0+$0x0] =	vst.idx.msk $0xffff, v20  }
0x84: {  	v18 =	vld [tilespmem:s18+$0x20];
	v19 =	vadd.s32 v11, v17  }
0x85: {  	s22 =	sadd.s32 $0xFFFFFFFF, s19;
	v17 =	vadd.s32 v12, v17;
	v20 =	vld [tilespmem:s18+$0x30]  }
0x86: {  	v21 =	vmov s22  }
0x87: {  	v21 =	vshrl.u32 v21, $0x3  }
0x88: {  	v21 =	vshll.u32 v21, v1  }
0x89: {  	[tilespmem:v19+s0+$0x0] =	vst.idx.msk $0xffff, v18;
	v18 =	vbroadcast v21, $0x0  }
0x8a: {  	[tilespmem:v17+s0+$0x0] =	vst.idx.msk $0xffff, v20  }
0x8b: {  	v17 =	vld [tilespmem:s18+$0x40];
	v19 =	vadd.s32 v13, v18  }
0x8c: {  	v18 =	vadd.s32 v14, v18;
	v20 =	vld [tilespmem:s18+$0x50]  }
0x8d: {  	v21 =	vmov s19;
	s19 =	smov.u32 s21  }
0x8e: {  	v21 =	vshrl.u32 v21, $0x3  }
0x8f: {  	v21 =	vshll.u32 v21, v1  }
0x90: {  	[tilespmem:v19+s0+$0x0] =	vst.idx.msk $0xffff, v17;
	v19 =	vbroadcast v21, $0x0  }
0x91: {  	[tilespmem:v18+s0+$0x0] =	vst.idx.msk $0xffff, v20  }
0x92: {  	v20 =	vld [tilespmem:s18+$0x60];
	v21 =	vadd.s32 v15, v19  }
.Ltmp0:
0x93: {  	s21 =	sadd.s32 $0xFFFFFFF9, s19;
	v19 =	vadd.s32 v16, v19;
	v17 =	vld [tilespmem:s18+$0x70];
	(pc) =	sbr.rel @p0 .LBB2_2-.Ltmp0, $4  }
0x94: {  	v18 =	vmov s21  }
0x95: {  	v18 =	vshrl.u32 v18, $0x3  }
0x96: {  	v18 =	vshll.u32 v18, v1  }
0x97: {  	v18 =	vbroadcast v18, $0x0;
	[tilespmem:v21+s0+$0x0] =	vst.idx.msk $0xffff, v20  }
0x98: {  	_ =	sdelay $0x3  }
0x99: {  	[tilespmem:v19+s0+$0x0] =	vst.idx.msk $0xffff, v17;
	s18 =	sadd.s32 $0x100, s18  }
0x9a: {  	v17 =	vld [tilespmem:s18+$0xFFFFFF80];
	v19 =	vor.u32 v0, v18  }
0x9b: {  	s20 =	sadd.s32 $0xFFFFFFFA, s19;
	v20 =	vld [tilespmem:s18+$0xFFFFFF90];
	v18 =	vor.u32 v2, v18  }
0x9c: {  	v21 =	vmov s20  }
0x9d: {  	v21 =	vshrl.u32 v21, $0x3  }
0x9e: {  	v21 =	vshll.u32 v21, v1  }
0x9f: {  	[tilespmem:v19+s0+$0x0] =	vst.idx.msk $0xffff, v17;
	v17 =	vbroadcast v21, $0x0  }
0xa0: {  	[tilespmem:v18+s0+$0x0] =	vst.idx.msk $0xffff, v20  }
0xa1: {  	v18 =	vld [tilespmem:s18+$0xFFFFFFA0];
	v19 =	vadd.s32 v3, v17  }
0xa2: {  	s25 =	sadd.s32 $0xFFFFFFFB, s19;
	v20 =	vld [tilespmem:s18+$0xFFFFFFB0];
	v17 =	vadd.s32 v4, v17  }
0xa3: {  	v51 =	vmov s25  }
0xa4: {  	v21 =	vshrl.u32 v51, $0x3  }
0xa5: {  	v21 =	vshll.u32 v21, v1  }
0xa6: {  	[tilespmem:v19+s0+$0x0] =	vst.idx.msk $0xffff, v18;
	v18 =	vbroadcast v21, $0x0  }
0xa7: {  	[tilespmem:v17+s0+$0x0] =	vst.idx.msk $0xffff, v20  }
0xa8: {  	v17 =	vld [tilespmem:s18+$0xFFFFFFC0];
	v19 =	vadd.s32 v5, v18  }
0xa9: {  	s21 =	sadd.s32 $0xFFFFFFFC, s19;
	v20 =	vld [tilespmem:s18+$0xFFFFFFD0];
	v18 =	vadd.s32 v6, v18  }
0xaa: {  	v52 =	vmov s21  }
0xab: {  	v21 =	vshrl.u32 v52, $0x3  }
0xac: {  	v21 =	vshll.u32 v21, v1  }
0xad: {  	[tilespmem:v19+s0+$0x0] =	vst.idx.msk $0xffff, v17;
	v17 =	vbroadcast v21, $0x0  }
0xae: {  	[tilespmem:v18+s0+$0x0] =	vst.idx.msk $0xffff, v20  }
0xaf: {  	v18 =	vld [tilespmem:s18+$0xFFFFFFE0];
	v19 =	vadd.s32 v7, v17  }
0xb0: {  	s22 =	sadd.s32 $0xFFFFFFFD, s19;
	v20 =	vld [tilespmem:s18+$0xFFFFFFF0];
	v17 =	vadd.s32 v8, v17  }
0xb1: {  	v53 =	vmov s22  }
0xb2: {  	v21 =	vshrl.u32 v53, $0x3  }
0xb3: {  	v21 =	vshll.u32 v21, v1  }
0xb4: {  	[tilespmem:v19+s0+$0x0] =	vst.idx.msk $0xffff, v18;
	v18 =	vbroadcast v21, $0x0  }
0xb5: {  	[tilespmem:v17+s0+$0x0] =	vst.idx.msk $0xffff, v20  }
0xb6: {  	v17 =	vld [tilespmem:s18+$0x0];
	v19 =	vadd.s32 v9, v18  }
0xb7: {  	s23 =	sadd.s32 $0xFFFFFFFE, s19;
	v20 =	vld [tilespmem:s18+$0x10];
	v18 =	vadd.s32 v10, v18  }
0xb8: {  	v54 =	vmov s23  }
0xb9: {  	v21 =	vshrl.u32 v54, $0x3  }
0xba: {  	v21 =	vshll.u32 v21, v1  }
0xbb: {  	[tilespmem:v19+s0+$0x0] =	vst.idx.msk $0xffff, v17;
	v17 =	vbroadcast v21, $0x0  }
0xbc: {  	[tilespmem:v18+s0+$0x0] =	vst.idx.msk $0xffff, v20  }
0xbd: {  	v18 =	vld [tilespmem:s18+$0x20];
	v19 =	vadd.s32 v11, v17  }
0xbe: {  	s24 =	sadd.s32 $0xFFFFFFFF, s19;
	v20 =	vld [tilespmem:s18+$0x30];
	v17 =	vadd.s32 v12, v17  }
0xbf: {  	v55 =	vmov s24  }
0xc0: {  	v21 =	vshrl.u32 v55, $0x3  }
0xc1: {  	v21 =	vshll.u32 v21, v1  }
0xc2: {  	[tilespmem:v19+s0+$0x0] =	vst.idx.msk $0xffff, v18;
	v18 =	vbroadcast v21, $0x0  }
0xc3: {  	[tilespmem:v17+s0+$0x0] =	vst.idx.msk $0xffff, v20  }
0xc4: {  	v17 =	vld [tilespmem:s18+$0x40];
	v19 =	vadd.s32 v13, v18  }
0xc5: {  	v20 =	vld [tilespmem:s18+$0x50];
	v18 =	vadd.s32 v14, v18  }
0xc6: {  	v56 =	vmov s19  }
0xc7: {  	v21 =	vshrl.u32 v56, $0x3  }
0xc8: {  	v21 =	vshll.u32 v21, v1  }
0xc9: {  	[tilespmem:v19+s0+$0x0] =	vst.idx.msk $0xffff, v17;
	v17 =	vbroadcast v21, $0x0  }
0xca: {  	[tilespmem:v18+s0+$0x0] =	vst.idx.msk $0xffff, v20  }
0xcb: {  	v18 =	vld [tilespmem:s18+$0x60];
	v19 =	vadd.s32 v15, v17  }
0xcc: {  	v20 =	vld [tilespmem:s18+$0x70];
	v17 =	vadd.s32 v16, v17;
	_ =	sdelay $0x3  }
0xcd: {  	[tilespmem:v19+s0+$0x0] =	vst.idx.msk $0xffff, v18  }
0xce: {  	s25 =	rddreg [dreg:$0x5];
	[tilespmem:v17+s0+$0x0] =	vst.idx.msk $0xffff, v20  }
0xcf: {  	[hbm4b:s25+s3] =	stream.linear.scatter [tilespmem:s0], [sflag:$0x2], $0x400, $0x38;
	[tilespmem:$0xA400] =	vst v63  }
0xd0: {  	s19 =	rddreg [dreg:$0x6]  }
0xd1: {  	[hbm4b:s19+s3] =	stream.linear.scatter [tilespmem:s5], [sflag:$0x2], $0x400, $0x38;
	[tilespmem:$0xA400] =	vst v63  }
0xd2: {  	s20 =	rddreg [dreg:$0x7]  }
0xd3: {  	[hbm4b:s20+s3] =	stream.linear.scatter [tilespmem:s7], [sflag:$0x2], $0x400, $0x38;
	[tilespmem:$0xA400] =	vst v63  }
0xd4: {  	s21 =	rddreg [dreg:$0x8];
	s22 =	simm.s32 $0x0  }
0xd5: {  	[hbm4b:s21+s3] =	stream.linear.scatter [tilespmem:s9], [sflag:$0x2], $0x400, $0x38;
	[tilespmem:$0xA400] =	vst v63  }
0xd6: {  	s23 =	simm.s32 $0x100;
	v17 =	vmov s22  }
0xd7: {  	v17 =	vshrl.u32 v17, $0x3;
	[tilespmem:s30], [sflag:$0x1] =	stream.indirect.gather [hbm4b:s4+s29], $0x20, s23, s29, $0xb8;
	[tilespmem:$0xA400] =	vst v63  }
0xd8: {  	v17 =	vshll.u32 v17, v1;
	_ =	swait.ge [sflag:s1], $0x1000  }
0xd9: {  	v17 =	vbroadcast v17, $0x0;
	[sflag:s1] =	ssyncset.done $0x0  }
0xda: {  	s18 =	simm.s32 $0x7480;
	[sflag:s1] =	ssyncadd.s32 $0xFFFFF000  }
0xdb: {  	v19 =	vor.u32 v0, v17;
	v18 =	vld [tilespmem:s18+$0xFFFFFF80]  }
0xdc: {  	s24 =	simm.s32 $0x1;
	v17 =	vor.u32 v2, v17;
	v20 =	vld [tilespmem:s18+$0xFFFFFF90]  }
0xdd: {  	v57 =	vmov s24  }
0xde: {  	v21 =	vshrl.u32 v57, $0x3  }
0xdf: {  	v21 =	vshll.u32 v21, v1  }
0xe0: {  	[tilespmem:v19+s12+$0x0] =	vst.idx.msk $0xffff, v18;
	v18 =	vbroadcast v21, $0x0  }
0xe1: {  	[tilespmem:v17+s12+$0x0] =	vst.idx.msk $0xffff, v20  }
0xe2: {  	v17 =	vld [tilespmem:s18+$0xFFFFFFA0];
	v19 =	vadd.s32 v3, v18  }
0xe3: {  	s25 =	simm.s32 $0x2;
	v20 =	vld [tilespmem:s18+$0xFFFFFFB0];
	v18 =	vadd.s32 v4, v18  }
0xe4: {  	v58 =	vmov s25  }
0xe5: {  	v21 =	vshrl.u32 v58, $0x3  }
0xe6: {  	v21 =	vshll.u32 v21, v1  }
0xe7: {  	[tilespmem:v19+s12+$0x0] =	vst.idx.msk $0xffff, v17;
	v17 =	vbroadcast v21, $0x0  }
0xe8: {  	[tilespmem:v18+s12+$0x0] =	vst.idx.msk $0xffff, v20  }
0xe9: {  	v18 =	vld [tilespmem:s18+$0xFFFFFFC0];
	v19 =	vadd.s32 v5, v17  }
0xea: {  	s20 =	simm.s32 $0x3;
	v20 =	vld [tilespmem:s18+$0xFFFFFFD0];
	v17 =	vadd.s32 v6, v17  }
0xeb: {  	v59 =	vmov s20  }
0xec: {  	v21 =	vshrl.u32 v59, $0x3  }
0xed: {  	v21 =	vshll.u32 v21, v1  }
0xee: {  	[tilespmem:v19+s12+$0x0] =	vst.idx.msk $0xffff, v18;
	v18 =	vbroadcast v21, $0x0  }
0xef: {  	[tilespmem:v17+s12+$0x0] =	vst.idx.msk $0xffff, v20  }
0xf0: {  	v17 =	vld [tilespmem:s18+$0xFFFFFFE0];
	v19 =	vadd.s32 v7, v18  }
0xf1: {  	s21 =	simm.s32 $0x4;
	v20 =	vld [tilespmem:s18+$0xFFFFFFF0];
	v18 =	vadd.s32 v8, v18  }
0xf2: {  	v60 =	vmov s21  }
0xf3: {  	v21 =	vshrl.u32 v60, $0x3  }
0xf4: {  	v21 =	vshll.u32 v21, v1  }
0xf5: {  	[tilespmem:v19+s12+$0x0] =	vst.idx.msk $0xffff, v17;
	v17 =	vbroadcast v21, $0x0  }
0xf6: {  	[tilespmem:v18+s12+$0x0] =	vst.idx.msk $0xffff, v20  }
0xf7: {  	v18 =	vld [tilespmem:s18+$0x0];
	v19 =	vadd.s32 v9, v17  }
0xf8: {  	s22 =	simm.s32 $0x5;
	v20 =	vld [tilespmem:s18+$0x10];
	v17 =	vadd.s32 v10, v17  }
0xf9: {  	v61 =	vmov s22  }
0xfa: {  	v21 =	vshrl.u32 v61, $0x3  }
0xfb: {  	v21 =	vshll.u32 v21, v1  }
0xfc: {  	[tilespmem:v19+s12+$0x0] =	vst.idx.msk $0xffff, v18;
	v18 =	vbroadcast v21, $0x0  }
0xfd: {  	[tilespmem:v17+s12+$0x0] =	vst.idx.msk $0xffff, v20  }
0xfe: {  	v17 =	vld [tilespmem:s18+$0x20];
	v19 =	vadd.s32 v11, v18  }
0xff: {  	s23 =	simm.s32 $0x6;
	v20 =	vld [tilespmem:s18+$0x30];
	v18 =	vadd.s32 v12, v18  }
0x100: {  	v62 =	vmov s23  }
0x101: {  	v21 =	vshrl.u32 v62, $0x3  }
0x102: {  	v21 =	vshll.u32 v21, v1  }
0x103: {  	[tilespmem:v19+s12+$0x0] =	vst.idx.msk $0xffff, v17;
	v17 =	vbroadcast v21, $0x0  }
0x104: {  	[tilespmem:v18+s12+$0x0] =	vst.idx.msk $0xffff, v20  }
0x105: {  	v18 =	vld [tilespmem:s18+$0x40];
	v19 =	vadd.s32 v13, v17  }
0x106: {  	s24 =	simm.s32 $0x7;
	v20 =	vld [tilespmem:s18+$0x50];
	v17 =	vadd.s32 v14, v17  }
0x107: {  	v63 =	vmov s24  }
0x108: {  	v21 =	vshrl.u32 v63, $0x3  }
0x109: {  	v21 =	vshll.u32 v21, v1  }
0x10a: {  	[tilespmem:v19+s12+$0x0] =	vst.idx.msk $0xffff, v18;
	v18 =	vbroadcast v21, $0x0  }
0x10b: {  	s25 =	simm.s32 $0x8;
	[tilespmem:v17+s12+$0x0] =	vst.idx.msk $0xffff, v20  }
0x10c: {  	v17 =	vmov s25;
	v20 =	vld [tilespmem:s18+$0x60];
	v21 =	vadd.s32 v15, v18  }
0x10d: {  	v19 =	vshrl.u32 v17, $0x3  }
0x10e: {  	v17 =	vld [tilespmem:s18+$0x70];
	v22 =	vshll.u32 v19, v1;
	v19 =	vadd.s32 v16, v18;
	_ =	sdelay $0x2  }
0x10f: {  	s19 =	simm.s32 $0xF;
	s20 =	simm.s32 $0x17;
	v18 =	vbroadcast v22, $0x0;
	[tilespmem:v21+s12+$0x0] =	vst.idx.msk $0xffff, v20  }
.LBB2_4:
0x110: {  	p0 =	sne.s32 s20, $0x7F  }
0x111: {  	[tilespmem:v19+s12+$0x0] =	vst.idx.msk $0xffff, v17;
	s18 =	sadd.s32 $0x100, s18;
	s21 =	smov.u32 s20;
	s20 =	sadd.s32 $0x8, s20  }
0x112: {  	v17 =	vld [tilespmem:s18+$0xFFFFFF80];
	v19 =	vor.u32 v0, v18  }
0x113: {  	s22 =	sadd.s32 $0xFFFFFFFA, s19;
	v18 =	vor.u32 v2, v18;
	v20 =	vld [tilespmem:s18+$0xFFFFFF90]  }
0x114: {  	v21 =	vmov s22  }
0x115: {  	v21 =	vshrl.u32 v21, $0x3  }
0x116: {  	v21 =	vshll.u32 v21, v1  }
0x117: {  	[tilespmem:v19+s12+$0x0] =	vst.idx.msk $0xffff, v17;
	v17 =	vbroadcast v21, $0x0  }
0x118: {  	[tilespmem:v18+s12+$0x0] =	vst.idx.msk $0xffff, v20  }
0x119: {  	v18 =	vld [tilespmem:s18+$0xFFFFFFA0];
	v19 =	vadd.s32 v3, v17  }
0x11a: {  	s22 =	sadd.s32 $0xFFFFFFFB, s19;
	v17 =	vadd.s32 v4, v17;
	v20 =	vld [tilespmem:s18+$0xFFFFFFB0]  }
0x11b: {  	v21 =	vmov s22  }
0x11c: {  	v21 =	vshrl.u32 v21, $0x3  }
0x11d: {  	v21 =	vshll.u32 v21, v1  }
0x11e: {  	[tilespmem:v19+s12+$0x0] =	vst.idx.msk $0xffff, v18;
	v18 =	vbroadcast v21, $0x0  }
0x11f: {  	[tilespmem:v17+s12+$0x0] =	vst.idx.msk $0xffff, v20  }
0x120: {  	v17 =	vld [tilespmem:s18+$0xFFFFFFC0];
	v19 =	vadd.s32 v5, v18  }
0x121: {  	s22 =	sadd.s32 $0xFFFFFFFC, s19;
	v18 =	vadd.s32 v6, v18;
	v20 =	vld [tilespmem:s18+$0xFFFFFFD0]  }
0x122: {  	v21 =	vmov s22  }
0x123: {  	v21 =	vshrl.u32 v21, $0x3  }
0x124: {  	v21 =	vshll.u32 v21, v1  }
0x125: {  	[tilespmem:v19+s12+$0x0] =	vst.idx.msk $0xffff, v17;
	v17 =	vbroadcast v21, $0x0  }
0x126: {  	[tilespmem:v18+s12+$0x0] =	vst.idx.msk $0xffff, v20  }
0x127: {  	v18 =	vld [tilespmem:s18+$0xFFFFFFE0];
	v19 =	vadd.s32 v7, v17  }
0x128: {  	s22 =	sadd.s32 $0xFFFFFFFD, s19;
	v17 =	vadd.s32 v8, v17;
	v20 =	vld [tilespmem:s18+$0xFFFFFFF0]  }
0x129: {  	v21 =	vmov s22  }
0x12a: {  	v21 =	vshrl.u32 v21, $0x3  }
0x12b: {  	v21 =	vshll.u32 v21, v1  }
0x12c: {  	[tilespmem:v19+s12+$0x0] =	vst.idx.msk $0xffff, v18;
	v18 =	vbroadcast v21, $0x0  }
0x12d: {  	[tilespmem:v17+s12+$0x0] =	vst.idx.msk $0xffff, v20  }
0x12e: {  	v17 =	vld [tilespmem:s18+$0x0];
	v19 =	vadd.s32 v9, v18  }
0x12f: {  	s22 =	sadd.s32 $0xFFFFFFFE, s19;
	v18 =	vadd.s32 v10, v18;
	v20 =	vld [tilespmem:s18+$0x10]  }
0x130: {  	v21 =	vmov s22  }
0x131: {  	v21 =	vshrl.u32 v21, $0x3  }
0x132: {  	v21 =	vshll.u32 v21, v1  }
0x133: {  	[tilespmem:v19+s12+$0x0] =	vst.idx.msk $0xffff, v17;
	v17 =	vbroadcast v21, $0x0  }
0x134: {  	[tilespmem:v18+s12+$0x0] =	vst.idx.msk $0xffff, v20  }
0x135: {  	v18 =	vld [tilespmem:s18+$0x20];
	v19 =	vadd.s32 v11, v17  }
0x136: {  	s22 =	sadd.s32 $0xFFFFFFFF, s19;
	v17 =	vadd.s32 v12, v17;
	v20 =	vld [tilespmem:s18+$0x30]  }
0x137: {  	v21 =	vmov s22  }
0x138: {  	v21 =	vshrl.u32 v21, $0x3  }
0x139: {  	v21 =	vshll.u32 v21, v1  }
0x13a: {  	[tilespmem:v19+s12+$0x0] =	vst.idx.msk $0xffff, v18;
	v18 =	vbroadcast v21, $0x0  }
0x13b: {  	[tilespmem:v17+s12+$0x0] =	vst.idx.msk $0xffff, v20  }
0x13c: {  	v17 =	vld [tilespmem:s18+$0x40];
	v19 =	vadd.s32 v13, v18  }
0x13d: {  	v18 =	vadd.s32 v14, v18;
	v20 =	vld [tilespmem:s18+$0x50]  }
0x13e: {  	v21 =	vmov s19;
	s19 =	smov.u32 s21  }
0x13f: {  	v21 =	vshrl.u32 v21, $0x3  }
0x140: {  	v21 =	vshll.u32 v21, v1  }
0x141: {  	[tilespmem:v19+s12+$0x0] =	vst.idx.msk $0xffff, v17;
	v19 =	vbroadcast v21, $0x0  }
0x142: {  	[tilespmem:v18+s12+$0x0] =	vst.idx.msk $0xffff, v20  }
0x143: {  	v20 =	vld [tilespmem:s18+$0x60];
	v21 =	vadd.s32 v15, v19  }
.Ltmp1:
0x144: {  	s21 =	sadd.s32 $0xFFFFFFF9, s19;
	v19 =	vadd.s32 v16, v19;
	v17 =	vld [tilespmem:s18+$0x70];
	(pc) =	sbr.rel @p0 .LBB2_4-.Ltmp1, $4  }
0x145: {  	v18 =	vmov s21  }
0x146: {  	v18 =	vshrl.u32 v18, $0x3  }
0x147: {  	v18 =	vshll.u32 v18, v1  }
0x148: {  	v18 =	vbroadcast v18, $0x0;
	[tilespmem:v21+s12+$0x0] =	vst.idx.msk $0xffff, v20  }
0x149: {  	_ =	sdelay $0x3  }
0x14a: {  	[tilespmem:v19+s12+$0x0] =	vst.idx.msk $0xffff, v17;
	s18 =	sadd.s32 $0x100, s18  }
0x14b: {  	v17 =	vld [tilespmem:s18+$0xFFFFFF80];
	v19 =	vor.u32 v0, v18  }
0x14c: {  	s20 =	sadd.s32 $0xFFFFFFFA, s19;
	v20 =	vld [tilespmem:s18+$0xFFFFFF90];
	v18 =	vor.u32 v2, v18  }
0x14d: {  	v21 =	vmov s20  }
0x14e: {  	v21 =	vshrl.u32 v21, $0x3  }
0x14f: {  	v21 =	vshll.u32 v21, v1  }
0x150: {  	[tilespmem:v19+s12+$0x0] =	vst.idx.msk $0xffff, v17;
	v17 =	vbroadcast v21, $0x0  }
0x151: {  	[tilespmem:v18+s12+$0x0] =	vst.idx.msk $0xffff, v20  }
0x152: {  	v18 =	vld [tilespmem:s18+$0xFFFFFFA0];
	v19 =	vadd.s32 v3, v17  }
0x153: {  	s21 =	sadd.s32 $0xFFFFFFFB, s19;
	v20 =	vld [tilespmem:s18+$0xFFFFFFB0];
	v17 =	vadd.s32 v4, v17  }
0x154: {  	v58 =	vmov s21  }
0x155: {  	v21 =	vshrl.u32 v58, $0x3  }
0x156: {  	v21 =	vshll.u32 v21, v1  }
0x157: {  	[tilespmem:v19+s12+$0x0] =	vst.idx.msk $0xffff, v18;
	v18 =	vbroadcast v21, $0x0  }
0x158: {  	[tilespmem:v17+s12+$0x0] =	vst.idx.msk $0xffff, v20  }
0x159: {  	v17 =	vld [tilespmem:s18+$0xFFFFFFC0];
	v19 =	vadd.s32 v5, v18  }
0x15a: {  	s22 =	sadd.s32 $0xFFFFFFFC, s19;
	v20 =	vld [tilespmem:s18+$0xFFFFFFD0];
	v18 =	vadd.s32 v6, v18  }
0x15b: {  	v59 =	vmov s22  }
0x15c: {  	v21 =	vshrl.u32 v59, $0x3  }
0x15d: {  	v21 =	vshll.u32 v21, v1  }
0x15e: {  	[tilespmem:v19+s12+$0x0] =	vst.idx.msk $0xffff, v17;
	v17 =	vbroadcast v21, $0x0  }
0x15f: {  	[tilespmem:v18+s12+$0x0] =	vst.idx.msk $0xffff, v20  }
0x160: {  	v18 =	vld [tilespmem:s18+$0xFFFFFFE0];
	v19 =	vadd.s32 v7, v17  }
0x161: {  	s23 =	sadd.s32 $0xFFFFFFFD, s19;
	v20 =	vld [tilespmem:s18+$0xFFFFFFF0];
	v17 =	vadd.s32 v8, v17  }
0x162: {  	v60 =	vmov s23  }
0x163: {  	v21 =	vshrl.u32 v60, $0x3  }
0x164: {  	v21 =	vshll.u32 v21, v1  }
0x165: {  	[tilespmem:v19+s12+$0x0] =	vst.idx.msk $0xffff, v18;
	v18 =	vbroadcast v21, $0x0  }
0x166: {  	[tilespmem:v17+s12+$0x0] =	vst.idx.msk $0xffff, v20  }
0x167: {  	v17 =	vld [tilespmem:s18+$0x0];
	v19 =	vadd.s32 v9, v18  }
0x168: {  	s24 =	sadd.s32 $0xFFFFFFFE, s19;
	v20 =	vld [tilespmem:s18+$0x10];
	v18 =	vadd.s32 v10, v18  }
0x169: {  	v61 =	vmov s24  }
0x16a: {  	v21 =	vshrl.u32 v61, $0x3  }
0x16b: {  	v21 =	vshll.u32 v21, v1  }
0x16c: {  	[tilespmem:v19+s12+$0x0] =	vst.idx.msk $0xffff, v17;
	v17 =	vbroadcast v21, $0x0  }
0x16d: {  	[tilespmem:v18+s12+$0x0] =	vst.idx.msk $0xffff, v20  }
0x16e: {  	v18 =	vld [tilespmem:s18+$0x20];
	v19 =	vadd.s32 v11, v17  }
0x16f: {  	s25 =	sadd.s32 $0xFFFFFFFF, s19;
	v20 =	vld [tilespmem:s18+$0x30];
	v17 =	vadd.s32 v12, v17  }
0x170: {  	v62 =	vmov s25  }
0x171: {  	v21 =	vshrl.u32 v62, $0x3  }
0x172: {  	v21 =	vshll.u32 v21, v1  }
0x173: {  	[tilespmem:v19+s12+$0x0] =	vst.idx.msk $0xffff, v18;
	v18 =	vbroadcast v21, $0x0  }
0x174: {  	[tilespmem:v17+s12+$0x0] =	vst.idx.msk $0xffff, v20  }
0x175: {  	v17 =	vld [tilespmem:s18+$0x40];
	v19 =	vadd.s32 v13, v18  }
0x176: {  	v20 =	vld [tilespmem:s18+$0x50];
	v18 =	vadd.s32 v14, v18  }
0x177: {  	v63 =	vmov s19  }
0x178: {  	v21 =	vshrl.u32 v63, $0x3  }
0x179: {  	v21 =	vshll.u32 v21, v1  }
0x17a: {  	[tilespmem:v19+s12+$0x0] =	vst.idx.msk $0xffff, v17;
	v17 =	vbroadcast v21, $0x0  }
0x17b: {  	[tilespmem:v18+s12+$0x0] =	vst.idx.msk $0xffff, v20  }
0x17c: {  	v18 =	vld [tilespmem:s18+$0x60];
	v19 =	vadd.s32 v15, v17  }
0x17d: {  	v20 =	vld [tilespmem:s18+$0x70];
	v17 =	vadd.s32 v16, v17;
	_ =	sdelay $0x3  }
0x17e: {  	[tilespmem:v19+s12+$0x0] =	vst.idx.msk $0xffff, v18  }
0x17f: {  	s21 =	rddreg [dreg:$0x9];
	[tilespmem:v17+s12+$0x0] =	vst.idx.msk $0xffff, v20  }
0x180: {  	[hbm4b:s21+s3] =	stream.linear.scatter [tilespmem:s12], [sflag:$0x2], $0x400, $0x38;
	[tilespmem:$0xA400] =	vst v63  }
0x181: {  	s22 =	rddreg [dreg:$0xa]  }
0x182: {  	[hbm4b:s22+s3] =	stream.linear.scatter [tilespmem:s13], [sflag:$0x2], $0x400, $0x38;
	[tilespmem:$0xA400] =	vst v63  }
0x183: {  	s23 =	rddreg [dreg:$0xb]  }
0x184: {  	[hbm4b:s23+s3] =	stream.linear.scatter [tilespmem:s14], [sflag:$0x2], $0x400, $0x38;
	[tilespmem:$0xA400] =	vst v63  }
0x185: {  	s24 =	rddreg [dreg:$0xc]  }
0x186: {  	[hbm4b:s24+s3] =	stream.linear.scatter [tilespmem:s15], [sflag:$0x2], $0x400, $0x38;
	[tilespmem:$0xA400] =	vst v63  }
0x187: {  	s25 =	simm.s32 $0x180;
	s18 =	simm.s32 $0x1  }
0x188: {  	[tilespmem:s31], [sflag:$0x1] =	stream.indirect.gather [hbm4b:s4+s29], $0x20, s25, s29, $0xb8;
	[tilespmem:$0xA400] =	vst v63  }
.LBB2_6:
0x189: {  	_ =	swait.ge [sflag:s16], $0x400  }
0x18a: {  	[sflag:s16] =	ssyncset.done $0x0  }
0x18b: {  	[sflag:s16] =	ssyncadd.s32 $0xFFFFFC00  }
0x18c: {  	_ =	swait.ge [sflag:s16], $0x400  }
0x18d: {  	[sflag:s16] =	ssyncset.done $0x0  }
0x18e: {  	[sflag:s16] =	ssyncadd.s32 $0xFFFFFC00  }
0x18f: {  	_ =	swait.ge [sflag:s16], $0x400  }
0x190: {  	[sflag:s16] =	ssyncset.done $0x0  }
0x191: {  	[sflag:s16] =	ssyncadd.s32 $0xFFFFFC00  }
0x192: {  	s19 =	simm.s32 $0x0;
	_ =	swait.ge [sflag:s16], $0x400  }
0x193: {  	v17 =	vmov s19;
	[sflag:s16] =	ssyncset.done $0x0  }
0x194: {  	v17 =	vshrl.u32 v17, $0x3;
	[sflag:s16] =	ssyncadd.s32 $0xFFFFFC00  }
0x195: {  	v17 =	vshll.u32 v17, v1;
	_ =	swait.ge [sflag:s1], $0x1000  }
0x196: {  	v17 =	vbroadcast v17, $0x0;
	[sflag:s1] =	ssyncset.done $0x0  }
0x197: {  	s19 =	simm.s32 $0x6480;
	[sflag:s1] =	ssyncadd.s32 $0xFFFFF000  }
0x198: {  	v19 =	vor.u32 v0, v17;
	v18 =	vld [tilespmem:s19+$0xFFFFFF80]  }
0x199: {  	s20 =	simm.s32 $0x1;
	v17 =	vor.u32 v2, v17;
	v20 =	vld [tilespmem:s19+$0xFFFFFF90]  }
0x19a: {  	v21 =	vmov s20  }
0x19b: {  	v21 =	vshrl.u32 v21, $0x3  }
0x19c: {  	v21 =	vshll.u32 v21, v1  }
0x19d: {  	[tilespmem:v19+s0+$0x0] =	vst.idx.msk $0xffff, v18;
	v18 =	vbroadcast v21, $0x0  }
0x19e: {  	[tilespmem:v17+s0+$0x0] =	vst.idx.msk $0xffff, v20  }
0x19f: {  	v17 =	vld [tilespmem:s19+$0xFFFFFFA0];
	v19 =	vadd.s32 v3, v18  }
0x1a0: {  	s24 =	simm.s32 $0x2;
	v20 =	vld [tilespmem:s19+$0xFFFFFFB0];
	v18 =	vadd.s32 v4, v18  }
0x1a1: {  	v58 =	vmov s24  }
0x1a2: {  	v21 =	vshrl.u32 v58, $0x3  }
0x1a3: {  	v21 =	vshll.u32 v21, v1  }
0x1a4: {  	[tilespmem:v19+s0+$0x0] =	vst.idx.msk $0xffff, v17;
	v17 =	vbroadcast v21, $0x0  }
0x1a5: {  	[tilespmem:v18+s0+$0x0] =	vst.idx.msk $0xffff, v20  }
0x1a6: {  	v18 =	vld [tilespmem:s19+$0xFFFFFFC0];
	v19 =	vadd.s32 v5, v17  }
0x1a7: {  	s25 =	simm.s32 $0x3;
	v20 =	vld [tilespmem:s19+$0xFFFFFFD0];
	v17 =	vadd.s32 v6, v17  }
0x1a8: {  	v59 =	vmov s25  }
0x1a9: {  	v21 =	vshrl.u32 v59, $0x3  }
0x1aa: {  	v21 =	vshll.u32 v21, v1  }
0x1ab: {  	[tilespmem:v19+s0+$0x0] =	vst.idx.msk $0xffff, v18;
	v18 =	vbroadcast v21, $0x0  }
0x1ac: {  	[tilespmem:v17+s0+$0x0] =	vst.idx.msk $0xffff, v20  }
0x1ad: {  	v17 =	vld [tilespmem:s19+$0xFFFFFFE0];
	v19 =	vadd.s32 v7, v18  }
0x1ae: {  	s21 =	simm.s32 $0x4;
	v20 =	vld [tilespmem:s19+$0xFFFFFFF0];
	v18 =	vadd.s32 v8, v18  }
0x1af: {  	v60 =	vmov s21  }
0x1b0: {  	v21 =	vshrl.u32 v60, $0x3  }
0x1b1: {  	v21 =	vshll.u32 v21, v1  }
0x1b2: {  	[tilespmem:v19+s0+$0x0] =	vst.idx.msk $0xffff, v17;
	v17 =	vbroadcast v21, $0x0  }
0x1b3: {  	[tilespmem:v18+s0+$0x0] =	vst.idx.msk $0xffff, v20  }
0x1b4: {  	v18 =	vld [tilespmem:s19+$0x0];
	v19 =	vadd.s32 v9, v17  }
0x1b5: {  	s22 =	simm.s32 $0x5;
	v20 =	vld [tilespmem:s19+$0x10];
	v17 =	vadd.s32 v10, v17  }
0x1b6: {  	v61 =	vmov s22  }
0x1b7: {  	v21 =	vshrl.u32 v61, $0x3  }
0x1b8: {  	v21 =	vshll.u32 v21, v1  }
0x1b9: {  	[tilespmem:v19+s0+$0x0] =	vst.idx.msk $0xffff, v18;
	v18 =	vbroadcast v21, $0x0  }
0x1ba: {  	[tilespmem:v17+s0+$0x0] =	vst.idx.msk $0xffff, v20  }
0x1bb: {  	v17 =	vld [tilespmem:s19+$0x20];
	v19 =	vadd.s32 v11, v18  }
0x1bc: {  	s23 =	simm.s32 $0x6;
	v20 =	vld [tilespmem:s19+$0x30];
	v18 =	vadd.s32 v12, v18  }
0x1bd: {  	v62 =	vmov s23  }
0x1be: {  	v21 =	vshrl.u32 v62, $0x3  }
0x1bf: {  	v21 =	vshll.u32 v21, v1  }
0x1c0: {  	[tilespmem:v19+s0+$0x0] =	vst.idx.msk $0xffff, v17;
	v17 =	vbroadcast v21, $0x0  }
0x1c1: {  	[tilespmem:v18+s0+$0x0] =	vst.idx.msk $0xffff, v20  }
0x1c2: {  	v18 =	vld [tilespmem:s19+$0x40];
	v19 =	vadd.s32 v13, v17  }
0x1c3: {  	s24 =	simm.s32 $0x7;
	v20 =	vld [tilespmem:s19+$0x50];
	v17 =	vadd.s32 v14, v17  }
0x1c4: {  	v63 =	vmov s24  }
0x1c5: {  	v21 =	vshrl.u32 v63, $0x3  }
0x1c6: {  	v21 =	vshll.u32 v21, v1  }
0x1c7: {  	[tilespmem:v19+s0+$0x0] =	vst.idx.msk $0xffff, v18;
	v18 =	vbroadcast v21, $0x0  }
0x1c8: {  	s25 =	simm.s32 $0x8;
	[tilespmem:v17+s0+$0x0] =	vst.idx.msk $0xffff, v20  }
0x1c9: {  	v17 =	vmov s25;
	v20 =	vld [tilespmem:s19+$0x60];
	v21 =	vadd.s32 v15, v18  }
0x1ca: {  	v19 =	vshrl.u32 v17, $0x3  }
0x1cb: {  	v17 =	vld [tilespmem:s19+$0x70];
	v22 =	vshll.u32 v19, v1;
	v19 =	vadd.s32 v16, v18;
	_ =	sdelay $0x2  }
0x1cc: {  	s20 =	simm.s32 $0xF;
	s21 =	simm.s32 $0x17;
	v18 =	vbroadcast v22, $0x0;
	[tilespmem:v21+s0+$0x0] =	vst.idx.msk $0xffff, v20  }
.LBB2_7:
0x1cd: {  	p0 =	sne.s32 s21, $0x7F  }
0x1ce: {  	[tilespmem:v19+s0+$0x0] =	vst.idx.msk $0xffff, v17;
	s19 =	sadd.s32 $0x100, s19;
	s22 =	smov.u32 s21;
	s21 =	sadd.s32 $0x8, s21  }
0x1cf: {  	v17 =	vld [tilespmem:s19+$0xFFFFFF80];
	v19 =	vor.u32 v0, v18  }
0x1d0: {  	s23 =	sadd.s32 $0xFFFFFFFA, s20;
	v18 =	vor.u32 v2, v18;
	v20 =	vld [tilespmem:s19+$0xFFFFFF90]  }
0x1d1: {  	v21 =	vmov s23  }
0x1d2: {  	v21 =	vshrl.u32 v21, $0x3  }
0x1d3: {  	v21 =	vshll.u32 v21, v1  }
0x1d4: {  	[tilespmem:v19+s0+$0x0] =	vst.idx.msk $0xffff, v17;
	v17 =	vbroadcast v21, $0x0  }
0x1d5: {  	[tilespmem:v18+s0+$0x0] =	vst.idx.msk $0xffff, v20  }
0x1d6: {  	v18 =	vld [tilespmem:s19+$0xFFFFFFA0];
	v19 =	vadd.s32 v3, v17  }
0x1d7: {  	s23 =	sadd.s32 $0xFFFFFFFB, s20;
	v17 =	vadd.s32 v4, v17;
	v20 =	vld [tilespmem:s19+$0xFFFFFFB0]  }
0x1d8: {  	v21 =	vmov s23  }
0x1d9: {  	v21 =	vshrl.u32 v21, $0x3  }
0x1da: {  	v21 =	vshll.u32 v21, v1  }
0x1db: {  	[tilespmem:v19+s0+$0x0] =	vst.idx.msk $0xffff, v18;
	v18 =	vbroadcast v21, $0x0  }
0x1dc: {  	[tilespmem:v17+s0+$0x0] =	vst.idx.msk $0xffff, v20  }
0x1dd: {  	v17 =	vld [tilespmem:s19+$0xFFFFFFC0];
	v19 =	vadd.s32 v5, v18  }
0x1de: {  	s23 =	sadd.s32 $0xFFFFFFFC, s20;
	v18 =	vadd.s32 v6, v18;
	v20 =	vld [tilespmem:s19+$0xFFFFFFD0]  }
0x1df: {  	v21 =	vmov s23  }
0x1e0: {  	v21 =	vshrl.u32 v21, $0x3  }
0x1e1: {  	v21 =	vshll.u32 v21, v1  }
0x1e2: {  	[tilespmem:v19+s0+$0x0] =	vst.idx.msk $0xffff, v17;
	v17 =	vbroadcast v21, $0x0  }
0x1e3: {  	[tilespmem:v18+s0+$0x0] =	vst.idx.msk $0xffff, v20  }
0x1e4: {  	v18 =	vld [tilespmem:s19+$0xFFFFFFE0];
	v19 =	vadd.s32 v7, v17  }
0x1e5: {  	s23 =	sadd.s32 $0xFFFFFFFD, s20;
	v17 =	vadd.s32 v8, v17;
	v20 =	vld [tilespmem:s19+$0xFFFFFFF0]  }
0x1e6: {  	v21 =	vmov s23  }
0x1e7: {  	v21 =	vshrl.u32 v21, $0x3  }
0x1e8: {  	v21 =	vshll.u32 v21, v1  }
0x1e9: {  	[tilespmem:v19+s0+$0x0] =	vst.idx.msk $0xffff, v18;
	v18 =	vbroadcast v21, $0x0  }
0x1ea: {  	[tilespmem:v17+s0+$0x0] =	vst.idx.msk $0xffff, v20  }
0x1eb: {  	v17 =	vld [tilespmem:s19+$0x0];
	v19 =	vadd.s32 v9, v18  }
0x1ec: {  	s23 =	sadd.s32 $0xFFFFFFFE, s20;
	v18 =	vadd.s32 v10, v18;
	v20 =	vld [tilespmem:s19+$0x10]  }
0x1ed: {  	v21 =	vmov s23  }
0x1ee: {  	v21 =	vshrl.u32 v21, $0x3  }
0x1ef: {  	v21 =	vshll.u32 v21, v1  }
0x1f0: {  	[tilespmem:v19+s0+$0x0] =	vst.idx.msk $0xffff, v17;
	v17 =	vbroadcast v21, $0x0  }
0x1f1: {  	[tilespmem:v18+s0+$0x0] =	vst.idx.msk $0xffff, v20  }
0x1f2: {  	v18 =	vld [tilespmem:s19+$0x20];
	v19 =	vadd.s32 v11, v17  }
0x1f3: {  	s23 =	sadd.s32 $0xFFFFFFFF, s20;
	v17 =	vadd.s32 v12, v17;
	v20 =	vld [tilespmem:s19+$0x30]  }
0x1f4: {  	v21 =	vmov s23  }
0x1f5: {  	v21 =	vshrl.u32 v21, $0x3  }
0x1f6: {  	v21 =	vshll.u32 v21, v1  }
0x1f7: {  	[tilespmem:v19+s0+$0x0] =	vst.idx.msk $0xffff, v18;
	v18 =	vbroadcast v21, $0x0  }
0x1f8: {  	[tilespmem:v17+s0+$0x0] =	vst.idx.msk $0xffff, v20  }
0x1f9: {  	v17 =	vld [tilespmem:s19+$0x40];
	v19 =	vadd.s32 v13, v18  }
0x1fa: {  	v18 =	vadd.s32 v14, v18;
	v20 =	vld [tilespmem:s19+$0x50]  }
0x1fb: {  	v21 =	vmov s20;
	s20 =	smov.u32 s22  }
0x1fc: {  	v21 =	vshrl.u32 v21, $0x3  }
0x1fd: {  	v21 =	vshll.u32 v21, v1  }
0x1fe: {  	[tilespmem:v19+s0+$0x0] =	vst.idx.msk $0xffff, v17;
	v19 =	vbroadcast v21, $0x0  }
0x1ff: {  	[tilespmem:v18+s0+$0x0] =	vst.idx.msk $0xffff, v20  }
0x200: {  	v20 =	vld [tilespmem:s19+$0x60];
	v21 =	vadd.s32 v15, v19  }
.Ltmp2:
0x201: {  	s22 =	sadd.s32 $0xFFFFFFF9, s20;
	v19 =	vadd.s32 v16, v19;
	v17 =	vld [tilespmem:s19+$0x70];
	(pc) =	sbr.rel @p0 .LBB2_7-.Ltmp2, $4  }
0x202: {  	v18 =	vmov s22  }
0x203: {  	v18 =	vshrl.u32 v18, $0x3  }
0x204: {  	v18 =	vshll.u32 v18, v1  }
0x205: {  	v18 =	vbroadcast v18, $0x0;
	[tilespmem:v21+s0+$0x0] =	vst.idx.msk $0xffff, v20  }
0x206: {  	_ =	sdelay $0x3  }
0x207: {  	[tilespmem:v19+s0+$0x0] =	vst.idx.msk $0xffff, v17;
	s19 =	sadd.s32 $0x100, s19  }
0x208: {  	v17 =	vld [tilespmem:s19+$0xFFFFFF80];
	v19 =	vor.u32 v0, v18  }
0x209: {  	s21 =	sadd.s32 $0xFFFFFFFA, s20;
	v20 =	vld [tilespmem:s19+$0xFFFFFF90];
	v18 =	vor.u32 v2, v18  }
0x20a: {  	v21 =	vmov s21  }
0x20b: {  	v21 =	vshrl.u32 v21, $0x3  }
0x20c: {  	v21 =	vshll.u32 v21, v1  }
0x20d: {  	[tilespmem:v19+s0+$0x0] =	vst.idx.msk $0xffff, v17;
	v17 =	vbroadcast v21, $0x0  }
0x20e: {  	[tilespmem:v18+s0+$0x0] =	vst.idx.msk $0xffff, v20  }
0x20f: {  	v18 =	vld [tilespmem:s19+$0xFFFFFFA0];
	v19 =	vadd.s32 v3, v17  }
0x210: {  	s25 =	sadd.s32 $0xFFFFFFFB, s20;
	v20 =	vld [tilespmem:s19+$0xFFFFFFB0];
	v17 =	vadd.s32 v4, v17  }
0x211: {  	v51 =	vmov s25  }
0x212: {  	v21 =	vshrl.u32 v51, $0x3  }
0x213: {  	v21 =	vshll.u32 v21, v1  }
0x214: {  	[tilespmem:v19+s0+$0x0] =	vst.idx.msk $0xffff, v18;
	v18 =	vbroadcast v21, $0x0  }
0x215: {  	[tilespmem:v17+s0+$0x0] =	vst.idx.msk $0xffff, v20  }
0x216: {  	v17 =	vld [tilespmem:s19+$0xFFFFFFC0];
	v19 =	vadd.s32 v5, v18  }
0x217: {  	s22 =	sadd.s32 $0xFFFFFFFC, s20;
	v20 =	vld [tilespmem:s19+$0xFFFFFFD0];
	v18 =	vadd.s32 v6, v18  }
0x218: {  	v52 =	vmov s22  }
0x219: {  	v21 =	vshrl.u32 v52, $0x3  }
0x21a: {  	v21 =	vshll.u32 v21, v1  }
0x21b: {  	[tilespmem:v19+s0+$0x0] =	vst.idx.msk $0xffff, v17;
	v17 =	vbroadcast v21, $0x0  }
0x21c: {  	[tilespmem:v18+s0+$0x0] =	vst.idx.msk $0xffff, v20  }
0x21d: {  	v18 =	vld [tilespmem:s19+$0xFFFFFFE0];
	v19 =	vadd.s32 v7, v17  }
0x21e: {  	s23 =	sadd.s32 $0xFFFFFFFD, s20;
	v20 =	vld [tilespmem:s19+$0xFFFFFFF0];
	v17 =	vadd.s32 v8, v17  }
0x21f: {  	v53 =	vmov s23  }
0x220: {  	v21 =	vshrl.u32 v53, $0x3  }
0x221: {  	v21 =	vshll.u32 v21, v1  }
0x222: {  	[tilespmem:v19+s0+$0x0] =	vst.idx.msk $0xffff, v18;
	v18 =	vbroadcast v21, $0x0  }
0x223: {  	[tilespmem:v17+s0+$0x0] =	vst.idx.msk $0xffff, v20  }
0x224: {  	v17 =	vld [tilespmem:s19+$0x0];
	v19 =	vadd.s32 v9, v18  }
0x225: {  	s24 =	sadd.s32 $0xFFFFFFFE, s20;
	v20 =	vld [tilespmem:s19+$0x10];
	v18 =	vadd.s32 v10, v18  }
0x226: {  	v54 =	vmov s24  }
0x227: {  	v21 =	vshrl.u32 v54, $0x3  }
0x228: {  	v21 =	vshll.u32 v21, v1  }
0x229: {  	[tilespmem:v19+s0+$0x0] =	vst.idx.msk $0xffff, v17;
	v17 =	vbroadcast v21, $0x0  }
0x22a: {  	[tilespmem:v18+s0+$0x0] =	vst.idx.msk $0xffff, v20  }
0x22b: {  	v18 =	vld [tilespmem:s19+$0x20];
	v19 =	vadd.s32 v11, v17  }
0x22c: {  	s25 =	sadd.s32 $0xFFFFFFFF, s20;
	v20 =	vld [tilespmem:s19+$0x30];
	v17 =	vadd.s32 v12, v17  }
0x22d: {  	v55 =	vmov s25  }
0x22e: {  	v21 =	vshrl.u32 v55, $0x3  }
0x22f: {  	v21 =	vshll.u32 v21, v1  }
0x230: {  	[tilespmem:v19+s0+$0x0] =	vst.idx.msk $0xffff, v18;
	v18 =	vbroadcast v21, $0x0  }
0x231: {  	[tilespmem:v17+s0+$0x0] =	vst.idx.msk $0xffff, v20  }
0x232: {  	v17 =	vld [tilespmem:s19+$0x40];
	v19 =	vadd.s32 v13, v18  }
0x233: {  	v20 =	vld [tilespmem:s19+$0x50];
	v18 =	vadd.s32 v14, v18  }
0x234: {  	v56 =	vmov s20  }
0x235: {  	v21 =	vshrl.u32 v56, $0x3  }
0x236: {  	v21 =	vshll.u32 v21, v1  }
0x237: {  	[tilespmem:v19+s0+$0x0] =	vst.idx.msk $0xffff, v17;
	v17 =	vbroadcast v21, $0x0  }
0x238: {  	[tilespmem:v18+s0+$0x0] =	vst.idx.msk $0xffff, v20  }
0x239: {  	v18 =	vld [tilespmem:s19+$0x60];
	v19 =	vadd.s32 v15, v17  }
0x23a: {  	v20 =	vld [tilespmem:s19+$0x70];
	v17 =	vadd.s32 v16, v17;
	s19 =	sshll.u32 s18, $0x1  }
0x23b: {  	s22 =	sadd.s32 s6, s19  }
0x23c: {  	s23 =	sshll.u32 s22, $0x9;
	s20 =	sshll.u32 s22, $0x7  }
0x23d: {  	s21 =	sand.u32 $0xFFF0000, s23;
	s20 =	sand.u32 $0x3F00, s20  }
0x23e: {  	s20 =	sor.u32 s20, s21;
	[tilespmem:v19+s0+$0x0] =	vst.idx.msk $0xffff, v18  }
0x23f: {  	s21 =	sadd.s32 s2, s20;
	[tilespmem:v17+s0+$0x0] =	vst.idx.msk $0xffff, v20  }
0x240: {  	[hbm4b:s21+s3] =	stream.linear.scatter [tilespmem:s0], [sflag:$0x2], $0x400, $0x38;
	[tilespmem:$0xA400] =	vst v63  }
0x241: {  	s24 =	sadd.s32 s20, s8  }
0x242: {  	[hbm4b:s24+s3] =	stream.linear.scatter [tilespmem:s5], [sflag:$0x2], $0x400, $0x38;
	[tilespmem:$0xA400] =	vst v63  }
0x243: {  	s25 =	sadd.s32 s20, s10  }
0x244: {  	[hbm4b:s25+s3] =	stream.linear.scatter [tilespmem:s7], [sflag:$0x2], $0x400, $0x38;
	[tilespmem:$0xA400] =	vst v63  }
0x245: {  	s22 =	sshll.u32 s18, $0x8;
	s20 =	sadd.s32 s20, s11  }
0x246: {  	[hbm4b:s20+s3] =	stream.linear.scatter [tilespmem:s9], [sflag:$0x2], $0x400, $0x38;
	[tilespmem:$0xA400] =	vst v63  }
0x247: {  	s20 =	sand.u32 $0x3FFFFF00, s22  }
0x248: {  	s23 =	sadd.s32 $0x100, s20  }
0x249: {  	[tilespmem:s30], [sflag:$0x1] =	stream.indirect.gather [hbm4b:s4+s29], $0x20, s23, s29, $0xb8;
	[tilespmem:$0xA400] =	vst v63  }
0x24a: {  	_ =	swait.ge [sflag:s16], $0x400  }
0x24b: {  	[sflag:s16] =	ssyncset.done $0x0  }
0x24c: {  	[sflag:s16] =	ssyncadd.s32 $0xFFFFFC00  }
0x24d: {  	_ =	swait.ge [sflag:s16], $0x400  }
0x24e: {  	[sflag:s16] =	ssyncset.done $0x0  }
0x24f: {  	[sflag:s16] =	ssyncadd.s32 $0xFFFFFC00  }
0x250: {  	_ =	swait.ge [sflag:s16], $0x400  }
0x251: {  	[sflag:s16] =	ssyncset.done $0x0  }
0x252: {  	[sflag:s16] =	ssyncadd.s32 $0xFFFFFC00  }
0x253: {  	s24 =	simm.s32 $0x0;
	_ =	swait.ge [sflag:s16], $0x400  }
0x254: {  	v17 =	vmov s24;
	[sflag:s16] =	ssyncset.done $0x0  }
0x255: {  	v17 =	vshrl.u32 v17, $0x3;
	[sflag:s16] =	ssyncadd.s32 $0xFFFFFC00  }
0x256: {  	v17 =	vshll.u32 v17, v1;
	_ =	swait.ge [sflag:s1], $0x1000  }
0x257: {  	v17 =	vbroadcast v17, $0x0;
	[sflag:s1] =	ssyncset.done $0x0  }
0x258: {  	s21 =	simm.s32 $0x7480;
	[sflag:s1] =	ssyncadd.s32 $0xFFFFF000  }
0x259: {  	v19 =	vor.u32 v0, v17;
	v18 =	vld [tilespmem:s21+$0xFFFFFF80]  }
0x25a: {  	s22 =	simm.s32 $0x1;
	v17 =	vor.u32 v2, v17;
	v20 =	vld [tilespmem:s21+$0xFFFFFF90]  }
0x25b: {  	v57 =	vmov s22  }
0x25c: {  	v21 =	vshrl.u32 v57, $0x3  }
0x25d: {  	v21 =	vshll.u32 v21, v1  }
0x25e: {  	[tilespmem:v19+s12+$0x0] =	vst.idx.msk $0xffff, v18;
	v18 =	vbroadcast v21, $0x0  }
0x25f: {  	[tilespmem:v17+s12+$0x0] =	vst.idx.msk $0xffff, v20  }
0x260: {  	v17 =	vld [tilespmem:s21+$0xFFFFFFA0];
	v19 =	vadd.s32 v3, v18  }
0x261: {  	s25 =	simm.s32 $0x2;
	v20 =	vld [tilespmem:s21+$0xFFFFFFB0];
	v18 =	vadd.s32 v4, v18  }
0x262: {  	v58 =	vmov s25  }
0x263: {  	v21 =	vshrl.u32 v58, $0x3  }
0x264: {  	v21 =	vshll.u32 v21, v1  }
0x265: {  	[tilespmem:v19+s12+$0x0] =	vst.idx.msk $0xffff, v17;
	v17 =	vbroadcast v21, $0x0  }
0x266: {  	[tilespmem:v18+s12+$0x0] =	vst.idx.msk $0xffff, v20  }
0x267: {  	v18 =	vld [tilespmem:s21+$0xFFFFFFC0];
	v19 =	vadd.s32 v5, v17  }
0x268: {  	s23 =	simm.s32 $0x3;
	v20 =	vld [tilespmem:s21+$0xFFFFFFD0];
	v17 =	vadd.s32 v6, v17  }
0x269: {  	v59 =	vmov s23  }
0x26a: {  	v21 =	vshrl.u32 v59, $0x3  }
0x26b: {  	v21 =	vshll.u32 v21, v1  }
0x26c: {  	[tilespmem:v19+s12+$0x0] =	vst.idx.msk $0xffff, v18;
	v18 =	vbroadcast v21, $0x0  }
0x26d: {  	[tilespmem:v17+s12+$0x0] =	vst.idx.msk $0xffff, v20  }
0x26e: {  	v17 =	vld [tilespmem:s21+$0xFFFFFFE0];
	v19 =	vadd.s32 v7, v18  }
0x26f: {  	s24 =	simm.s32 $0x4;
	v20 =	vld [tilespmem:s21+$0xFFFFFFF0];
	v18 =	vadd.s32 v8, v18  }
0x270: {  	v60 =	vmov s24  }
0x271: {  	v21 =	vshrl.u32 v60, $0x3  }
0x272: {  	v21 =	vshll.u32 v21, v1  }
0x273: {  	[tilespmem:v19+s12+$0x0] =	vst.idx.msk $0xffff, v17;
	v17 =	vbroadcast v21, $0x0  }
0x274: {  	[tilespmem:v18+s12+$0x0] =	vst.idx.msk $0xffff, v20  }
0x275: {  	v18 =	vld [tilespmem:s21+$0x0];
	v19 =	vadd.s32 v9, v17  }
0x276: {  	s25 =	simm.s32 $0x5;
	v20 =	vld [tilespmem:s21+$0x10];
	v17 =	vadd.s32 v10, v17  }
0x277: {  	v61 =	vmov s25  }
0x278: {  	v21 =	vshrl.u32 v61, $0x3  }
0x279: {  	v21 =	vshll.u32 v21, v1  }
0x27a: {  	[tilespmem:v19+s12+$0x0] =	vst.idx.msk $0xffff, v18;
	v18 =	vbroadcast v21, $0x0  }
0x27b: {  	[tilespmem:v17+s12+$0x0] =	vst.idx.msk $0xffff, v20  }
0x27c: {  	v17 =	vld [tilespmem:s21+$0x20];
	v19 =	vadd.s32 v11, v18  }
0x27d: {  	s23 =	simm.s32 $0x6;
	v20 =	vld [tilespmem:s21+$0x30];
	v18 =	vadd.s32 v12, v18  }
0x27e: {  	v62 =	vmov s23  }
0x27f: {  	v21 =	vshrl.u32 v62, $0x3  }
0x280: {  	v21 =	vshll.u32 v21, v1  }
0x281: {  	[tilespmem:v19+s12+$0x0] =	vst.idx.msk $0xffff, v17;
	v17 =	vbroadcast v21, $0x0  }
0x282: {  	[tilespmem:v18+s12+$0x0] =	vst.idx.msk $0xffff, v20  }
0x283: {  	v18 =	vld [tilespmem:s21+$0x40];
	v19 =	vadd.s32 v13, v17  }
0x284: {  	s24 =	simm.s32 $0x7;
	v20 =	vld [tilespmem:s21+$0x50];
	v17 =	vadd.s32 v14, v17  }
0x285: {  	v63 =	vmov s24  }
0x286: {  	v21 =	vshrl.u32 v63, $0x3  }
0x287: {  	v21 =	vshll.u32 v21, v1  }
0x288: {  	[tilespmem:v19+s12+$0x0] =	vst.idx.msk $0xffff, v18;
	v18 =	vbroadcast v21, $0x0  }
0x289: {  	s25 =	simm.s32 $0x8;
	[tilespmem:v17+s12+$0x0] =	vst.idx.msk $0xffff, v20  }
0x28a: {  	v17 =	vmov s25;
	v20 =	vld [tilespmem:s21+$0x60];
	v21 =	vadd.s32 v15, v18  }
0x28b: {  	v19 =	vshrl.u32 v17, $0x3  }
0x28c: {  	v17 =	vld [tilespmem:s21+$0x70];
	v22 =	vshll.u32 v19, v1;
	v19 =	vadd.s32 v16, v18;
	_ =	sdelay $0x2  }
0x28d: {  	s22 =	simm.s32 $0xF;
	s23 =	simm.s32 $0x17;
	v18 =	vbroadcast v22, $0x0;
	[tilespmem:v21+s12+$0x0] =	vst.idx.msk $0xffff, v20  }
.LBB2_9:
0x28e: {  	p0 =	sne.s32 s23, $0x7F  }
0x28f: {  	[tilespmem:v19+s12+$0x0] =	vst.idx.msk $0xffff, v17;
	s21 =	sadd.s32 $0x100, s21;
	s24 =	smov.u32 s23;
	s23 =	sadd.s32 $0x8, s23  }
0x290: {  	v17 =	vld [tilespmem:s21+$0xFFFFFF80];
	v19 =	vor.u32 v0, v18  }
0x291: {  	s25 =	sadd.s32 $0xFFFFFFFA, s22;
	v18 =	vor.u32 v2, v18;
	v20 =	vld [tilespmem:s21+$0xFFFFFF90]  }
0x292: {  	v21 =	vmov s25  }
0x293: {  	v21 =	vshrl.u32 v21, $0x3  }
0x294: {  	v21 =	vshll.u32 v21, v1  }
0x295: {  	[tilespmem:v19+s12+$0x0] =	vst.idx.msk $0xffff, v17;
	v17 =	vbroadcast v21, $0x0  }
0x296: {  	[tilespmem:v18+s12+$0x0] =	vst.idx.msk $0xffff, v20  }
0x297: {  	v18 =	vld [tilespmem:s21+$0xFFFFFFA0];
	v19 =	vadd.s32 v3, v17  }
0x298: {  	s25 =	sadd.s32 $0xFFFFFFFB, s22;
	v17 =	vadd.s32 v4, v17;
	v20 =	vld [tilespmem:s21+$0xFFFFFFB0]  }
0x299: {  	v21 =	vmov s25  }
0x29a: {  	v21 =	vshrl.u32 v21, $0x3  }
0x29b: {  	v21 =	vshll.u32 v21, v1  }
0x29c: {  	[tilespmem:v19+s12+$0x0] =	vst.idx.msk $0xffff, v18;
	v18 =	vbroadcast v21, $0x0  }
0x29d: {  	[tilespmem:v17+s12+$0x0] =	vst.idx.msk $0xffff, v20  }
0x29e: {  	v17 =	vld [tilespmem:s21+$0xFFFFFFC0];
	v19 =	vadd.s32 v5, v18  }
0x29f: {  	s25 =	sadd.s32 $0xFFFFFFFC, s22;
	v18 =	vadd.s32 v6, v18;
	v20 =	vld [tilespmem:s21+$0xFFFFFFD0]  }
0x2a0: {  	v21 =	vmov s25  }
0x2a1: {  	v21 =	vshrl.u32 v21, $0x3  }
0x2a2: {  	v21 =	vshll.u32 v21, v1  }
0x2a3: {  	[tilespmem:v19+s12+$0x0] =	vst.idx.msk $0xffff, v17;
	v17 =	vbroadcast v21, $0x0  }
0x2a4: {  	[tilespmem:v18+s12+$0x0] =	vst.idx.msk $0xffff, v20  }
0x2a5: {  	v18 =	vld [tilespmem:s21+$0xFFFFFFE0];
	v19 =	vadd.s32 v7, v17  }
0x2a6: {  	s25 =	sadd.s32 $0xFFFFFFFD, s22;
	v17 =	vadd.s32 v8, v17;
	v20 =	vld [tilespmem:s21+$0xFFFFFFF0]  }
0x2a7: {  	v21 =	vmov s25  }
0x2a8: {  	v21 =	vshrl.u32 v21, $0x3  }
0x2a9: {  	v21 =	vshll.u32 v21, v1  }
0x2aa: {  	[tilespmem:v19+s12+$0x0] =	vst.idx.msk $0xffff, v18;
	v18 =	vbroadcast v21, $0x0  }
0x2ab: {  	[tilespmem:v17+s12+$0x0] =	vst.idx.msk $0xffff, v20  }
0x2ac: {  	v17 =	vld [tilespmem:s21+$0x0];
	v19 =	vadd.s32 v9, v18  }
0x2ad: {  	s25 =	sadd.s32 $0xFFFFFFFE, s22;
	v18 =	vadd.s32 v10, v18;
	v20 =	vld [tilespmem:s21+$0x10]  }
0x2ae: {  	v21 =	vmov s25  }
0x2af: {  	v21 =	vshrl.u32 v21, $0x3  }
0x2b0: {  	v21 =	vshll.u32 v21, v1  }
0x2b1: {  	[tilespmem:v19+s12+$0x0] =	vst.idx.msk $0xffff, v17;
	v17 =	vbroadcast v21, $0x0  }
0x2b2: {  	[tilespmem:v18+s12+$0x0] =	vst.idx.msk $0xffff, v20  }
0x2b3: {  	v18 =	vld [tilespmem:s21+$0x20];
	v19 =	vadd.s32 v11, v17  }
0x2b4: {  	s25 =	sadd.s32 $0xFFFFFFFF, s22;
	v17 =	vadd.s32 v12, v17;
	v20 =	vld [tilespmem:s21+$0x30]  }
0x2b5: {  	v21 =	vmov s25  }
0x2b6: {  	v21 =	vshrl.u32 v21, $0x3  }
0x2b7: {  	v21 =	vshll.u32 v21, v1  }
0x2b8: {  	[tilespmem:v19+s12+$0x0] =	vst.idx.msk $0xffff, v18;
	v18 =	vbroadcast v21, $0x0  }
0x2b9: {  	[tilespmem:v17+s12+$0x0] =	vst.idx.msk $0xffff, v20  }
0x2ba: {  	v17 =	vld [tilespmem:s21+$0x40];
	v19 =	vadd.s32 v13, v18  }
0x2bb: {  	v18 =	vadd.s32 v14, v18;
	v20 =	vld [tilespmem:s21+$0x50]  }
0x2bc: {  	v21 =	vmov s22;
	s22 =	smov.u32 s24  }
0x2bd: {  	v21 =	vshrl.u32 v21, $0x3  }
0x2be: {  	v21 =	vshll.u32 v21, v1  }
0x2bf: {  	[tilespmem:v19+s12+$0x0] =	vst.idx.msk $0xffff, v17;
	v19 =	vbroadcast v21, $0x0  }
0x2c0: {  	[tilespmem:v18+s12+$0x0] =	vst.idx.msk $0xffff, v20  }
0x2c1: {  	v20 =	vld [tilespmem:s21+$0x60];
	v21 =	vadd.s32 v15, v19  }
.Ltmp3:
0x2c2: {  	s24 =	sadd.s32 $0xFFFFFFF9, s22;
	v19 =	vadd.s32 v16, v19;
	v17 =	vld [tilespmem:s21+$0x70];
	(pc) =	sbr.rel @p0 .LBB2_9-.Ltmp3, $4  }
0x2c3: {  	v18 =	vmov s24  }
0x2c4: {  	v18 =	vshrl.u32 v18, $0x3  }
0x2c5: {  	v18 =	vshll.u32 v18, v1  }
0x2c6: {  	v18 =	vbroadcast v18, $0x0;
	[tilespmem:v21+s12+$0x0] =	vst.idx.msk $0xffff, v20  }
0x2c7: {  	_ =	sdelay $0x3  }
0x2c8: {  	[tilespmem:v19+s12+$0x0] =	vst.idx.msk $0xffff, v17;
	s21 =	sadd.s32 $0x100, s21  }
0x2c9: {  	v17 =	vld [tilespmem:s21+$0xFFFFFF80];
	v19 =	vor.u32 v0, v18  }
0x2ca: {  	s23 =	sadd.s32 $0xFFFFFFFA, s22;
	v20 =	vld [tilespmem:s21+$0xFFFFFF90];
	v18 =	vor.u32 v2, v18  }
0x2cb: {  	v21 =	vmov s23  }
0x2cc: {  	v21 =	vshrl.u32 v21, $0x3  }
0x2cd: {  	v21 =	vshll.u32 v21, v1  }
0x2ce: {  	[tilespmem:v19+s12+$0x0] =	vst.idx.msk $0xffff, v17;
	v17 =	vbroadcast v21, $0x0  }
0x2cf: {  	[tilespmem:v18+s12+$0x0] =	vst.idx.msk $0xffff, v20  }
0x2d0: {  	v18 =	vld [tilespmem:s21+$0xFFFFFFA0];
	v19 =	vadd.s32 v3, v17  }
0x2d1: {  	s25 =	sadd.s32 $0xFFFFFFFB, s22;
	v20 =	vld [tilespmem:s21+$0xFFFFFFB0];
	v17 =	vadd.s32 v4, v17  }
0x2d2: {  	v58 =	vmov s25  }
0x2d3: {  	v21 =	vshrl.u32 v58, $0x3  }
0x2d4: {  	v21 =	vshll.u32 v21, v1  }
0x2d5: {  	[tilespmem:v19+s12+$0x0] =	vst.idx.msk $0xffff, v18;
	v18 =	vbroadcast v21, $0x0  }
0x2d6: {  	[tilespmem:v17+s12+$0x0] =	vst.idx.msk $0xffff, v20  }
0x2d7: {  	v17 =	vld [tilespmem:s21+$0xFFFFFFC0];
	v19 =	vadd.s32 v5, v18  }
0x2d8: {  	s24 =	sadd.s32 $0xFFFFFFFC, s22;
	v20 =	vld [tilespmem:s21+$0xFFFFFFD0];
	v18 =	vadd.s32 v6, v18  }
0x2d9: {  	v59 =	vmov s24  }
0x2da: {  	v21 =	vshrl.u32 v59, $0x3  }
0x2db: {  	v21 =	vshll.u32 v21, v1  }
0x2dc: {  	[tilespmem:v19+s12+$0x0] =	vst.idx.msk $0xffff, v17;
	v17 =	vbroadcast v21, $0x0  }
0x2dd: {  	[tilespmem:v18+s12+$0x0] =	vst.idx.msk $0xffff, v20  }
0x2de: {  	v18 =	vld [tilespmem:s21+$0xFFFFFFE0];
	v19 =	vadd.s32 v7, v17  }
0x2df: {  	s25 =	sadd.s32 $0xFFFFFFFD, s22;
	v20 =	vld [tilespmem:s21+$0xFFFFFFF0];
	v17 =	vadd.s32 v8, v17  }
0x2e0: {  	v60 =	vmov s25  }
0x2e1: {  	v21 =	vshrl.u32 v60, $0x3  }
0x2e2: {  	v21 =	vshll.u32 v21, v1  }
0x2e3: {  	[tilespmem:v19+s12+$0x0] =	vst.idx.msk $0xffff, v18;
	v18 =	vbroadcast v21, $0x0  }
0x2e4: {  	[tilespmem:v17+s12+$0x0] =	vst.idx.msk $0xffff, v20  }
0x2e5: {  	v17 =	vld [tilespmem:s21+$0x0];
	v19 =	vadd.s32 v9, v18  }
0x2e6: {  	s24 =	sadd.s32 $0xFFFFFFFE, s22;
	v20 =	vld [tilespmem:s21+$0x10];
	v18 =	vadd.s32 v10, v18  }
0x2e7: {  	v61 =	vmov s24  }
0x2e8: {  	v21 =	vshrl.u32 v61, $0x3  }
0x2e9: {  	v21 =	vshll.u32 v21, v1  }
0x2ea: {  	[tilespmem:v19+s12+$0x0] =	vst.idx.msk $0xffff, v17;
	v17 =	vbroadcast v21, $0x0  }
0x2eb: {  	[tilespmem:v18+s12+$0x0] =	vst.idx.msk $0xffff, v20  }
0x2ec: {  	v18 =	vld [tilespmem:s21+$0x20];
	v19 =	vadd.s32 v11, v17  }
0x2ed: {  	s25 =	sadd.s32 $0xFFFFFFFF, s22;
	v20 =	vld [tilespmem:s21+$0x30];
	v17 =	vadd.s32 v12, v17  }
0x2ee: {  	v62 =	vmov s25  }
0x2ef: {  	v21 =	vshrl.u32 v62, $0x3  }
0x2f0: {  	v21 =	vshll.u32 v21, v1  }
0x2f1: {  	[tilespmem:v19+s12+$0x0] =	vst.idx.msk $0xffff, v18;
	v18 =	vbroadcast v21, $0x0  }
0x2f2: {  	[tilespmem:v17+s12+$0x0] =	vst.idx.msk $0xffff, v20  }
0x2f3: {  	v17 =	vld [tilespmem:s21+$0x40];
	v19 =	vadd.s32 v13, v18  }
0x2f4: {  	v20 =	vld [tilespmem:s21+$0x50];
	v18 =	vadd.s32 v14, v18  }
0x2f5: {  	v63 =	vmov s22  }
0x2f6: {  	v21 =	vshrl.u32 v63, $0x3  }
0x2f7: {  	v21 =	vshll.u32 v21, v1  }
0x2f8: {  	[tilespmem:v19+s12+$0x0] =	vst.idx.msk $0xffff, v17;
	v17 =	vbroadcast v21, $0x0  }
0x2f9: {  	[tilespmem:v18+s12+$0x0] =	vst.idx.msk $0xffff, v20  }
0x2fa: {  	v18 =	vld [tilespmem:s21+$0x60];
	v19 =	vadd.s32 v15, v17  }
0x2fb: {  	s19 =	sadd.s32 s19, s6;
	v20 =	vld [tilespmem:s21+$0x70];
	v17 =	vadd.s32 v16, v17  }
0x2fc: {  	s19 =	sadd.s32 $0x1, s19  }
0x2fd: {  	s22 =	sshll.u32 s19, $0x9;
	s19 =	sshll.u32 s19, $0x7  }
0x2fe: {  	s19 =	sand.u32 $0x3F80, s19;
	s21 =	sand.u32 $0xFFF0000, s22  }
0x2ff: {  	s19 =	sor.u32 s19, s21;
	[tilespmem:v19+s12+$0x0] =	vst.idx.msk $0xffff, v18  }
0x300: {  	s21 =	sadd.s32 s2, s19;
	[tilespmem:v17+s12+$0x0] =	vst.idx.msk $0xffff, v20  }
0x301: {  	[hbm4b:s21+s3] =	stream.linear.scatter [tilespmem:s12], [sflag:$0x2], $0x400, $0x38;
	[tilespmem:$0xA400] =	vst v63  }
0x302: {  	s18 =	sadd.s32 $0x1, s18;
	s23 =	sadd.s32 s19, s8  }
0x303: {  	[hbm4b:s23+s3] =	stream.linear.scatter [tilespmem:s13], [sflag:$0x2], $0x400, $0x38;
	[tilespmem:$0xA400] =	vst v63  }
0x304: {  	p0 =	sne.s32 s18, $0x63;
	s24 =	sadd.s32 s19, s10  }
0x305: {  	[hbm4b:s24+s3] =	stream.linear.scatter [tilespmem:s14], [sflag:$0x2], $0x400, $0x38;
	[tilespmem:$0xA400] =	vst v63  }
.Ltmp4:
0x306: {  	_ = 	snop;
	(pc) =	sbr.rel @p0 .LBB2_6-.Ltmp4, $4  }
0x307: {  	s19 =	sadd.s32 s19, s11  }
0x308: {  	[hbm4b:s19+s3] =	stream.linear.scatter [tilespmem:s15], [sflag:$0x2], $0x400, $0x38;
	[tilespmem:$0xA400] =	vst v63  }
0x309: {  	s25 =	sadd.s32 $0x180, s20  }
0x30a: {  	[tilespmem:s31], [sflag:$0x1] =	stream.indirect.gather [hbm4b:s4+s29], $0x20, s25, s29, $0xb8;
	[tilespmem:$0xA400] =	vst v63  }
0x30b: {  	_ =	swait.ge [sflag:s16], $0x400  }
0x30c: {  	[sflag:s16] =	ssyncset.done $0x0  }
0x30d: {  	[sflag:s16] =	ssyncadd.s32 $0xFFFFFC00  }
0x30e: {  	_ =	swait.ge [sflag:s16], $0x400  }
0x30f: {  	[sflag:s16] =	ssyncset.done $0x0  }
0x310: {  	[sflag:s16] =	ssyncadd.s32 $0xFFFFFC00  }
0x311: {  	_ =	swait.ge [sflag:s16], $0x400  }
0x312: {  	[sflag:s16] =	ssyncset.done $0x0  }
0x313: {  	[sflag:s16] =	ssyncadd.s32 $0xFFFFFC00  }
0x314: {  	s18 =	simm.s32 $0x0;
	_ =	swait.ge [sflag:s16], $0x400  }
0x315: {  	v17 =	vmov s18;
	[sflag:s16] =	ssyncset.done $0x0  }
0x316: {  	v17 =	vshrl.u32 v17, $0x3;
	[sflag:s16] =	ssyncadd.s32 $0xFFFFFC00  }
0x317: {  	v17 =	vshll.u32 v17, v1;
	_ =	swait.ge [sflag:s1], $0x1000  }
0x318: {  	v17 =	vbroadcast v17, $0x0;
	[sflag:s1] =	ssyncset.done $0x0  }
0x319: {  	s18 =	simm.s32 $0x6480;
	[sflag:s1] =	ssyncadd.s32 $0xFFFFF000  }
0x31a: {  	v19 =	vor.u32 v0, v17;
	v18 =	vld [tilespmem:s18+$0xFFFFFF80]  }
0x31b: {  	s19 =	simm.s32 $0x1;
	v17 =	vor.u32 v2, v17;
	v20 =	vld [tilespmem:s18+$0xFFFFFF90]  }
0x31c: {  	v21 =	vmov s19  }
0x31d: {  	v21 =	vshrl.u32 v21, $0x3  }
0x31e: {  	v21 =	vshll.u32 v21, v1  }
0x31f: {  	[tilespmem:v19+s0+$0x0] =	vst.idx.msk $0xffff, v18;
	v18 =	vbroadcast v21, $0x0  }
0x320: {  	[tilespmem:v17+s0+$0x0] =	vst.idx.msk $0xffff, v20  }
0x321: {  	v17 =	vld [tilespmem:s18+$0xFFFFFFA0];
	v19 =	vadd.s32 v3, v18  }
0x322: {  	s25 =	simm.s32 $0x2;
	v20 =	vld [tilespmem:s18+$0xFFFFFFB0];
	v18 =	vadd.s32 v4, v18  }
0x323: {  	v58 =	vmov s25  }
0x324: {  	v21 =	vshrl.u32 v58, $0x3  }
0x325: {  	v21 =	vshll.u32 v21, v1  }
0x326: {  	[tilespmem:v19+s0+$0x0] =	vst.idx.msk $0xffff, v17;
	v17 =	vbroadcast v21, $0x0  }
0x327: {  	[tilespmem:v18+s0+$0x0] =	vst.idx.msk $0xffff, v20  }
0x328: {  	v18 =	vld [tilespmem:s18+$0xFFFFFFC0];
	v19 =	vadd.s32 v5, v17  }
0x329: {  	s20 =	simm.s32 $0x3;
	v20 =	vld [tilespmem:s18+$0xFFFFFFD0];
	v17 =	vadd.s32 v6, v17  }
0x32a: {  	v59 =	vmov s20  }
0x32b: {  	v21 =	vshrl.u32 v59, $0x3  }
0x32c: {  	v21 =	vshll.u32 v21, v1  }
0x32d: {  	[tilespmem:v19+s0+$0x0] =	vst.idx.msk $0xffff, v18;
	v18 =	vbroadcast v21, $0x0  }
0x32e: {  	[tilespmem:v17+s0+$0x0] =	vst.idx.msk $0xffff, v20  }
0x32f: {  	v17 =	vld [tilespmem:s18+$0xFFFFFFE0];
	v19 =	vadd.s32 v7, v18  }
0x330: {  	s21 =	simm.s32 $0x4;
	v20 =	vld [tilespmem:s18+$0xFFFFFFF0];
	v18 =	vadd.s32 v8, v18  }
0x331: {  	v60 =	vmov s21  }
0x332: {  	v21 =	vshrl.u32 v60, $0x3  }
0x333: {  	v21 =	vshll.u32 v21, v1  }
0x334: {  	[tilespmem:v19+s0+$0x0] =	vst.idx.msk $0xffff, v17;
	v17 =	vbroadcast v21, $0x0  }
0x335: {  	[tilespmem:v18+s0+$0x0] =	vst.idx.msk $0xffff, v20  }
0x336: {  	v18 =	vld [tilespmem:s18+$0x0];
	v19 =	vadd.s32 v9, v17  }
0x337: {  	s22 =	simm.s32 $0x5;
	v20 =	vld [tilespmem:s18+$0x10];
	v17 =	vadd.s32 v10, v17  }
0x338: {  	v61 =	vmov s22  }
0x339: {  	v21 =	vshrl.u32 v61, $0x3  }
0x33a: {  	v21 =	vshll.u32 v21, v1  }
0x33b: {  	[tilespmem:v19+s0+$0x0] =	vst.idx.msk $0xffff, v18;
	v18 =	vbroadcast v21, $0x0  }
0x33c: {  	[tilespmem:v17+s0+$0x0] =	vst.idx.msk $0xffff, v20  }
0x33d: {  	v17 =	vld [tilespmem:s18+$0x20];
	v19 =	vadd.s32 v11, v18  }
0x33e: {  	s23 =	simm.s32 $0x6;
	v20 =	vld [tilespmem:s18+$0x30];
	v18 =	vadd.s32 v12, v18  }
0x33f: {  	v62 =	vmov s23  }
0x340: {  	v21 =	vshrl.u32 v62, $0x3  }
0x341: {  	v21 =	vshll.u32 v21, v1  }
0x342: {  	[tilespmem:v19+s0+$0x0] =	vst.idx.msk $0xffff, v17;
	v17 =	vbroadcast v21, $0x0  }
0x343: {  	[tilespmem:v18+s0+$0x0] =	vst.idx.msk $0xffff, v20  }
0x344: {  	v18 =	vld [tilespmem:s18+$0x40];
	v19 =	vadd.s32 v13, v17  }
0x345: {  	s24 =	simm.s32 $0x7;
	v20 =	vld [tilespmem:s18+$0x50];
	v17 =	vadd.s32 v14, v17  }
0x346: {  	v63 =	vmov s24  }
0x347: {  	v21 =	vshrl.u32 v63, $0x3  }
0x348: {  	v21 =	vshll.u32 v21, v1  }
0x349: {  	[tilespmem:v19+s0+$0x0] =	vst.idx.msk $0xffff, v18;
	v18 =	vbroadcast v21, $0x0  }
0x34a: {  	s25 =	simm.s32 $0x8;
	[tilespmem:v17+s0+$0x0] =	vst.idx.msk $0xffff, v20  }
0x34b: {  	v17 =	vmov s25;
	v20 =	vld [tilespmem:s18+$0x60];
	v21 =	vadd.s32 v15, v18  }
0x34c: {  	v19 =	vshrl.u32 v17, $0x3  }
0x34d: {  	v17 =	vld [tilespmem:s18+$0x70];
	v22 =	vshll.u32 v19, v1;
	v19 =	vadd.s32 v16, v18;
	_ =	sdelay $0x2  }
0x34e: {  	s19 =	simm.s32 $0xF;
	s20 =	simm.s32 $0x17;
	v18 =	vbroadcast v22, $0x0;
	[tilespmem:v21+s0+$0x0] =	vst.idx.msk $0xffff, v20  }
.LBB2_12:
0x34f: {  	p0 =	sne.s32 s20, $0x7F  }
0x350: {  	[tilespmem:v19+s0+$0x0] =	vst.idx.msk $0xffff, v17;
	s18 =	sadd.s32 $0x100, s18;
	s21 =	smov.u32 s20;
	s20 =	sadd.s32 $0x8, s20  }
0x351: {  	v17 =	vld [tilespmem:s18+$0xFFFFFF80];
	v19 =	vor.u32 v0, v18  }
0x352: {  	s22 =	sadd.s32 $0xFFFFFFFA, s19;
	v18 =	vor.u32 v2, v18;
	v20 =	vld [tilespmem:s18+$0xFFFFFF90]  }
0x353: {  	v21 =	vmov s22  }
0x354: {  	v21 =	vshrl.u32 v21, $0x3  }
0x355: {  	v21 =	vshll.u32 v21, v1  }
0x356: {  	[tilespmem:v19+s0+$0x0] =	vst.idx.msk $0xffff, v17;
	v17 =	vbroadcast v21, $0x0  }
0x357: {  	[tilespmem:v18+s0+$0x0] =	vst.idx.msk $0xffff, v20  }
0x358: {  	v18 =	vld [tilespmem:s18+$0xFFFFFFA0];
	v19 =	vadd.s32 v3, v17  }
0x359: {  	s22 =	sadd.s32 $0xFFFFFFFB, s19;
	v17 =	vadd.s32 v4, v17;
	v20 =	vld [tilespmem:s18+$0xFFFFFFB0]  }
0x35a: {  	v21 =	vmov s22  }
0x35b: {  	v21 =	vshrl.u32 v21, $0x3  }
0x35c: {  	v21 =	vshll.u32 v21, v1  }
0x35d: {  	[tilespmem:v19+s0+$0x0] =	vst.idx.msk $0xffff, v18;
	v18 =	vbroadcast v21, $0x0  }
0x35e: {  	[tilespmem:v17+s0+$0x0] =	vst.idx.msk $0xffff, v20  }
0x35f: {  	v17 =	vld [tilespmem:s18+$0xFFFFFFC0];
	v19 =	vadd.s32 v5, v18  }
0x360: {  	s22 =	sadd.s32 $0xFFFFFFFC, s19;
	v18 =	vadd.s32 v6, v18;
	v20 =	vld [tilespmem:s18+$0xFFFFFFD0]  }
0x361: {  	v21 =	vmov s22  }
0x362: {  	v21 =	vshrl.u32 v21, $0x3  }
0x363: {  	v21 =	vshll.u32 v21, v1  }
0x364: {  	[tilespmem:v19+s0+$0x0] =	vst.idx.msk $0xffff, v17;
	v17 =	vbroadcast v21, $0x0  }
0x365: {  	[tilespmem:v18+s0+$0x0] =	vst.idx.msk $0xffff, v20  }
0x366: {  	v18 =	vld [tilespmem:s18+$0xFFFFFFE0];
	v19 =	vadd.s32 v7, v17  }
0x367: {  	s22 =	sadd.s32 $0xFFFFFFFD, s19;
	v17 =	vadd.s32 v8, v17;
	v20 =	vld [tilespmem:s18+$0xFFFFFFF0]  }
0x368: {  	v21 =	vmov s22  }
0x369: {  	v21 =	vshrl.u32 v21, $0x3  }
0x36a: {  	v21 =	vshll.u32 v21, v1  }
0x36b: {  	[tilespmem:v19+s0+$0x0] =	vst.idx.msk $0xffff, v18;
	v18 =	vbroadcast v21, $0x0  }
0x36c: {  	[tilespmem:v17+s0+$0x0] =	vst.idx.msk $0xffff, v20  }
0x36d: {  	v17 =	vld [tilespmem:s18+$0x0];
	v19 =	vadd.s32 v9, v18  }
0x36e: {  	s22 =	sadd.s32 $0xFFFFFFFE, s19;
	v18 =	vadd.s32 v10, v18;
	v20 =	vld [tilespmem:s18+$0x10]  }
0x36f: {  	v21 =	vmov s22  }
0x370: {  	v21 =	vshrl.u32 v21, $0x3  }
0x371: {  	v21 =	vshll.u32 v21, v1  }
0x372: {  	[tilespmem:v19+s0+$0x0] =	vst.idx.msk $0xffff, v17;
	v17 =	vbroadcast v21, $0x0  }
0x373: {  	[tilespmem:v18+s0+$0x0] =	vst.idx.msk $0xffff, v20  }
0x374: {  	v18 =	vld [tilespmem:s18+$0x20];
	v19 =	vadd.s32 v11, v17  }
0x375: {  	s22 =	sadd.s32 $0xFFFFFFFF, s19;
	v17 =	vadd.s32 v12, v17;
	v20 =	vld [tilespmem:s18+$0x30]  }
0x376: {  	v21 =	vmov s22  }
0x377: {  	v21 =	vshrl.u32 v21, $0x3  }
0x378: {  	v21 =	vshll.u32 v21, v1  }
0x379: {  	[tilespmem:v19+s0+$0x0] =	vst.idx.msk $0xffff, v18;
	v18 =	vbroadcast v21, $0x0  }
0x37a: {  	[tilespmem:v17+s0+$0x0] =	vst.idx.msk $0xffff, v20  }
0x37b: {  	v17 =	vld [tilespmem:s18+$0x40];
	v19 =	vadd.s32 v13, v18  }
0x37c: {  	v18 =	vadd.s32 v14, v18;
	v20 =	vld [tilespmem:s18+$0x50]  }
0x37d: {  	v21 =	vmov s19;
	s19 =	smov.u32 s21  }
0x37e: {  	v21 =	vshrl.u32 v21, $0x3  }
0x37f: {  	v21 =	vshll.u32 v21, v1  }
0x380: {  	[tilespmem:v19+s0+$0x0] =	vst.idx.msk $0xffff, v17;
	v19 =	vbroadcast v21, $0x0  }
0x381: {  	[tilespmem:v18+s0+$0x0] =	vst.idx.msk $0xffff, v20  }
0x382: {  	v20 =	vld [tilespmem:s18+$0x60];
	v21 =	vadd.s32 v15, v19  }
.Ltmp5:
0x383: {  	s21 =	sadd.s32 $0xFFFFFFF9, s19;
	v19 =	vadd.s32 v16, v19;
	v17 =	vld [tilespmem:s18+$0x70];
	(pc) =	sbr.rel @p0 .LBB2_12-.Ltmp5, $4  }
0x384: {  	v18 =	vmov s21  }
0x385: {  	v18 =	vshrl.u32 v18, $0x3  }
0x386: {  	v18 =	vshll.u32 v18, v1  }
0x387: {  	v18 =	vbroadcast v18, $0x0;
	[tilespmem:v21+s0+$0x0] =	vst.idx.msk $0xffff, v20  }
0x388: {  	_ =	sdelay $0x3  }
0x389: {  	[tilespmem:v19+s0+$0x0] =	vst.idx.msk $0xffff, v17;
	s18 =	sadd.s32 $0x100, s18  }
0x38a: {  	v17 =	vld [tilespmem:s18+$0xFFFFFF80];
	v19 =	vor.u32 v0, v18  }
0x38b: {  	s20 =	sadd.s32 $0xFFFFFFFA, s19;
	v20 =	vld [tilespmem:s18+$0xFFFFFF90];
	v18 =	vor.u32 v2, v18  }
0x38c: {  	v21 =	vmov s20  }
0x38d: {  	v21 =	vshrl.u32 v21, $0x3  }
0x38e: {  	v21 =	vshll.u32 v21, v1  }
0x38f: {  	[tilespmem:v19+s0+$0x0] =	vst.idx.msk $0xffff, v17;
	v17 =	vbroadcast v21, $0x0  }
0x390: {  	[tilespmem:v18+s0+$0x0] =	vst.idx.msk $0xffff, v20  }
0x391: {  	v18 =	vld [tilespmem:s18+$0xFFFFFFA0];
	v19 =	vadd.s32 v3, v17  }
0x392: {  	s21 =	sadd.s32 $0xFFFFFFFB, s19;
	v20 =	vld [tilespmem:s18+$0xFFFFFFB0];
	v17 =	vadd.s32 v4, v17  }
0x393: {  	v51 =	vmov s21  }
0x394: {  	v21 =	vshrl.u32 v51, $0x3  }
0x395: {  	v21 =	vshll.u32 v21, v1  }
0x396: {  	[tilespmem:v19+s0+$0x0] =	vst.idx.msk $0xffff, v18;
	v18 =	vbroadcast v21, $0x0  }
0x397: {  	[tilespmem:v17+s0+$0x0] =	vst.idx.msk $0xffff, v20  }
0x398: {  	v17 =	vld [tilespmem:s18+$0xFFFFFFC0];
	v19 =	vadd.s32 v5, v18  }
0x399: {  	s22 =	sadd.s32 $0xFFFFFFFC, s19;
	v20 =	vld [tilespmem:s18+$0xFFFFFFD0];
	v18 =	vadd.s32 v6, v18  }
0x39a: {  	v52 =	vmov s22  }
0x39b: {  	v21 =	vshrl.u32 v52, $0x3  }
0x39c: {  	v21 =	vshll.u32 v21, v1  }
0x39d: {  	[tilespmem:v19+s0+$0x0] =	vst.idx.msk $0xffff, v17;
	v17 =	vbroadcast v21, $0x0  }
0x39e: {  	[tilespmem:v18+s0+$0x0] =	vst.idx.msk $0xffff, v20  }
0x39f: {  	v18 =	vld [tilespmem:s18+$0xFFFFFFE0];
	v19 =	vadd.s32 v7, v17  }
0x3a0: {  	s23 =	sadd.s32 $0xFFFFFFFD, s19;
	v20 =	vld [tilespmem:s18+$0xFFFFFFF0];
	v17 =	vadd.s32 v8, v17  }
0x3a1: {  	v53 =	vmov s23  }
0x3a2: {  	v21 =	vshrl.u32 v53, $0x3  }
0x3a3: {  	v21 =	vshll.u32 v21, v1  }
0x3a4: {  	[tilespmem:v19+s0+$0x0] =	vst.idx.msk $0xffff, v18;
	v18 =	vbroadcast v21, $0x0  }
0x3a5: {  	[tilespmem:v17+s0+$0x0] =	vst.idx.msk $0xffff, v20  }
0x3a6: {  	v17 =	vld [tilespmem:s18+$0x0];
	v19 =	vadd.s32 v9, v18  }
0x3a7: {  	s24 =	sadd.s32 $0xFFFFFFFE, s19;
	v20 =	vld [tilespmem:s18+$0x10];
	v18 =	vadd.s32 v10, v18  }
0x3a8: {  	v54 =	vmov s24  }
0x3a9: {  	v21 =	vshrl.u32 v54, $0x3  }
0x3aa: {  	v21 =	vshll.u32 v21, v1  }
0x3ab: {  	[tilespmem:v19+s0+$0x0] =	vst.idx.msk $0xffff, v17;
	v17 =	vbroadcast v21, $0x0  }
0x3ac: {  	[tilespmem:v18+s0+$0x0] =	vst.idx.msk $0xffff, v20  }
0x3ad: {  	v18 =	vld [tilespmem:s18+$0x20];
	v19 =	vadd.s32 v11, v17  }
0x3ae: {  	s25 =	sadd.s32 $0xFFFFFFFF, s19;
	v20 =	vld [tilespmem:s18+$0x30];
	v17 =	vadd.s32 v12, v17  }
0x3af: {  	v55 =	vmov s25  }
0x3b0: {  	v21 =	vshrl.u32 v55, $0x3  }
0x3b1: {  	v21 =	vshll.u32 v21, v1  }
0x3b2: {  	[tilespmem:v19+s0+$0x0] =	vst.idx.msk $0xffff, v18;
	v18 =	vbroadcast v21, $0x0  }
0x3b3: {  	[tilespmem:v17+s0+$0x0] =	vst.idx.msk $0xffff, v20  }
0x3b4: {  	v17 =	vld [tilespmem:s18+$0x40];
	v19 =	vadd.s32 v13, v18  }
0x3b5: {  	v20 =	vld [tilespmem:s18+$0x50];
	v18 =	vadd.s32 v14, v18  }
0x3b6: {  	v56 =	vmov s19  }
0x3b7: {  	v21 =	vshrl.u32 v56, $0x3  }
0x3b8: {  	v21 =	vshll.u32 v21, v1  }
0x3b9: {  	[tilespmem:v19+s0+$0x0] =	vst.idx.msk $0xffff, v17;
	v17 =	vbroadcast v21, $0x0  }
0x3ba: {  	[tilespmem:v18+s0+$0x0] =	vst.idx.msk $0xffff, v20  }
0x3bb: {  	v18 =	vld [tilespmem:s18+$0x60];
	v19 =	vadd.s32 v15, v17  }
0x3bc: {  	v20 =	vld [tilespmem:s18+$0x70];
	v17 =	vadd.s32 v16, v17;
	_ =	sdelay $0x3  }
0x3bd: {  	[tilespmem:v19+s0+$0x0] =	vst.idx.msk $0xffff, v18  }
0x3be: {  	s19 =	rddreg [dreg:$0xd];
	[tilespmem:v17+s0+$0x0] =	vst.idx.msk $0xffff, v20  }
0x3bf: {  	[hbm4b:s19+s3] =	stream.linear.scatter [tilespmem:s0], [sflag:$0x2], $0x400, $0x38;
	[tilespmem:$0xA400] =	vst v63  }
0x3c0: {  	s20 =	rddreg [dreg:$0xe]  }
0x3c1: {  	[hbm4b:s20+s3] =	stream.linear.scatter [tilespmem:s5], [sflag:$0x2], $0x400, $0x38;
	[tilespmem:$0xA400] =	vst v63  }
0x3c2: {  	s21 =	rddreg [dreg:$0xf]  }
0x3c3: {  	[hbm4b:s21+s3] =	stream.linear.scatter [tilespmem:s7], [sflag:$0x2], $0x400, $0x38;
	[tilespmem:$0xA400] =	vst v63  }
0x3c4: {  	s22 =	rddreg [dreg:$0x10]  }
0x3c5: {  	[hbm4b:s22+s3] =	stream.linear.scatter [tilespmem:s9], [sflag:$0x2], $0x400, $0x38;
	[tilespmem:$0xA400] =	vst v63  }
0x3c6: {  	_ =	swait.ge [sflag:s16], $0x400  }
0x3c7: {  	[sflag:s16] =	ssyncset.done $0x0  }
0x3c8: {  	[sflag:s16] =	ssyncadd.s32 $0xFFFFFC00  }
0x3c9: {  	_ =	swait.ge [sflag:s16], $0x400  }
0x3ca: {  	[sflag:s16] =	ssyncset.done $0x0  }
0x3cb: {  	[sflag:s16] =	ssyncadd.s32 $0xFFFFFC00  }
0x3cc: {  	_ =	swait.ge [sflag:s16], $0x400  }
0x3cd: {  	[sflag:s16] =	ssyncset.done $0x0  }
0x3ce: {  	[sflag:s16] =	ssyncadd.s32 $0xFFFFFC00  }
0x3cf: {  	s23 =	simm.s32 $0x0;
	_ =	swait.ge [sflag:s16], $0x400  }
0x3d0: {  	v17 =	vmov s23;
	[sflag:s16] =	ssyncset.done $0x0  }
0x3d1: {  	v17 =	vshrl.u32 v17, $0x3;
	[sflag:s16] =	ssyncadd.s32 $0xFFFFFC00  }
0x3d2: {  	v17 =	vshll.u32 v17, v1;
	_ =	swait.ge [sflag:s1], $0x1000  }
0x3d3: {  	v17 =	vbroadcast v17, $0x0;
	[sflag:s1] =	ssyncset.done $0x0  }
0x3d4: {  	s18 =	simm.s32 $0x7480;
	[sflag:s1] =	ssyncadd.s32 $0xFFFFF000  }
0x3d5: {  	v19 =	vor.u32 v0, v17;
	v18 =	vld [tilespmem:s18+$0xFFFFFF80]  }
0x3d6: {  	s24 =	simm.s32 $0x1;
	v17 =	vor.u32 v2, v17;
	v20 =	vld [tilespmem:s18+$0xFFFFFF90]  }
0x3d7: {  	v57 =	vmov s24  }
0x3d8: {  	v21 =	vshrl.u32 v57, $0x3  }
0x3d9: {  	v21 =	vshll.u32 v21, v1  }
0x3da: {  	[tilespmem:v19+s12+$0x0] =	vst.idx.msk $0xffff, v18;
	v18 =	vbroadcast v21, $0x0  }
0x3db: {  	[tilespmem:v17+s12+$0x0] =	vst.idx.msk $0xffff, v20  }
0x3dc: {  	v17 =	vld [tilespmem:s18+$0xFFFFFFA0];
	v19 =	vadd.s32 v3, v18  }
0x3dd: {  	s25 =	simm.s32 $0x2;
	v20 =	vld [tilespmem:s18+$0xFFFFFFB0];
	v18 =	vadd.s32 v4, v18  }
0x3de: {  	v58 =	vmov s25  }
0x3df: {  	v21 =	vshrl.u32 v58, $0x3  }
0x3e0: {  	v21 =	vshll.u32 v21, v1  }
0x3e1: {  	[tilespmem:v19+s12+$0x0] =	vst.idx.msk $0xffff, v17;
	v17 =	vbroadcast v21, $0x0  }
0x3e2: {  	[tilespmem:v18+s12+$0x0] =	vst.idx.msk $0xffff, v20  }
0x3e3: {  	v18 =	vld [tilespmem:s18+$0xFFFFFFC0];
	v19 =	vadd.s32 v5, v17  }
0x3e4: {  	s20 =	simm.s32 $0x3;
	v20 =	vld [tilespmem:s18+$0xFFFFFFD0];
	v17 =	vadd.s32 v6, v17  }
0x3e5: {  	v59 =	vmov s20  }
0x3e6: {  	v21 =	vshrl.u32 v59, $0x3  }
0x3e7: {  	v21 =	vshll.u32 v21, v1  }
0x3e8: {  	[tilespmem:v19+s12+$0x0] =	vst.idx.msk $0xffff, v18;
	v18 =	vbroadcast v21, $0x0  }
0x3e9: {  	[tilespmem:v17+s12+$0x0] =	vst.idx.msk $0xffff, v20  }
0x3ea: {  	v17 =	vld [tilespmem:s18+$0xFFFFFFE0];
	v19 =	vadd.s32 v7, v18  }
0x3eb: {  	s21 =	simm.s32 $0x4;
	v20 =	vld [tilespmem:s18+$0xFFFFFFF0];
	v18 =	vadd.s32 v8, v18  }
0x3ec: {  	v60 =	vmov s21  }
0x3ed: {  	v21 =	vshrl.u32 v60, $0x3  }
0x3ee: {  	v21 =	vshll.u32 v21, v1  }
0x3ef: {  	[tilespmem:v19+s12+$0x0] =	vst.idx.msk $0xffff, v17;
	v17 =	vbroadcast v21, $0x0  }
0x3f0: {  	[tilespmem:v18+s12+$0x0] =	vst.idx.msk $0xffff, v20  }
0x3f1: {  	v18 =	vld [tilespmem:s18+$0x0];
	v19 =	vadd.s32 v9, v17  }
0x3f2: {  	s22 =	simm.s32 $0x5;
	v20 =	vld [tilespmem:s18+$0x10];
	v17 =	vadd.s32 v10, v17  }
0x3f3: {  	v61 =	vmov s22  }
0x3f4: {  	v21 =	vshrl.u32 v61, $0x3  }
0x3f5: {  	v21 =	vshll.u32 v21, v1  }
0x3f6: {  	[tilespmem:v19+s12+$0x0] =	vst.idx.msk $0xffff, v18;
	v18 =	vbroadcast v21, $0x0  }
0x3f7: {  	[tilespmem:v17+s12+$0x0] =	vst.idx.msk $0xffff, v20  }
0x3f8: {  	v17 =	vld [tilespmem:s18+$0x20];
	v19 =	vadd.s32 v11, v18  }
0x3f9: {  	s23 =	simm.s32 $0x6;
	v20 =	vld [tilespmem:s18+$0x30];
	v18 =	vadd.s32 v12, v18  }
0x3fa: {  	v62 =	vmov s23  }
0x3fb: {  	v21 =	vshrl.u32 v62, $0x3  }
0x3fc: {  	v21 =	vshll.u32 v21, v1  }
0x3fd: {  	[tilespmem:v19+s12+$0x0] =	vst.idx.msk $0xffff, v17;
	v17 =	vbroadcast v21, $0x0  }
0x3fe: {  	[tilespmem:v18+s12+$0x0] =	vst.idx.msk $0xffff, v20  }
0x3ff: {  	v18 =	vld [tilespmem:s18+$0x40];
	v19 =	vadd.s32 v13, v17  }
0x400: {  	s24 =	simm.s32 $0x7;
	v20 =	vld [tilespmem:s18+$0x50];
	v17 =	vadd.s32 v14, v17  }
0x401: {  	v63 =	vmov s24  }
0x402: {  	v21 =	vshrl.u32 v63, $0x3  }
0x403: {  	v21 =	vshll.u32 v21, v1  }
0x404: {  	[tilespmem:v19+s12+$0x0] =	vst.idx.msk $0xffff, v18;
	v18 =	vbroadcast v21, $0x0  }
0x405: {  	s25 =	simm.s32 $0x8;
	[tilespmem:v17+s12+$0x0] =	vst.idx.msk $0xffff, v20  }
0x406: {  	v17 =	vmov s25;
	v20 =	vld [tilespmem:s18+$0x60];
	v21 =	vadd.s32 v15, v18  }
0x407: {  	v19 =	vshrl.u32 v17, $0x3  }
0x408: {  	v17 =	vld [tilespmem:s18+$0x70];
	v22 =	vshll.u32 v19, v1;
	v19 =	vadd.s32 v16, v18;
	_ =	sdelay $0x2  }
0x409: {  	s19 =	simm.s32 $0xF;
	s20 =	simm.s32 $0x17;
	v18 =	vbroadcast v22, $0x0;
	[tilespmem:v21+s12+$0x0] =	vst.idx.msk $0xffff, v20  }
.LBB2_14:
0x40a: {  	p0 =	sne.s32 s20, $0x7F  }
0x40b: {  	[tilespmem:v19+s12+$0x0] =	vst.idx.msk $0xffff, v17;
	s18 =	sadd.s32 $0x100, s18;
	s21 =	smov.u32 s20;
	s20 =	sadd.s32 $0x8, s20  }
0x40c: {  	v17 =	vld [tilespmem:s18+$0xFFFFFF80];
	v19 =	vor.u32 v0, v18  }
0x40d: {  	s22 =	sadd.s32 $0xFFFFFFFA, s19;
	v18 =	vor.u32 v2, v18;
	v20 =	vld [tilespmem:s18+$0xFFFFFF90]  }
0x40e: {  	v21 =	vmov s22  }
0x40f: {  	v21 =	vshrl.u32 v21, $0x3  }
0x410: {  	v21 =	vshll.u32 v21, v1  }
0x411: {  	[tilespmem:v19+s12+$0x0] =	vst.idx.msk $0xffff, v17;
	v17 =	vbroadcast v21, $0x0  }
0x412: {  	[tilespmem:v18+s12+$0x0] =	vst.idx.msk $0xffff, v20  }
0x413: {  	v18 =	vld [tilespmem:s18+$0xFFFFFFA0];
	v19 =	vadd.s32 v3, v17  }
0x414: {  	s22 =	sadd.s32 $0xFFFFFFFB, s19;
	v17 =	vadd.s32 v4, v17;
	v20 =	vld [tilespmem:s18+$0xFFFFFFB0]  }
0x415: {  	v21 =	vmov s22  }
0x416: {  	v21 =	vshrl.u32 v21, $0x3  }
0x417: {  	v21 =	vshll.u32 v21, v1  }
0x418: {  	[tilespmem:v19+s12+$0x0] =	vst.idx.msk $0xffff, v18;
	v18 =	vbroadcast v21, $0x0  }
0x419: {  	[tilespmem:v17+s12+$0x0] =	vst.idx.msk $0xffff, v20  }
0x41a: {  	v17 =	vld [tilespmem:s18+$0xFFFFFFC0];
	v19 =	vadd.s32 v5, v18  }
0x41b: {  	s22 =	sadd.s32 $0xFFFFFFFC, s19;
	v18 =	vadd.s32 v6, v18;
	v20 =	vld [tilespmem:s18+$0xFFFFFFD0]  }
0x41c: {  	v21 =	vmov s22  }
0x41d: {  	v21 =	vshrl.u32 v21, $0x3  }
0x41e: {  	v21 =	vshll.u32 v21, v1  }
0x41f: {  	[tilespmem:v19+s12+$0x0] =	vst.idx.msk $0xffff, v17;
	v17 =	vbroadcast v21, $0x0  }
0x420: {  	[tilespmem:v18+s12+$0x0] =	vst.idx.msk $0xffff, v20  }
0x421: {  	v18 =	vld [tilespmem:s18+$0xFFFFFFE0];
	v19 =	vadd.s32 v7, v17  }
0x422: {  	s22 =	sadd.s32 $0xFFFFFFFD, s19;
	v17 =	vadd.s32 v8, v17;
	v20 =	vld [tilespmem:s18+$0xFFFFFFF0]  }
0x423: {  	v21 =	vmov s22  }
0x424: {  	v21 =	vshrl.u32 v21, $0x3  }
0x425: {  	v21 =	vshll.u32 v21, v1  }
0x426: {  	[tilespmem:v19+s12+$0x0] =	vst.idx.msk $0xffff, v18;
	v18 =	vbroadcast v21, $0x0  }
0x427: {  	[tilespmem:v17+s12+$0x0] =	vst.idx.msk $0xffff, v20  }
0x428: {  	v17 =	vld [tilespmem:s18+$0x0];
	v19 =	vadd.s32 v9, v18  }
0x429: {  	s22 =	sadd.s32 $0xFFFFFFFE, s19;
	v18 =	vadd.s32 v10, v18;
	v20 =	vld [tilespmem:s18+$0x10]  }
0x42a: {  	v21 =	vmov s22  }
0x42b: {  	v21 =	vshrl.u32 v21, $0x3  }
0x42c: {  	v21 =	vshll.u32 v21, v1  }
0x42d: {  	[tilespmem:v19+s12+$0x0] =	vst.idx.msk $0xffff, v17;
	v17 =	vbroadcast v21, $0x0  }
0x42e: {  	[tilespmem:v18+s12+$0x0] =	vst.idx.msk $0xffff, v20  }
0x42f: {  	v18 =	vld [tilespmem:s18+$0x20];
	v19 =	vadd.s32 v11, v17  }
0x430: {  	s22 =	sadd.s32 $0xFFFFFFFF, s19;
	v17 =	vadd.s32 v12, v17;
	v20 =	vld [tilespmem:s18+$0x30]  }
0x431: {  	v21 =	vmov s22  }
0x432: {  	v21 =	vshrl.u32 v21, $0x3  }
0x433: {  	v21 =	vshll.u32 v21, v1  }
0x434: {  	[tilespmem:v19+s12+$0x0] =	vst.idx.msk $0xffff, v18;
	v18 =	vbroadcast v21, $0x0  }
0x435: {  	[tilespmem:v17+s12+$0x0] =	vst.idx.msk $0xffff, v20  }
0x436: {  	v17 =	vld [tilespmem:s18+$0x40];
	v19 =	vadd.s32 v13, v18  }
0x437: {  	v18 =	vadd.s32 v14, v18;
	v20 =	vld [tilespmem:s18+$0x50]  }
0x438: {  	v21 =	vmov s19;
	s19 =	smov.u32 s21  }
0x439: {  	v21 =	vshrl.u32 v21, $0x3  }
0x43a: {  	v21 =	vshll.u32 v21, v1  }
0x43b: {  	[tilespmem:v19+s12+$0x0] =	vst.idx.msk $0xffff, v17;
	v19 =	vbroadcast v21, $0x0  }
0x43c: {  	[tilespmem:v18+s12+$0x0] =	vst.idx.msk $0xffff, v20  }
0x43d: {  	v20 =	vld [tilespmem:s18+$0x60];
	v21 =	vadd.s32 v15, v19  }
.Ltmp6:
0x43e: {  	s21 =	sadd.s32 $0xFFFFFFF9, s19;
	v19 =	vadd.s32 v16, v19;
	v17 =	vld [tilespmem:s18+$0x70];
	(pc) =	sbr.rel @p0 .LBB2_14-.Ltmp6, $4  }
0x43f: {  	v18 =	vmov s21  }
0x440: {  	v18 =	vshrl.u32 v18, $0x3  }
0x441: {  	v18 =	vshll.u32 v18, v1  }
0x442: {  	v18 =	vbroadcast v18, $0x0;
	[tilespmem:v21+s12+$0x0] =	vst.idx.msk $0xffff, v20  }
0x443: {  	_ =	sdelay $0x3  }
0x444: {  	[tilespmem:v19+s12+$0x0] =	vst.idx.msk $0xffff, v17;
	s18 =	sadd.s32 $0x100, s18  }
0x445: {  	v17 =	vld [tilespmem:s18+$0xFFFFFF80];
	v19 =	vor.u32 v0, v18  }
0x446: {  	s20 =	sadd.s32 $0xFFFFFFFA, s19;
	v20 =	vld [tilespmem:s18+$0xFFFFFF90];
	v18 =	vor.u32 v2, v18  }
0x447: {  	v21 =	vmov s20  }
0x448: {  	v21 =	vshrl.u32 v21, $0x3  }
0x449: {  	v21 =	vshll.u32 v21, v1  }
0x44a: {  	[tilespmem:v19+s12+$0x0] =	vst.idx.msk $0xffff, v17;
	v17 =	vbroadcast v21, $0x0  }
0x44b: {  	[tilespmem:v18+s12+$0x0] =	vst.idx.msk $0xffff, v20  }
0x44c: {  	v18 =	vld [tilespmem:s18+$0xFFFFFFA0];
	v19 =	vadd.s32 v3, v17  }
0x44d: {  	s22 =	sadd.s32 $0xFFFFFFFB, s19;
	v20 =	vld [tilespmem:s18+$0xFFFFFFB0];
	v17 =	vadd.s32 v4, v17  }
0x44e: {  	v58 =	vmov s22  }
0x44f: {  	v21 =	vshrl.u32 v58, $0x3  }
0x450: {  	v21 =	vshll.u32 v21, v1  }
0x451: {  	[tilespmem:v19+s12+$0x0] =	vst.idx.msk $0xffff, v18;
	v18 =	vbroadcast v21, $0x0  }
0x452: {  	[tilespmem:v17+s12+$0x0] =	vst.idx.msk $0xffff, v20  }
0x453: {  	v17 =	vld [tilespmem:s18+$0xFFFFFFC0];
	v19 =	vadd.s32 v5, v18  }
0x454: {  	s23 =	sadd.s32 $0xFFFFFFFC, s19;
	v20 =	vld [tilespmem:s18+$0xFFFFFFD0];
	v18 =	vadd.s32 v6, v18  }
0x455: {  	v59 =	vmov s23  }
0x456: {  	v21 =	vshrl.u32 v59, $0x3  }
0x457: {  	v21 =	vshll.u32 v21, v1  }
0x458: {  	[tilespmem:v19+s12+$0x0] =	vst.idx.msk $0xffff, v17;
	v17 =	vbroadcast v21, $0x0  }
0x459: {  	[tilespmem:v18+s12+$0x0] =	vst.idx.msk $0xffff, v20  }
0x45a: {  	v18 =	vld [tilespmem:s18+$0xFFFFFFE0];
	v19 =	vadd.s32 v7, v17  }
0x45b: {  	s24 =	sadd.s32 $0xFFFFFFFD, s19;
	v20 =	vld [tilespmem:s18+$0xFFFFFFF0];
	v17 =	vadd.s32 v8, v17  }
0x45c: {  	v60 =	vmov s24  }
0x45d: {  	v21 =	vshrl.u32 v60, $0x3  }
0x45e: {  	v21 =	vshll.u32 v21, v1  }
0x45f: {  	[tilespmem:v19+s12+$0x0] =	vst.idx.msk $0xffff, v18;
	v18 =	vbroadcast v21, $0x0  }
0x460: {  	[tilespmem:v17+s12+$0x0] =	vst.idx.msk $0xffff, v20  }
0x461: {  	v17 =	vld [tilespmem:s18+$0x0];
	v19 =	vadd.s32 v9, v18  }
0x462: {  	s25 =	sadd.s32 $0xFFFFFFFE, s19;
	v20 =	vld [tilespmem:s18+$0x10];
	v18 =	vadd.s32 v10, v18  }
0x463: {  	v61 =	vmov s25  }
0x464: {  	v21 =	vshrl.u32 v61, $0x3  }
0x465: {  	v21 =	vshll.u32 v21, v1  }
0x466: {  	[tilespmem:v19+s12+$0x0] =	vst.idx.msk $0xffff, v17;
	v17 =	vbroadcast v21, $0x0  }
0x467: {  	[tilespmem:v18+s12+$0x0] =	vst.idx.msk $0xffff, v20  }
0x468: {  	v18 =	vld [tilespmem:s18+$0x20];
	v19 =	vadd.s32 v11, v17  }
0x469: {  	s21 =	sadd.s32 $0xFFFFFFFF, s19;
	v20 =	vld [tilespmem:s18+$0x30];
	v17 =	vadd.s32 v12, v17  }
0x46a: {  	v62 =	vmov s21  }
0x46b: {  	v21 =	vshrl.u32 v62, $0x3  }
0x46c: {  	v21 =	vshll.u32 v21, v1  }
0x46d: {  	[tilespmem:v19+s12+$0x0] =	vst.idx.msk $0xffff, v18;
	v18 =	vbroadcast v21, $0x0  }
0x46e: {  	[tilespmem:v17+s12+$0x0] =	vst.idx.msk $0xffff, v20  }
0x46f: {  	v17 =	vld [tilespmem:s18+$0x40];
	v19 =	vadd.s32 v13, v18  }
0x470: {  	v20 =	vld [tilespmem:s18+$0x50];
	v18 =	vadd.s32 v14, v18  }
0x471: {  	v63 =	vmov s19  }
0x472: {  	v21 =	vshrl.u32 v63, $0x3  }
0x473: {  	v21 =	vshll.u32 v21, v1  }
0x474: {  	[tilespmem:v19+s12+$0x0] =	vst.idx.msk $0xffff, v17;
	v17 =	vbroadcast v21, $0x0  }
0x475: {  	[tilespmem:v18+s12+$0x0] =	vst.idx.msk $0xffff, v20  }
0x476: {  	v18 =	vld [tilespmem:s18+$0x60];
	v19 =	vadd.s32 v15, v17  }
0x477: {  	v20 =	vld [tilespmem:s18+$0x70];
	v17 =	vadd.s32 v16, v17;
	_ =	sdelay $0x3  }
0x478: {  	[tilespmem:v19+s12+$0x0] =	vst.idx.msk $0xffff, v18  }
0x479: {  	s22 =	rddreg [dreg:$0x11];
	[tilespmem:v17+s12+$0x0] =	vst.idx.msk $0xffff, v20  }
0x47a: {  	[hbm4b:s22+s3] =	stream.linear.scatter [tilespmem:s12], [sflag:$0x2], $0x400, $0x38;
	[tilespmem:$0xA400] =	vst v63  }
0x47b: {  	s23 =	rddreg [dreg:$0x12]  }
0x47c: {  	[hbm4b:s23+s3] =	stream.linear.scatter [tilespmem:s13], [sflag:$0x2], $0x400, $0x38;
	[tilespmem:$0xA400] =	vst v63  }
0x47d: {  	s24 =	rddreg [dreg:$0x13]  }
0x47e: {  	[hbm4b:s24+s3] =	stream.linear.scatter [tilespmem:s14], [sflag:$0x2], $0x400, $0x38;
	[tilespmem:$0xA400] =	vst v63  }
0x47f: {  	s25 =	rddreg [dreg:$0x14]  }
0x480: {  	[hbm4b:s25+s3] =	stream.linear.scatter [tilespmem:s15], [sflag:$0x2], $0x400, $0x38;
	[tilespmem:$0xA400] =	vst v63  }
0x481: {  	_ =	swait.ge [sflag:s16], $0x400  }
0x482: {  	[sflag:s16] =	ssyncset.done $0x0  }
0x483: {  	[sflag:s16] =	ssyncadd.s32 $0xFFFFFC00  }
0x484: {  	_ =	swait.ge [sflag:s16], $0x400  }
0x485: {  	[sflag:s16] =	ssyncset.done $0x0  }
0x486: {  	[sflag:s16] =	ssyncadd.s32 $0xFFFFFC00  }
0x487: {  	_ =	swait.ge [sflag:s16], $0x400  }
0x488: {  	[sflag:s16] =	ssyncset.done $0x0  }
0x489: {  	[sflag:s16] =	ssyncadd.s32 $0xFFFFFC00  }
0x48a: {  	_ =	swait.ge [sflag:s16], $0x400  }
0x48b: {  	[sflag:s16] =	ssyncset.done $0x0  }
0x48c: {  	[sflag:s16] =	ssyncadd.s32 $0xFFFFFC00  }
0x48d: {  	_ =	swait.ge [sflag:s16], $0x400  }
0x48e: {  	[sflag:s16] =	ssyncset.done $0x0  }
0x48f: {  	[sflag:s16] =	ssyncadd.s32 $0xFFFFFC00  }
0x490: {  	_ =	swait.ge [sflag:s16], $0x400  }
0x491: {  	[sflag:s16] =	ssyncset.done $0x0  }
0x492: {  	s17 =	sadd.s32 $0x1, s17;
	[sflag:s16] =	ssyncadd.s32 $0xFFFFFC00  }
0x493: {  	p0 =	sne.s32 s17, s26;
	_ =	swait.ge [sflag:s16], $0x400  }
.Ltmp7:
0x494: {  	[sflag:s16] =	ssyncset.done $0x0;
	(pc) =	sbr.rel @p0 .LBB2_1-.Ltmp7, $4  }
0x495: {  	[sflag:s16] =	ssyncadd.s32 $0xFFFFFC00  }
0x496: {  	_ =	swait.ge [sflag:s16], $0x400  }
0x497: {  	[sflag:s16] =	ssyncset.done $0x0  }
0x498: {  	[sflag:s16] =	ssyncadd.s32 $0xFFFFFC00  }
0x499: {  	_ =	sfence.sel $0x180000  }
0x49a: {  	[bflag:$0x0] =	sbarrier.arrive $0xFFFF  }
0x49b: {  	_ =	strace $0x90000047  }
0x49c: {  	s0 =	stileid.u32;
	[bflag:$0x2] =	sbarrier.arrive $0xFFFF  }
0x49d: {  	p0 =	sne.s32 s0, $0x0;
	s0 =	rddreg [dreg:$0x3]  }
0x49e: {  	s0 =	sadd.s32 @!p0 $0x100000, s0  }
0x49f: {  	[sflag:s0] =	ssyncadd.tile.s32 @!p0 $0x1;
	_ =	shalt  }
.Lfunc_end2:
_tile_overlayer_lowered:
.L_overlay_start_2:
0x4a0: {  	(tag) =	ssettag $0x2  }
0x4a1: {  	s0 =	rddreg [dreg:$0x0];
	s2 =	stileid.u32  }
0x4a2: {  	s1 =	rddreg [dreg:$0x1];
	p0 =	sne.s32 s2, $0x0  }
0x4a3: {  	s3 =	rddreg [dreg:$0x2];
	[bflag:$0x3] =	sbarrier.arrive $0xFFFF;
	s2 =	simm.s32 @!p0 $0x1C03  }
0x4a4: {  	[timem:s3], [sflag:s2] =	dma.local @!p0 [hbm:s0], s1  }
0x4a5: {  	s0 =	simm.s32 @!p0 $0x3  }
0x4a6: {  	_ =	swait.ge @!p0 [sflag:s0], s1  }
0x4a7: {  	s1 =	ssub.s32 @!p0 $0x0, s1;
	[sflag:s0] =	ssyncset.done @!p0 $0x0  }
0x4a8: {  	[sflag:s0] =	ssyncadd.s32 @!p0 s1  }
0x4a9: {  	[bflag:$0x3] =	sbarrier.arrive $0xFFFF  }
0x4aa: {  	_ =	shalt  }

</sc_bundles>
